<compile_context>
chip_gen: v7x
topology: tpu7x:2x2x1
jax: 0.10.2.dev20260603
libtpu: 0.0.44.dev20260713+nightly
codegen_flags: <defaults>
</compile_context>

<pallas_src>
import functools
import math

import jax
import jax.numpy as jnp
from jax import lax
from jax.experimental import pallas as pl
from jax.experimental.pallas import tpu as pltpu
from jax.experimental.pallas import tpu_sc as plsc

N = 2048
E = 65536
D = 512
H = 8
DH = D // H


_NS = 16
_CH = 512
_NCHUNK = N // (2 * _CH)
_EPT = E // _NS
_DGRP = 128
_NDMA = _EPT // _DGRP
_CHW = _CH * N
_TZW = _CHW // _NS
_DUMP = _CHW
_ZW = 16384
_LANES = 16


def _count_body(row_hbm, col_hbm, c_hbm, rbuf, cbuf, idxbuf, ones, zbuf, spm,
                sem):
    c = lax.axis_index("c")
    s = lax.axis_index("s")
    zeros16 = jnp.zeros((_LANES,), jnp.float32)
    ones16 = jnp.full((_LANES,), 1.0, jnp.float32)

    def zinit(i, _):
        zbuf[pl.ds(i * _LANES, _LANES)] = zeros16
        return 0

    lax.fori_loop(0, _ZW // _LANES, zinit, 0)
    for i in range(_DGRP // _LANES):
        ones[pl.ds(i * _LANES, _LANES)] = ones16
    pltpu.sync_copy(row_hbm.at[pl.ds(s * _EPT, _EPT)], rbuf)
    pltpu.sync_copy(col_hbm.at[pl.ds(s * _EPT, _EPT)], cbuf)

    def spmem_chunk(chunk):
        base = (c * (N // 2)) + chunk * _CH
        descs = [
            pltpu.async_copy(
                zbuf, spm.at[pl.ds(s * _TZW + z * _ZW, _ZW)], sem)
            for z in range(_TZW // _ZW)
        ]
        for d in descs:
            d.wait()
        plsc.subcore_barrier()
        def istep(j, _):
            for t in range(_DGRP // _LANES):
                r = rbuf[pl.ds(j * _DGRP + t * _LANES, _LANES)]
                cc = cbuf[pl.ds(j * _DGRP + t * _LANES, _LANES)]
                rel = r - base
                ok = (rel >= 0) & (rel < _CH)
                idx = jnp.where(ok, rel * N + cc, _DUMP + cc)
                idxbuf[j, pl.ds(t * _LANES, _LANES)] = idx
            return 0

        lax.fori_loop(0, _NDMA, istep, 0)
        descs = [
            pltpu.async_copy(ones, spm.at[idxbuf.at[j]], sem, add=True)
            for j in range(_NDMA)
        ]
        for d in descs:
            d.wait()
        plsc.subcore_barrier()
        pltpu.sync_copy(
            spm.at[pl.ds(s * _TZW, _TZW)],
            c_hbm.at[pl.ds(base * N + s * _TZW, _TZW)],
        )
        plsc.subcore_barrier()

    for chunk in range(_NCHUNK):
        spmem_chunk(chunk)


@functools.partial(
    pl.kernel,
    out_type=jax.ShapeDtypeStruct((N * N,), jnp.float32),
    mesh=plsc.VectorSubcoreMesh(core_axis_name="c", subcore_axis_name="s"),
    compiler_params=pltpu.CompilerParams(needs_layout_passes=False),
    scratch_types=[
        pltpu.VMEM((_EPT,), jnp.int32),
        pltpu.VMEM((_EPT,), jnp.int32),
        pltpu.VMEM((_NDMA, _DGRP), jnp.int32),
        pltpu.VMEM((_DGRP,), jnp.float32),
        pltpu.VMEM((_ZW,), jnp.float32),
        pltpu.VMEM_SHARED((_CHW + N,), jnp.float32),
        pltpu.SemaphoreType.DMA,
    ],
)
def _count_kernel(row_hbm, col_hbm, c_hbm, rbuf, cbuf, idxbuf, ones, zbuf, spm,
                  sem):
    _count_body(row_hbm, col_hbm, c_hbm, rbuf, cbuf, idxbuf, ones, zbuf, spm,
                sem)



_BR = 512


_DNT = (((1,), (1,)), ((), ()))


def _qkv_body(x_ref, wq_ref, wk_ref, wv_ref, b_ref, o_ref):
    x = x_ref[...]
    b = b_ref[...]
    o_ref[:, 0:D] = lax.dot_general(
        x, wq_ref[...], _DNT, preferred_element_type=jnp.float32) + b[:, 0:D]
    o_ref[:, D:2 * D] = lax.dot_general(
        x, wk_ref[...], _DNT, preferred_element_type=jnp.float32) + b[:, D:2 * D]
    o_ref[:, 2 * D:] = lax.dot_general(
        x, wv_ref[...], _DNT, preferred_element_type=jnp.float32) + b[:, 2 * D:]


def _attn_core(qkv_ref, c_ref, wo_ref, bo_ref):
    i = pl.program_id(0)
    cb = c_ref[...]
    neg = jnp.where(cb > 0.0, jnp.float32(0.0), jnp.float32(-10000.0))
    qs = qkv_ref[pl.ds(i * _BR, _BR), 0:D] * jnp.float32(1.0 / math.sqrt(DH))
    outs = []
    for h in range(H):
        qh = qs[:, h * DH:(h + 1) * DH]
        kh = qkv_ref[:, D + h * DH:D + (h + 1) * DH]
        s = lax.dot_general(
            qh, kh, (((1,), (1,)), ((), ())),
            preferred_element_type=jnp.float32,
        ) + neg
        pexp = jnp.exp(s)
        denom = jnp.sum(pexp, axis=1, keepdims=True)
        pw = pexp * cb
        rden = 1.0 / jnp.maximum(denom, jnp.float32(1e-30))
        outs.append(
            jnp.dot(pw, qkv_ref[:, 2 * D + h * DH:2 * D + (h + 1) * DH],
                    preferred_element_type=jnp.float32) * rden
        )
    concat = jnp.concatenate(outs, axis=1)
    return (
        lax.dot_general(concat, wo_ref[...], _DNT,
                        preferred_element_type=jnp.float32)
        + bo_ref[...]
    )


def _attn_body(qkv_ref, c_ref, wo_ref, bo_ref, o_ref):
    o_ref[...] = _attn_core(qkv_ref, c_ref, wo_ref, bo_ref)


def _attn_qkv_body(qkv_ref, c_ref, wo_ref, bo_ref, wq_ref, wk_ref, wv_ref,
                   b_ref, o_ref):
    x = _attn_core(qkv_ref, c_ref, wo_ref, bo_ref)
    b = b_ref[...]
    o_ref[:, 0:D] = lax.dot_general(
        x, wq_ref[...], _DNT, preferred_element_type=jnp.float32) + b[:, 0:D]
    o_ref[:, D:2 * D] = lax.dot_general(
        x, wk_ref[...], _DNT, preferred_element_type=jnp.float32) + b[:, D:2 * D]
    o_ref[:, 2 * D:] = lax.dot_general(
        x, wv_ref[...], _DNT, preferred_element_type=jnp.float32) + b[:, 2 * D:]


def _qkv_call(x, wq, wk, wv, b):
    return pl.pallas_call(
        _qkv_body,
        grid=(N // _BR,),
        in_specs=[
            pl.BlockSpec((_BR, D), lambda i: (i, 0)),
            pl.BlockSpec((D, D), lambda i: (0, 0)),
            pl.BlockSpec((D, D), lambda i: (0, 0)),
            pl.BlockSpec((D, D), lambda i: (0, 0)),
            pl.BlockSpec((1, 3 * D), lambda i: (0, 0)),
        ],
        out_specs=pl.BlockSpec((_BR, 3 * D), lambda i: (i, 0)),
        out_shape=jax.ShapeDtypeStruct((N, 3 * D), jnp.float32),
    )(x, wq, wk, wv, b)


def _attn_call(qkv, c, wo, bo):
    return pl.pallas_call(
        _attn_body,
        grid=(N // _BR,),
        in_specs=[
            pl.BlockSpec((N, 3 * D), lambda i: (0, 0)),
            pl.BlockSpec((_BR, N), lambda i: (i, 0)),
            pl.BlockSpec((D, D), lambda i: (0, 0)),
            pl.BlockSpec((1, D), lambda i: (0, 0)),
        ],
        out_specs=pl.BlockSpec((_BR, D), lambda i: (i, 0)),
        out_shape=jax.ShapeDtypeStruct((N, D), jnp.float32),
    )(qkv, c, wo, bo)


def _attn_qkv_call(qkv, c, wo, bo, wq, wk, wv, b):
    return pl.pallas_call(
        _attn_qkv_body,
        grid=(N // _BR,),
        in_specs=[
            pl.BlockSpec((N, 3 * D), lambda i: (0, 0)),
            pl.BlockSpec((_BR, N), lambda i: (i, 0)),
            pl.BlockSpec((D, D), lambda i: (0, 0)),
            pl.BlockSpec((1, D), lambda i: (0, 0)),
            pl.BlockSpec((D, D), lambda i: (0, 0)),
            pl.BlockSpec((D, D), lambda i: (0, 0)),
            pl.BlockSpec((D, D), lambda i: (0, 0)),
            pl.BlockSpec((1, 3 * D), lambda i: (0, 0)),
        ],
        out_specs=pl.BlockSpec((_BR, 3 * D), lambda i: (i, 0)),
        out_shape=jax.ShapeDtypeStruct((N, 3 * D), jnp.float32),
    )(qkv, c, wo, bo, wq, wk, wv, b)


def kernel(feats, edge_index, params):
    row = edge_index[:, 0]
    col = edge_index[:, 1]
    counts = _count_kernel(row, col).reshape(N, N)
    p0, p1 = params
    b0 = jnp.concatenate([p0["bq"], p0["bk"], p0["bv"]])[None, :]
    b1 = jnp.concatenate([p1["bq"], p1["bk"], p1["bv"]])[None, :]
    qkv1 = _qkv_call(feats, p0["Wq"], p0["Wk"], p0["Wv"], b0)
    return qkv1[:, :D] + counts[:, :D]

# --- scband reference (transcript-rebuilt; emitter-appended) ---
"""Pipeline reference for scband-gnnre-id-31619549233289 (READ-ONLY COPY).

The authoritative reference and input builder live on the scoring server;
editing this copy changes nothing except your own understanding.
"""

import jax, jax.numpy as jnp
import numpy as np
import math

N = 2048
E = 65536
D = 512
H = 8
DH = D // H
L = 2


def setup_inputs(seed: int = 0) -> dict:
    key = jax.random.key(seed)
    ks = jax.random.split(key, 2 + 4 * L)
    feats = jax.random.normal(ks[0], (N, D), dtype=jnp.float32)
    edge_index = jax.random.randint(ks[1], (E, 2), 0, N, dtype=jnp.int32)
    params = []
    std = math.sqrt(2.0 / (D + D))
    for i in range(L):
        kq, kk, kv, ko = jax.random.split(ks[2 + i], 4)
        params.append({
            'Wq': jax.random.normal(kq, (D, D), dtype=jnp.float32) * std,
            'bq': jnp.zeros((D,), dtype=jnp.float32),
            'Wk': jax.random.normal(kk, (D, D), dtype=jnp.float32) * std,
            'bk': jnp.zeros((D,), dtype=jnp.float32),
            'Wv': jax.random.normal(kv, (D, D), dtype=jnp.float32) * std,
            'bv': jnp.zeros((D,), dtype=jnp.float32),
            'Wo': jax.random.normal(ko, (D, D), dtype=jnp.float32) * std,
            'bo': jnp.zeros((D,), dtype=jnp.float32),
        })
    return {'feats': feats, 'edge_index': edge_index, 'params': params}


def _layer(feats, edge_index, p):
    n = feats.shape[0]
    row = edge_index[:, 0]
    col = edge_index[:, 1]
    q = (feats @ p['Wq'].T + p['bq']).reshape(n, H, DH).transpose(1, 0, 2)
    k = (feats @ p['Wk'].T + p['bk']).reshape(n, H, DH).transpose(1, 0, 2)
    v = (feats @ p['Wv'].T + p['bv']).reshape(n, H, DH).transpose(1, 0, 2)
    scores = jnp.einsum('hnd,hmd->hnm', q, k) / math.sqrt(DH)
    mask = jnp.zeros((n, n), dtype=jnp.float32).at[row, col].set(1.0)
    scores = jnp.where(mask[None, :, :] == 0, jnp.float32(-10000.0), scores)
    attn = jax.nn.softmax(scores, axis=-1)
    # dropout is identity in eval mode
    s = attn[:, row, col]  # (H, E)
    msg = s[:, :, None] * v[:, col]  # (H, E, DH)
    agg = jax.vmap(lambda m: jax.ops.segment_sum(m, row, num_segments=n))(msg)  # (H, n, DH)
    concat = agg.transpose(1, 0, 2).reshape(n, H * DH)
    return concat @ p['Wo'].T + p['bo']


def reference(feats, edge_index, params):
    x = feats
    for p in params:
        x = _layer(x, edge_index, p)
    return x

if __name__ == "__main__":
    import jax
    _d = setup_inputs()
    print(jax.jit(kernel)(*tuple(_d.values())))

</pallas_src>

<mosaic_0001>
#map = affine_map<(d0, d1) -> (0)>
module attributes {stable_mosaic.version = 14 : i64} {
  func.func @_count_kernel(%arg0: i32, %arg1: i32, %arg2: memref<65536xi32, #tpu.memory_space<hbm>>, %arg3: memref<65536xi32, #tpu.memory_space<hbm>>, %arg4: memref<4194304xf32, #tpu.memory_space<hbm>>, %arg5: memref<4096xi32, #tpu.memory_space<vmem>>, %arg6: memref<4096xi32, #tpu.memory_space<vmem>>, %arg7: memref<32x128xi32, #tpu.memory_space<vmem>>, %arg8: memref<128xf32, #tpu.memory_space<vmem>>, %arg9: memref<16384xf32, #tpu.memory_space<vmem>>, %arg10: memref<1050624xf32, #tpu.memory_space<vmem_shared>>, %arg11: memref<!tpu.dma_semaphore, #tpu.memory_space<semaphore_mem>>) attributes {dimension_semantics = [#tpu.dimension_semantics<core_parallel>, #tpu.dimension_semantics<subcore_parallel>], iteration_bounds = array<i64: 2, 16>, scalar_prefetch = 0 : i64, scratch_operands = 7 : i64, tpu.core_type = #tpu.core_type<sc_vector_subcore>, window_params = [{transform_indices = #map}, {transform_indices = #map}, {transform_indices = #map}]} {
    %broadcast_in_dim3A = arith.constant 0.000000e+00 : f32
    %broadcast_in_dim3A_0 = vector.broadcast %broadcast_in_dim3A : f32 to vector<16xf32>
    %broadcast_in_dim3A_1 = arith.constant 1.000000e+00 : f32
    %broadcast_in_dim3A_2 = vector.broadcast %broadcast_in_dim3A_1 : f32 to vector<16xf32>
    %scan3A = arith.constant 0 : i32
    %scan3A_3 = arith.constant 0 : i32
    %scan3A_4 = arith.constant 1024 : i32
    %scan3A_5 = arith.addi %scan3A_3, %scan3A_4 : i32
    %scan3A_6 = arith.constant 1 : i32
    %scan3A_7 = scf.for %scan3A_897 = %scan3A_3 to %scan3A_5 step %scan3A_6 iter_args(%scan3A_898 = %scan3A) -> (i32)  : i32 {
      %mul3A_899 = arith.constant 16 : i32
      %mul3A_900 = arith.muli %scan3A_897, %mul3A_899 : i32
      %swap3A_901 = arith.index_cast %mul3A_900 : i32 to index
      %swap3A_902 = tpu.vector_load %arg9[%swap3A_901] {strides = array<i32>} : memref<16384xf32, #tpu.memory_space<vmem>>, vector<16xf32>,
      tpu.vector_store %arg9[%swap3A_901], %broadcast_in_dim3A_0 {strides = array<i32>} : memref<16384xf32, #tpu.memory_space<vmem>>, vector<16xf32>,
      %scan3A_903 = arith.constant 0 : i32
      scf.yield %scan3A_903 : i32
    }
    %scan3A_8 = arith.constant 1024 : i32
    %swap3A = arith.constant 0 : index
    %swap3A_9 = tpu.vector_load %arg8[%swap3A] {strides = array<i32>} : memref<128xf32, #tpu.memory_space<vmem>>, vector<16xf32>,
    tpu.vector_store %arg8[%swap3A], %broadcast_in_dim3A_2 {strides = array<i32>} : memref<128xf32, #tpu.memory_space<vmem>>, vector<16xf32>,
    %swap3A_10 = arith.constant 16 : index
    %swap3A_11 = tpu.vector_load %arg8[%swap3A_10] {strides = array<i32>} : memref<128xf32, #tpu.memory_space<vmem>>, vector<16xf32>,
    tpu.vector_store %arg8[%swap3A_10], %broadcast_in_dim3A_2 {strides = array<i32>} : memref<128xf32, #tpu.memory_space<vmem>>, vector<16xf32>,
    %swap3A_12 = arith.constant 32 : index
    %swap3A_13 = tpu.vector_load %arg8[%swap3A_12] {strides = array<i32>} : memref<128xf32, #tpu.memory_space<vmem>>, vector<16xf32>,
    tpu.vector_store %arg8[%swap3A_12], %broadcast_in_dim3A_2 {strides = array<i32>} : memref<128xf32, #tpu.memory_space<vmem>>, vector<16xf32>,
    %swap3A_14 = arith.constant 48 : index
    %swap3A_15 = tpu.vector_load %arg8[%swap3A_14] {strides = array<i32>} : memref<128xf32, #tpu.memory_space<vmem>>, vector<16xf32>,
    tpu.vector_store %arg8[%swap3A_14], %broadcast_in_dim3A_2 {strides = array<i32>} : memref<128xf32, #tpu.memory_space<vmem>>, vector<16xf32>,
    %swap3A_16 = arith.constant 64 : index
    %swap3A_17 = tpu.vector_load %arg8[%swap3A_16] {strides = array<i32>} : memref<128xf32, #tpu.memory_space<vmem>>, vector<16xf32>,
    tpu.vector_store %arg8[%swap3A_16], %broadcast_in_dim3A_2 {strides = array<i32>} : memref<128xf32, #tpu.memory_space<vmem>>, vector<16xf32>,
    %swap3A_18 = arith.constant 80 : index
    %swap3A_19 = tpu.vector_load %arg8[%swap3A_18] {strides = array<i32>} : memref<128xf32, #tpu.memory_space<vmem>>, vector<16xf32>,
    tpu.vector_store %arg8[%swap3A_18], %broadcast_in_dim3A_2 {strides = array<i32>} : memref<128xf32, #tpu.memory_space<vmem>>, vector<16xf32>,
    %swap3A_20 = arith.constant 96 : index
    %swap3A_21 = tpu.vector_load %arg8[%swap3A_20] {strides = array<i32>} : memref<128xf32, #tpu.memory_space<vmem>>, vector<16xf32>,
    tpu.vector_store %arg8[%swap3A_20], %broadcast_in_dim3A_2 {strides = array<i32>} : memref<128xf32, #tpu.memory_space<vmem>>, vector<16xf32>,
    %swap3A_22 = arith.constant 112 : index
    %swap3A_23 = tpu.vector_load %arg8[%swap3A_22] {strides = array<i32>} : memref<128xf32, #tpu.memory_space<vmem>>, vector<16xf32>,
    tpu.vector_store %arg8[%swap3A_22], %broadcast_in_dim3A_2 {strides = array<i32>} : memref<128xf32, #tpu.memory_space<vmem>>, vector<16xf32>,
    %mul3A = arith.constant 4096 : i32
    %mul3A_24 = arith.muli %arg1, %mul3A : i32
    "tpu.region"() ({
      %run_scoped3A = tpu.sem_alloc : memref<!tpu.dma_semaphore, #tpu.memory_space<semaphore_mem>>
      %dma_start3A_897 = tpu.memref_slice %arg2[%mul3A_24] : memref<65536xi32, #tpu.memory_space<hbm>> -> memref<4096xi32, #tpu.memory_space<hbm>>
      %dma_start3A_898 = tpu.memref_slice %arg2[%mul3A_24] : memref<65536xi32, #tpu.memory_space<hbm>> -> memref<4096xi32, #tpu.memory_space<hbm>>
      tpu.enqueue_dma source(%dma_start3A_898 : memref<4096xi32, #tpu.memory_space<hbm>>) target(%arg5 : memref<4096xi32, #tpu.memory_space<vmem>>) target_semaphore(%run_scoped3A : memref<!tpu.dma_semaphore, #tpu.memory_space<semaphore_mem>>)
      %dma_wait3A_899 = tpu.memref_slice %arg2[%mul3A_24] : memref<65536xi32, #tpu.memory_space<hbm>> -> memref<4096xi32, #tpu.memory_space<hbm>>
      %dma_wait3A_900 = tpu.memref_slice %arg2[%mul3A_24] : memref<65536xi32, #tpu.memory_space<hbm>> -> memref<4096xi32, #tpu.memory_space<hbm>>
      tpu.wait_dma2 semaphore(%run_scoped3A : memref<!tpu.dma_semaphore, #tpu.memory_space<semaphore_mem>>) src(%dma_wait3A_900 : memref<4096xi32, #tpu.memory_space<hbm>>) dst(%arg5 : memref<4096xi32, #tpu.memory_space<vmem>>)
      tpu.yield
    }) : () -> ()
    %mul3A_25 = arith.constant 4096 : i32
    %mul3A_26 = arith.muli %arg1, %mul3A_25 : i32
    "tpu.region"() ({
      %run_scoped3A = tpu.sem_alloc : memref<!tpu.dma_semaphore, #tpu.memory_space<semaphore_mem>>
      %dma_start3A_897 = tpu.memref_slice %arg3[%mul3A_26] : memref<65536xi32, #tpu.memory_space<hbm>> -> memref<4096xi32, #tpu.memory_space<hbm>>
      %dma_start3A_898 = tpu.memref_slice %arg3[%mul3A_26] : memref<65536xi32, #tpu.memory_space<hbm>> -> memref<4096xi32, #tpu.memory_space<hbm>>
      tpu.enqueue_dma source(%dma_start3A_898 : memref<4096xi32, #tpu.memory_space<hbm>>) target(%arg6 : memref<4096xi32, #tpu.memory_space<vmem>>) target_semaphore(%run_scoped3A : memref<!tpu.dma_semaphore, #tpu.memory_space<semaphore_mem>>)
      %dma_wait3A_899 = tpu.memref_slice %arg3[%mul3A_26] : memref<65536xi32, #tpu.memory_space<hbm>> -> memref<4096xi32, #tpu.memory_space<hbm>>
      %dma_wait3A_900 = tpu.memref_slice %arg3[%mul3A_26] : memref<65536xi32, #tpu.memory_space<hbm>> -> memref<4096xi32, #tpu.memory_space<hbm>>
      tpu.wait_dma2 semaphore(%run_scoped3A : memref<!tpu.dma_semaphore, #tpu.memory_space<semaphore_mem>>) src(%dma_wait3A_900 : memref<4096xi32, #tpu.memory_space<hbm>>) dst(%arg6 : memref<4096xi32, #tpu.memory_space<vmem>>)
      tpu.yield
    }) : () -> ()
    %mul3A_27 = arith.constant 1024 : i32
    %mul3A_28 = arith.muli %arg0, %mul3A_27 : i32
    %add3A = arith.constant 0 : i32
    %add3A_29 = arith.addi %mul3A_28, %add3A : i32
    %mul3A_30 = arith.constant 65536 : i32
    %mul3A_31 = arith.muli %arg1, %mul3A_30 : i32
    %add3A_32 = arith.constant 0 : i32
    %add3A_33 = arith.addi %mul3A_31, %add3A_32 : i32
    %dma_start3A = tpu.memref_slice %arg10[%add3A_33] : memref<1050624xf32, #tpu.memory_space<vmem_shared>> -> memref<16384xf32, #tpu.memory_space<vmem_shared>>
    %dma_start3A_34 = tpu.memref_slice %arg10[%add3A_33] : memref<1050624xf32, #tpu.memory_space<vmem_shared>> -> memref<16384xf32, #tpu.memory_space<vmem_shared>>
    tpu.enqueue_dma source(%arg9 : memref<16384xf32, #tpu.memory_space<vmem>>) target(%dma_start3A_34 : memref<16384xf32, #tpu.memory_space<vmem_shared>>) target_semaphore(%arg11 : memref<!tpu.dma_semaphore, #tpu.memory_space<semaphore_mem>>)
    %mul3A_35 = arith.constant 65536 : i32
    %mul3A_36 = arith.muli %arg1, %mul3A_35 : i32
    %add3A_37 = arith.constant 16384 : i32
    %add3A_38 = arith.addi %mul3A_36, %add3A_37 : i32
    %dma_start3A_39 = tpu.memref_slice %arg10[%add3A_38] : memref<1050624xf32, #tpu.memory_space<vmem_shared>> -> memref<16384xf32, #tpu.memory_space<vmem_shared>>
    %dma_start3A_40 = tpu.memref_slice %arg10[%add3A_38] : memref<1050624xf32, #tpu.memory_space<vmem_shared>> -> memref<16384xf32, #tpu.memory_space<vmem_shared>>
    tpu.enqueue_dma source(%arg9 : memref<16384xf32, #tpu.memory_space<vmem>>) target(%dma_start3A_40 : memref<16384xf32, #tpu.memory_space<vmem_shared>>) target_semaphore(%arg11 : memref<!tpu.dma_semaphore, #tpu.memory_space<semaphore_mem>>)
    %mul3A_41 = arith.constant 65536 : i32
    %mul3A_42 = arith.muli %arg1, %mul3A_41 : i32
    %add3A_43 = arith.constant 32768 : i32
    %add3A_44 = arith.addi %mul3A_42, %add3A_43 : i32
    %dma_start3A_45 = tpu.memref_slice %arg10[%add3A_44] : memref<1050624xf32, #tpu.memory_space<vmem_shared>> -> memref<16384xf32, #tpu.memory_space<vmem_shared>>
    %dma_start3A_46 = tpu.memref_slice %arg10[%add3A_44] : memref<1050624xf32, #tpu.memory_space<vmem_shared>> -> memref<16384xf32, #tpu.memory_space<vmem_shared>>
    tpu.enqueue_dma source(%arg9 : memref<16384xf32, #tpu.memory_space<vmem>>) target(%dma_start3A_46 : memref<16384xf32, #tpu.memory_space<vmem_shared>>) target_semaphore(%arg11 : memref<!tpu.dma_semaphore, #tpu.memory_space<semaphore_mem>>)
    %mul3A_47 = arith.constant 65536 : i32
    %mul3A_48 = arith.muli %arg1, %mul3A_47 : i32
    %add3A_49 = arith.constant 49152 : i32
    %add3A_50 = arith.addi %mul3A_48, %add3A_49 : i32
    %dma_start3A_51 = tpu.memref_slice %arg10[%add3A_50] : memref<1050624xf32, #tpu.memory_space<vmem_shared>> -> memref<16384xf32, #tpu.memory_space<vmem_shared>>
    %dma_start3A_52 = tpu.memref_slice %arg10[%add3A_50] : memref<1050624xf32, #tpu.memory_space<vmem_shared>> -> memref<16384xf32, #tpu.memory_space<vmem_shared>>
    tpu.enqueue_dma source(%arg9 : memref<16384xf32, #tpu.memory_space<vmem>>) target(%dma_start3A_52 : memref<16384xf32, #tpu.memory_space<vmem_shared>>) target_semaphore(%arg11 : memref<!tpu.dma_semaphore, #tpu.memory_space<semaphore_mem>>)
    %dma_wait3A = tpu.memref_slice %arg10[%add3A_33] : memref<1050624xf32, #tpu.memory_space<vmem_shared>> -> memref<16384xf32, #tpu.memory_space<vmem_shared>>
    %dma_wait3A_53 = tpu.memref_slice %arg10[%add3A_33] : memref<1050624xf32, #tpu.memory_space<vmem_shared>> -> memref<16384xf32, #tpu.memory_space<vmem_shared>>
    tpu.wait_dma2 semaphore(%arg11 : memref<!tpu.dma_semaphore, #tpu.memory_space<semaphore_mem>>) src(%arg9 : memref<16384xf32, #tpu.memory_space<vmem>>) dst(%dma_wait3A_53 : memref<16384xf32, #tpu.memory_space<vmem_shared>>)
    %dma_wait3A_54 = tpu.memref_slice %arg10[%add3A_38] : memref<1050624xf32, #tpu.memory_space<vmem_shared>> -> memref<16384xf32, #tpu.memory_space<vmem_shared>>
    %dma_wait3A_55 = tpu.memref_slice %arg10[%add3A_38] : memref<1050624xf32, #tpu.memory_space<vmem_shared>> -> memref<16384xf32, #tpu.memory_space<vmem_shared>>
    tpu.wait_dma2 semaphore(%arg11 : memref<!tpu.dma_semaphore, #tpu.memory_space<semaphore_mem>>) src(%arg9 : memref<16384xf32, #tpu.memory_space<vmem>>) dst(%dma_wait3A_55 : memref<16384xf32, #tpu.memory_space<vmem_shared>>)
    %dma_wait3A_56 = tpu.memref_slice %arg10[%add3A_44] : memref<1050624xf32, #tpu.memory_space<vmem_shared>> -> memref<16384xf32, #tpu.memory_space<vmem_shared>>
    %dma_wait3A_57 = tpu.memref_slice %arg10[%add3A_44] : memref<1050624xf32, #tpu.memory_space<vmem_shared>> -> memref<16384xf32, #tpu.memory_space<vmem_shared>>
    tpu.wait_dma2 semaphore(%arg11 : memref<!tpu.dma_semaphore, #tpu.memory_space<semaphore_mem>>) src(%arg9 : memref<16384xf32, #tpu.memory_space<vmem>>) dst(%dma_wait3A_57 : memref<16384xf32, #tpu.memory_space<vmem_shared>>)
    %dma_wait3A_58 = tpu.memref_slice %arg10[%add3A_50] : memref<1050624xf32, #tpu.memory_space<vmem_shared>> -> memref<16384xf32, #tpu.memory_space<vmem_shared>>
    %dma_wait3A_59 = tpu.memref_slice %arg10[%add3A_50] : memref<1050624xf32, #tpu.memory_space<vmem_shared>> -> memref<16384xf32, #tpu.memory_space<vmem_shared>>
    tpu.wait_dma2 semaphore(%arg11 : memref<!tpu.dma_semaphore, #tpu.memory_space<semaphore_mem>>) src(%arg9 : memref<16384xf32, #tpu.memory_space<vmem>>) dst(%dma_wait3A_59 : memref<16384xf32, #tpu.memory_space<vmem_shared>>)
    %barrier3A = arith.constant 0 : index
    tpu.barrier barrier_id(%barrier3A)
    %scan3A_60 = arith.constant 0 : i32
    %scan3A_61 = arith.constant 0 : i32
    %scan3A_62 = arith.constant 32 : i32
    %scan3A_63 = arith.addi %scan3A_61, %scan3A_62 : i32
    %scan3A_64 = arith.constant 1 : i32
    %scan3A_65 = scf.for %scan3A_897 = %scan3A_61 to %scan3A_63 step %scan3A_64 iter_args(%scan3A_898 = %scan3A_60) -> (i32)  : i32 {
      %mul3A_899 = arith.constant 128 : i32
      %mul3A_900 = arith.muli %scan3A_897, %mul3A_899 : i32
      %add3A_901 = arith.constant 0 : i32
      %add3A_902 = arith.addi %mul3A_900, %add3A_901 : i32
      %get3A = arith.index_cast %add3A_902 : i32 to index
      %get3A_903 = tpu.vector_load %arg5[%get3A] {strides = array<i32>} : memref<4096xi32, #tpu.memory_space<vmem>>, vector<16xi32>,
      %mul3A_904 = arith.constant 128 : i32
      %mul3A_905 = arith.muli %scan3A_897, %mul3A_904 : i32
      %add3A_906 = arith.constant 0 : i32
      %add3A_907 = arith.addi %mul3A_905, %add3A_906 : i32
      %get3A_908 = arith.index_cast %add3A_907 : i32 to index
      %get3A_909 = tpu.vector_load %arg6[%get3A_908] {strides = array<i32>} : memref<4096xi32, #tpu.memory_space<vmem>>, vector<16xi32>,
      %sub3A = vector.broadcast %add3A_29 : i32 to vector<16xi32>
      %sub3A_910 = arith.subi %get3A_903, %sub3A : vector<16xi32>
      %ge3A = arith.constant 0 : i32
      %ge3A_911 = vector.broadcast %ge3A : i32 to vector<16xi32>
      %ge3A_912 = arith.cmpi sge, %sub3A_910, %ge3A_911 : vector<16xi32>
      %lt3A = arith.constant 512 : i32
      %lt3A_913 = vector.broadcast %lt3A : i32 to vector<16xi32>
      %lt3A_914 = arith.cmpi slt, %sub3A_910, %lt3A_913 : vector<16xi32>
      %and3A = arith.andi %ge3A_912, %lt3A_914 : vector<16xi1>
      %mul3A_915 = arith.constant 2048 : i32
      %mul3A_916 = vector.broadcast %mul3A_915 : i32 to vector<16xi32>
      %mul3A_917 = arith.muli %sub3A_910, %mul3A_916 : vector<16xi32>
      %add3A_918 = arith.addi %mul3A_917, %get3A_909 : vector<16xi32>
      %add3A_919 = arith.constant 1048576 : i32
      %add3A_920 = vector.broadcast %add3A_919 : i32 to vector<16xi32>
      %add3A_921 = arith.addi %add3A_920, %get3A_909 : vector<16xi32>
      %select_n3A = arith.select %and3A, %add3A_918, %add3A_921 : vector<16xi1>, vector<16xi32>
      %swap3A_922 = arith.index_cast %scan3A_897 : i32 to index
      %swap3A_923 = arith.constant 0 : index
      %swap3A_924 = tpu.vector_load %arg7[%swap3A_922, %swap3A_923] {strides = array<i32>} : memref<32x128xi32, #tpu.memory_space<vmem>>, vector<16xi32>,
      tpu.vector_store %arg7[%swap3A_922, %swap3A_923], %select_n3A {strides = array<i32>} : memref<32x128xi32, #tpu.memory_space<vmem>>, vector<16xi32>,
      %mul3A_925 = arith.constant 128 : i32
      %mul3A_926 = arith.muli %scan3A_897, %mul3A_925 : i32
      %add3A_927 = arith.constant 16 : i32
      %add3A_928 = arith.addi %mul3A_926, %add3A_927 : i32
      %get3A_929 = arith.index_cast %add3A_928 : i32 to index
      %get3A_930 = tpu.vector_load %arg5[%get3A_929] {strides = array<i32>} : memref<4096xi32, #tpu.memory_space<vmem>>, vector<16xi32>,
      %mul3A_931 = arith.constant 128 : i32
      %mul3A_932 = arith.muli %scan3A_897, %mul3A_931 : i32
      %add3A_933 = arith.constant 16 : i32
      %add3A_934 = arith.addi %mul3A_932, %add3A_933 : i32
      %get3A_935 = arith.index_cast %add3A_934 : i32 to index
      %get3A_936 = tpu.vector_load %arg6[%get3A_935] {strides = array<i32>} : memref<4096xi32, #tpu.memory_space<vmem>>, vector<16xi32>,
      %sub3A_937 = vector.broadcast %add3A_29 : i32 to vector<16xi32>
      %sub3A_938 = arith.subi %get3A_930, %sub3A_937 : vector<16xi32>
      %ge3A_939 = arith.constant 0 : i32
      %ge3A_940 = vector.broadcast %ge3A_939 : i32 to vector<16xi32>
      %ge3A_941 = arith.cmpi sge, %sub3A_938, %ge3A_940 : vector<16xi32>
      %lt3A_942 = arith.constant 512 : i32
      %lt3A_943 = vector.broadcast %lt3A_942 : i32 to vector<16xi32>
      %lt3A_944 = arith.cmpi slt, %sub3A_938, %lt3A_943 : vector<16xi32>
      %and3A_945 = arith.andi %ge3A_941, %lt3A_944 : vector<16xi1>
      %mul3A_946 = arith.constant 2048 : i32
      %mul3A_947 = vector.broadcast %mul3A_946 : i32 to vector<16xi32>
      %mul3A_948 = arith.muli %sub3A_938, %mul3A_947 : vector<16xi32>
      %add3A_949 = arith.addi %mul3A_948, %get3A_936 : vector<16xi32>
      %add3A_950 = arith.constant 1048576 : i32
      %add3A_951 = vector.broadcast %add3A_950 : i32 to vector<16xi32>
      %add3A_952 = arith.addi %add3A_951, %get3A_936 : vector<16xi32>
      %select_n3A_953 = arith.select %and3A_945, %add3A_949, %add3A_952 : vector<16xi1>, vector<16xi32>
      %swap3A_954 = arith.index_cast %scan3A_897 : i32 to index
      %swap3A_955 = arith.constant 16 : index
      %swap3A_956 = tpu.vector_load %arg7[%swap3A_954, %swap3A_955] {strides = array<i32>} : memref<32x128xi32, #tpu.memory_space<vmem>>, vector<16xi32>,
      tpu.vector_store %arg7[%swap3A_954, %swap3A_955], %select_n3A_953 {strides = array<i32>} : memref<32x128xi32, #tpu.memory_space<vmem>>, vector<16xi32>,
      %mul3A_957 = arith.constant 128 : i32
      %mul3A_958 = arith.muli %scan3A_897, %mul3A_957 : i32
      %add3A_959 = arith.constant 32 : i32
      %add3A_960 = arith.addi %mul3A_958, %add3A_959 : i32
      %get3A_961 = arith.index_cast %add3A_960 : i32 to index
      %get3A_962 = tpu.vector_load %arg5[%get3A_961] {strides = array<i32>} : memref<4096xi32, #tpu.memory_space<vmem>>, vector<16xi32>,
      %mul3A_963 = arith.constant 128 : i32
      %mul3A_964 = arith.muli %scan3A_897, %mul3A_963 : i32
      %add3A_965 = arith.constant 32 : i32
      %add3A_966 = arith.addi %mul3A_964, %add3A_965 : i32
      %get3A_967 = arith.index_cast %add3A_966 : i32 to index
      %get3A_968 = tpu.vector_load %arg6[%get3A_967] {strides = array<i32>} : memref<4096xi32, #tpu.memory_space<vmem>>, vector<16xi32>,
      %sub3A_969 = vector.broadcast %add3A_29 : i32 to vector<16xi32>
      %sub3A_970 = arith.subi %get3A_962, %sub3A_969 : vector<16xi32>
      %ge3A_971 = arith.constant 0 : i32
      %ge3A_972 = vector.broadcast %ge3A_971 : i32 to vector<16xi32>
      %ge3A_973 = arith.cmpi sge, %sub3A_970, %ge3A_972 : vector<16xi32>
      %lt3A_974 = arith.constant 512 : i32
      %lt3A_975 = vector.broadcast %lt3A_974 : i32 to vector<16xi32>
      %lt3A_976 = arith.cmpi slt, %sub3A_970, %lt3A_975 : vector<16xi32>
      %and3A_977 = arith.andi %ge3A_973, %lt3A_976 : vector<16xi1>
      %mul3A_978 = arith.constant 2048 : i32
      %mul3A_979 = vector.broadcast %mul3A_978 : i32 to vector<16xi32>
      %mul3A_980 = arith.muli %sub3A_970, %mul3A_979 : vector<16xi32>
      %add3A_981 = arith.addi %mul3A_980, %get3A_968 : vector<16xi32>
      %add3A_982 = arith.constant 1048576 : i32
      %add3A_983 = vector.broadcast %add3A_982 : i32 to vector<16xi32>
      %add3A_984 = arith.addi %add3A_983, %get3A_968 : vector<16xi32>
      %select_n3A_985 = arith.select %and3A_977, %add3A_981, %add3A_984 : vector<16xi1>, vector<16xi32>
      %swap3A_986 = arith.index_cast %scan3A_897 : i32 to index
      %swap3A_987 = arith.constant 32 : index
      %swap3A_988 = tpu.vector_load %arg7[%swap3A_986, %swap3A_987] {strides = array<i32>} : memref<32x128xi32, #tpu.memory_space<vmem>>, vector<16xi32>,
      tpu.vector_store %arg7[%swap3A_986, %swap3A_987], %select_n3A_985 {strides = array<i32>} : memref<32x128xi32, #tpu.memory_space<vmem>>, vector<16xi32>,
      %mul3A_989 = arith.constant 128 : i32
      %mul3A_990 = arith.muli %scan3A_897, %mul3A_989 : i32
      %add3A_991 = arith.constant 48 : i32
      %add3A_992 = arith.addi %mul3A_990, %add3A_991 : i32
      %get3A_993 = arith.index_cast %add3A_992 : i32 to index
      %get3A_994 = tpu.vector_load %arg5[%get3A_993] {strides = array<i32>} : memref<4096xi32, #tpu.memory_space<vmem>>, vector<16xi32>,
      %mul3A_995 = arith.constant 128 : i32
      %mul3A_996 = arith.muli %scan3A_897, %mul3A_995 : i32
      %add3A_997 = arith.constant 48 : i32
      %add3A_998 = arith.addi %mul3A_996, %add3A_997 : i32
      %get3A_999 = arith.index_cast %add3A_998 : i32 to index
      %get3A_1000 = tpu.vector_load %arg6[%get3A_999] {strides = array<i32>} : memref<4096xi32, #tpu.memory_space<vmem>>, vector<16xi32>,
      %sub3A_1001 = vector.broadcast %add3A_29 : i32 to vector<16xi32>
      %sub3A_1002 = arith.subi %get3A_994, %sub3A_1001 : vector<16xi32>
      %ge3A_1003 = arith.constant 0 : i32
      %ge3A_1004 = vector.broadcast %ge3A_1003 : i32 to vector<16xi32>
      %ge3A_1005 = arith.cmpi sge, %sub3A_1002, %ge3A_1004 : vector<16xi32>
      %lt3A_1006 = arith.constant 512 : i32
      %lt3A_1007 = vector.broadcast %lt3A_1006 : i32 to vector<16xi32>
      %lt3A_1008 = arith.cmpi slt, %sub3A_1002, %lt3A_1007 : vector<16xi32>
      %and3A_1009 = arith.andi %ge3A_1005, %lt3A_1008 : vector<16xi1>
      %mul3A_1010 = arith.constant 2048 : i32
      %mul3A_1011 = vector.broadcast %mul3A_1010 : i32 to vector<16xi32>
      %mul3A_1012 = arith.muli %sub3A_1002, %mul3A_1011 : vector<16xi32>
      %add3A_1013 = arith.addi %mul3A_1012, %get3A_1000 : vector<16xi32>
      %add3A_1014 = arith.constant 1048576 : i32
      %add3A_1015 = vector.broadcast %add3A_1014 : i32 to vector<16xi32>
      %add3A_1016 = arith.addi %add3A_1015, %get3A_1000 : vector<16xi32>
      %select_n3A_1017 = arith.select %and3A_1009, %add3A_1013, %add3A_1016 : vector<16xi1>, vector<16xi32>
      %swap3A_1018 = arith.index_cast %scan3A_897 : i32 to index
      %swap3A_1019 = arith.constant 48 : index
      %swap3A_1020 = tpu.vector_load %arg7[%swap3A_1018, %swap3A_1019] {strides = array<i32>} : memref<32x128xi32, #tpu.memory_space<vmem>>, vector<16xi32>,
      tpu.vector_store %arg7[%swap3A_1018, %swap3A_1019], %select_n3A_1017 {strides = array<i32>} : memref<32x128xi32, #tpu.memory_space<vmem>>, vector<16xi32>,
      %mul3A_1021 = arith.constant 128 : i32
      %mul3A_1022 = arith.muli %scan3A_897, %mul3A_1021 : i32
      %add3A_1023 = arith.constant 64 : i32
      %add3A_1024 = arith.addi %mul3A_1022, %add3A_1023 : i32
      %get3A_1025 = arith.index_cast %add3A_1024 : i32 to index
      %get3A_1026 = tpu.vector_load %arg5[%get3A_1025] {strides = array<i32>} : memref<4096xi32, #tpu.memory_space<vmem>>, vector<16xi32>,
      %mul3A_1027 = arith.constant 128 : i32
      %mul3A_1028 = arith.muli %scan3A_897, %mul3A_1027 : i32
      %add3A_1029 = arith.constant 64 : i32
      %add3A_1030 = arith.addi %mul3A_1028, %add3A_1029 : i32
      %get3A_1031 = arith.index_cast %add3A_1030 : i32 to index
      %get3A_1032 = tpu.vector_load %arg6[%get3A_1031] {strides = array<i32>} : memref<4096xi32, #tpu.memory_space<vmem>>, vector<16xi32>,
      %sub3A_1033 = vector.broadcast %add3A_29 : i32 to vector<16xi32>
      %sub3A_1034 = arith.subi %get3A_1026, %sub3A_1033 : vector<16xi32>
      %ge3A_1035 = arith.constant 0 : i32
      %ge3A_1036 = vector.broadcast %ge3A_1035 : i32 to vector<16xi32>
      %ge3A_1037 = arith.cmpi sge, %sub3A_1034, %ge3A_1036 : vector<16xi32>
      %lt3A_1038 = arith.constant 512 : i32
      %lt3A_1039 = vector.broadcast %lt3A_1038 : i32 to vector<16xi32>
      %lt3A_1040 = arith.cmpi slt, %sub3A_1034, %lt3A_1039 : vector<16xi32>
      %and3A_1041 = arith.andi %ge3A_1037, %lt3A_1040 : vector<16xi1>
      %mul3A_1042 = arith.constant 2048 : i32
      %mul3A_1043 = vector.broadcast %mul3A_1042 : i32 to vector<16xi32>
      %mul3A_1044 = arith.muli %sub3A_1034, %mul3A_1043 : vector<16xi32>
      %add3A_1045 = arith.addi %mul3A_1044, %get3A_1032 : vector<16xi32>
      %add3A_1046 = arith.constant 1048576 : i32
      %add3A_1047 = vector.broadcast %add3A_1046 : i32 to vector<16xi32>
      %add3A_1048 = arith.addi %add3A_1047, %get3A_1032 : vector<16xi32>
      %select_n3A_1049 = arith.select %and3A_1041, %add3A_1045, %add3A_1048 : vector<16xi1>, vector<16xi32>
      %swap3A_1050 = arith.index_cast %scan3A_897 : i32 to index
      %swap3A_1051 = arith.constant 64 : index
      %swap3A_1052 = tpu.vector_load %arg7[%swap3A_1050, %swap3A_1051] {strides = array<i32>} : memref<32x128xi32, #tpu.memory_space<vmem>>, vector<16xi32>,
      tpu.vector_store %arg7[%swap3A_1050, %swap3A_1051], %select_n3A_1049 {strides = array<i32>} : memref<32x128xi32, #tpu.memory_space<vmem>>, vector<16xi32>,
      %mul3A_1053 = arith.constant 128 : i32
      %mul3A_1054 = arith.muli %scan3A_897, %mul3A_1053 : i32
      %add3A_1055 = arith.constant 80 : i32
      %add3A_1056 = arith.addi %mul3A_1054, %add3A_1055 : i32
      %get3A_1057 = arith.index_cast %add3A_1056 : i32 to index
      %get3A_1058 = tpu.vector_load %arg5[%get3A_1057] {strides = array<i32>} : memref<4096xi32, #tpu.memory_space<vmem>>, vector<16xi32>,
      %mul3A_1059 = arith.constant 128 : i32
      %mul3A_1060 = arith.muli %scan3A_897, %mul3A_1059 : i32
      %add3A_1061 = arith.constant 80 : i32
      %add3A_1062 = arith.addi %mul3A_1060, %add3A_1061 : i32
      %get3A_1063 = arith.index_cast %add3A_1062 : i32 to index
      %get3A_1064 = tpu.vector_load %arg6[%get3A_1063] {strides = array<i32>} : memref<4096xi32, #tpu.memory_space<vmem>>, vector<16xi32>,
      %sub3A_1065 = vector.broadcast %add3A_29 : i32 to vector<16xi32>
      %sub3A_1066 = arith.subi %get3A_1058, %sub3A_1065 : vector<16xi32>
      %ge3A_1067 = arith.constant 0 : i32
      %ge3A_1068 = vector.broadcast %ge3A_1067 : i32 to vector<16xi32>
      %ge3A_1069 = arith.cmpi sge, %sub3A_1066, %ge3A_1068 : vector<16xi32>
      %lt3A_1070 = arith.constant 512 : i32
      %lt3A_1071 = vector.broadcast %lt3A_1070 : i32 to vector<16xi32>
      %lt3A_1072 = arith.cmpi slt, %sub3A_1066, %lt3A_1071 : vector<16xi32>
      %and3A_1073 = arith.andi %ge3A_1069, %lt3A_1072 : vector<16xi1>
      %mul3A_1074 = arith.constant 2048 : i32
      %mul3A_1075 = vector.broadcast %mul3A_1074 : i32 to vector<16xi32>
      %mul3A_1076 = arith.muli %sub3A_1066, %mul3A_1075 : vector<16xi32>
      %add3A_1077 = arith.addi %mul3A_1076, %get3A_1064 : vector<16xi32>
      %add3A_1078 = arith.constant 1048576 : i32
      %add3A_1079 = vector.broadcast %add3A_1078 : i32 to vector<16xi32>
      %add3A_1080 = arith.addi %add3A_1079, %get3A_1064 : vector<16xi32>
      %select_n3A_1081 = arith.select %and3A_1073, %add3A_1077, %add3A_1080 : vector<16xi1>, vector<16xi32>
      %swap3A_1082 = arith.index_cast %scan3A_897 : i32 to index
      %swap3A_1083 = arith.constant 80 : index
      %swap3A_1084 = tpu.vector_load %arg7[%swap3A_1082, %swap3A_1083] {strides = array<i32>} : memref<32x128xi32, #tpu.memory_space<vmem>>, vector<16xi32>,
      tpu.vector_store %arg7[%swap3A_1082, %swap3A_1083], %select_n3A_1081 {strides = array<i32>} : memref<32x128xi32, #tpu.memory_space<vmem>>, vector<16xi32>,
      %mul3A_1085 = arith.constant 128 : i32
      %mul3A_1086 = arith.muli %scan3A_897, %mul3A_1085 : i32
      %add3A_1087 = arith.constant 96 : i32
      %add3A_1088 = arith.addi %mul3A_1086, %add3A_1087 : i32
      %get3A_1089 = arith.index_cast %add3A_1088 : i32 to index
      %get3A_1090 = tpu.vector_load %arg5[%get3A_1089] {strides = array<i32>} : memref<4096xi32, #tpu.memory_space<vmem>>, vector<16xi32>,
      %mul3A_1091 = arith.constant 128 : i32
      %mul3A_1092 = arith.muli %scan3A_897, %mul3A_1091 : i32
      %add3A_1093 = arith.constant 96 : i32
      %add3A_1094 = arith.addi %mul3A_1092, %add3A_1093 : i32
      %get3A_1095 = arith.index_cast %add3A_1094 : i32 to index
      %get3A_1096 = tpu.vector_load %arg6[%get3A_1095] {strides = array<i32>} : memref<4096xi32, #tpu.memory_space<vmem>>, vector<16xi32>,
      %sub3A_1097 = vector.broadcast %add3A_29 : i32 to vector<16xi32>
      %sub3A_1098 = arith.subi %get3A_1090, %sub3A_1097 : vector<16xi32>
      %ge3A_1099 = arith.constant 0 : i32
      %ge3A_1100 = vector.broadcast %ge3A_1099 : i32 to vector<16xi32>
      %ge3A_1101 = arith.cmpi sge, %sub3A_1098, %ge3A_1100 : vector<16xi32>
      %lt3A_1102 = arith.constant 512 : i32
      %lt3A_1103 = vector.broadcast %lt3A_1102 : i32 to vector<16xi32>
      %lt3A_1104 = arith.cmpi slt, %sub3A_1098, %lt3A_1103 : vector<16xi32>
      %and3A_1105 = arith.andi %ge3A_1101, %lt3A_1104 : vector<16xi1>
      %mul3A_1106 = arith.constant 2048 : i32
      %mul3A_1107 = vector.broadcast %mul3A_1106 : i32 to vector<16xi32>
      %mul3A_1108 = arith.muli %sub3A_1098, %mul3A_1107 : vector<16xi32>
      %add3A_1109 = arith.addi %mul3A_1108, %get3A_1096 : vector<16xi32>
      %add3A_1110 = arith.constant 1048576 : i32
      %add3A_1111 = vector.broadcast %add3A_1110 : i32 to vector<16xi32>
      %add3A_1112 = arith.addi %add3A_1111, %get3A_1096 : vector<16xi32>
      %select_n3A_1113 = arith.select %and3A_1105, %add3A_1109, %add3A_1112 : vector<16xi1>, vector<16xi32>
      %swap3A_1114 = arith.index_cast %scan3A_897 : i32 to index
      %swap3A_1115 = arith.constant 96 : index
      %swap3A_1116 = tpu.vector_load %arg7[%swap3A_1114, %swap3A_1115] {strides = array<i32>} : memref<32x128xi32, #tpu.memory_space<vmem>>, vector<16xi32>,
      tpu.vector_store %arg7[%swap3A_1114, %swap3A_1115], %select_n3A_1113 {strides = array<i32>} : memref<32x128xi32, #tpu.memory_space<vmem>>, vector<16xi32>,
      %mul3A_1117 = arith.constant 128 : i32
      %mul3A_1118 = arith.muli %scan3A_897, %mul3A_1117 : i32
      %add3A_1119 = arith.constant 112 : i32
      %add3A_1120 = arith.addi %mul3A_1118, %add3A_1119 : i32
      %get3A_1121 = arith.index_cast %add3A_1120 : i32 to index
      %get3A_1122 = tpu.vector_load %arg5[%get3A_1121] {strides = array<i32>} : memref<4096xi32, #tpu.memory_space<vmem>>, vector<16xi32>,
      %mul3A_1123 = arith.constant 128 : i32
      %mul3A_1124 = arith.muli %scan3A_897, %mul3A_1123 : i32
      %add3A_1125 = arith.constant 112 : i32
      %add3A_1126 = arith.addi %mul3A_1124, %add3A_1125 : i32
      %get3A_1127 = arith.index_cast %add3A_1126 : i32 to index
      %get3A_1128 = tpu.vector_load %arg6[%get3A_1127] {strides = array<i32>} : memref<4096xi32, #tpu.memory_space<vmem>>, vector<16xi32>,
      %sub3A_1129 = vector.broadcast %add3A_29 : i32 to vector<16xi32>
      %sub3A_1130 = arith.subi %get3A_1122, %sub3A_1129 : vector<16xi32>
      %ge3A_1131 = arith.constant 0 : i32
      %ge3A_1132 = vector.broadcast %ge3A_1131 : i32 to vector<16xi32>
      %ge3A_1133 = arith.cmpi sge, %sub3A_1130, %ge3A_1132 : vector<16xi32>
      %lt3A_1134 = arith.constant 512 : i32
      %lt3A_1135 = vector.broadcast %lt3A_1134 : i32 to vector<16xi32>
      %lt3A_1136 = arith.cmpi slt, %sub3A_1130, %lt3A_1135 : vector<16xi32>
      %and3A_1137 = arith.andi %ge3A_1133, %lt3A_1136 : vector<16xi1>
      %mul3A_1138 = arith.constant 2048 : i32
      %mul3A_1139 = vector.broadcast %mul3A_1138 : i32 to vector<16xi32>
      %mul3A_1140 = arith.muli %sub3A_1130, %mul3A_1139 : vector<16xi32>
      %add3A_1141 = arith.addi %mul3A_1140, %get3A_1128 : vector<16xi32>
      %add3A_1142 = arith.constant 1048576 : i32
      %add3A_1143 = vector.broadcast %add3A_1142 : i32 to vector<16xi32>
      %add3A_1144 = arith.addi %add3A_1143, %get3A_1128 : vector<16xi32>
      %select_n3A_1145 = arith.select %and3A_1137, %add3A_1141, %add3A_1144 : vector<16xi1>, vector<16xi32>
      %swap3A_1146 = arith.index_cast %scan3A_897 : i32 to index
      %swap3A_1147 = arith.constant 112 : index
      %swap3A_1148 = tpu.vector_load %arg7[%swap3A_1146, %swap3A_1147] {strides = array<i32>} : memref<32x128xi32, #tpu.memory_space<vmem>>, vector<16xi32>,
      tpu.vector_store %arg7[%swap3A_1146, %swap3A_1147], %select_n3A_1145 {strides = array<i32>} : memref<32x128xi32, #tpu.memory_space<vmem>>, vector<16xi32>,
      %scan3A_1149 = arith.constant 0 : i32
      scf.yield %scan3A_1149 : i32
    }
    %scan3A_66 = arith.constant 32 : i32
    %dma_start3A_67 = arith.constant 0 : i32
    %dma_start3A_68 = arith.constant 0 : i32
    %dma_start3A_69 = tpu.memref_slice %arg7[%dma_start3A_67, %dma_start3A_68] : memref<32x128xi32, #tpu.memory_space<vmem>> -> memref<1x128xi32, #tpu.memory_space<vmem>>
    %dma_start3A_70 = tpu.memref_squeeze %dma_start3A_69 : memref<1x128xi32, #tpu.memory_space<vmem>> -> memref<128xi32, #tpu.memory_space<vmem>>
    %dma_start3A_71 = arith.constant 0 : i32
    %dma_start3A_72 = tpu.memref_slice %arg10[%dma_start3A_71] : memref<1050624xf32, #tpu.memory_space<vmem_shared>> -> memref<1050624xf32, #tpu.memory_space<vmem_shared>>
    tpu.enqueue_indirect_dma source(%arg8 : memref<128xf32, #tpu.memory_space<vmem>>) target(%dma_start3A_72 : memref<1050624xf32, #tpu.memory_space<vmem_shared>>) offsets(%dma_start3A_70 : memref<128xi32, #tpu.memory_space<vmem>>) semaphore(%arg11 : memref<!tpu.dma_semaphore, #tpu.memory_space<semaphore_mem>>) {add = true}
    %dma_start3A_73 = arith.constant 1 : i32
    %dma_start3A_74 = arith.constant 0 : i32
    %dma_start3A_75 = tpu.memref_slice %arg7[%dma_start3A_73, %dma_start3A_74] : memref<32x128xi32, #tpu.memory_space<vmem>> -> memref<1x128xi32, #tpu.memory_space<vmem>>
    %dma_start3A_76 = tpu.memref_squeeze %dma_start3A_75 : memref<1x128xi32, #tpu.memory_space<vmem>> -> memref<128xi32, #tpu.memory_space<vmem>>
    %dma_start3A_77 = arith.constant 0 : i32
    %dma_start3A_78 = tpu.memref_slice %arg10[%dma_start3A_77] : memref<1050624xf32, #tpu.memory_space<vmem_shared>> -> memref<1050624xf32, #tpu.memory_space<vmem_shared>>
    tpu.enqueue_indirect_dma source(%arg8 : memref<128xf32, #tpu.memory_space<vmem>>) target(%dma_start3A_78 : memref<1050624xf32, #tpu.memory_space<vmem_shared>>) offsets(%dma_start3A_76 : memref<128xi32, #tpu.memory_space<vmem>>) semaphore(%arg11 : memref<!tpu.dma_semaphore, #tpu.memory_space<semaphore_mem>>) {add = true}
    %dma_start3A_79 = arith.constant 2 : i32
    %dma_start3A_80 = arith.constant 0 : i32
    %dma_start3A_81 = tpu.memref_slice %arg7[%dma_start3A_79, %dma_start3A_80] : memref<32x128xi32, #tpu.memory_space<vmem>> -> memref<1x128xi32, #tpu.memory_space<vmem>>
    %dma_start3A_82 = tpu.memref_squeeze %dma_start3A_81 : memref<1x128xi32, #tpu.memory_space<vmem>> -> memref<128xi32, #tpu.memory_space<vmem>>
    %dma_start3A_83 = arith.constant 0 : i32
    %dma_start3A_84 = tpu.memref_slice %arg10[%dma_start3A_83] : memref<1050624xf32, #tpu.memory_space<vmem_shared>> -> memref<1050624xf32, #tpu.memory_space<vmem_shared>>
    tpu.enqueue_indirect_dma source(%arg8 : memref<128xf32, #tpu.memory_space<vmem>>) target(%dma_start3A_84 : memref<1050624xf32, #tpu.memory_space<vmem_shared>>) offsets(%dma_start3A_82 : memref<128xi32, #tpu.memory_space<vmem>>) semaphore(%arg11 : memref<!tpu.dma_semaphore, #tpu.memory_space<semaphore_mem>>) {add = true}
    %dma_start3A_85 = arith.constant 3 : i32
    %dma_start3A_86 = arith.constant 0 : i32
    %dma_start3A_87 = tpu.memref_slice %arg7[%dma_start3A_85, %dma_start3A_86] : memref<32x128xi32, #tpu.memory_space<vmem>> -> memref<1x128xi32, #tpu.memory_space<vmem>>
    %dma_start3A_88 = tpu.memref_squeeze %dma_start3A_87 : memref<1x128xi32, #tpu.memory_space<vmem>> -> memref<128xi32, #tpu.memory_space<vmem>>
    %dma_start3A_89 = arith.constant 0 : i32
    %dma_start3A_90 = tpu.memref_slice %arg10[%dma_start3A_89] : memref<1050624xf32, #tpu.memory_space<vmem_shared>> -> memref<1050624xf32, #tpu.memory_space<vmem_shared>>
    tpu.enqueue_indirect_dma source(%arg8 : memref<128xf32, #tpu.memory_space<vmem>>) target(%dma_start3A_90 : memref<1050624xf32, #tpu.memory_space<vmem_shared>>) offsets(%dma_start3A_88 : memref<128xi32, #tpu.memory_space<vmem>>) semaphore(%arg11 : memref<!tpu.dma_semaphore, #tpu.memory_space<semaphore_mem>>) {add = true}
    %dma_start3A_91 = arith.constant 4 : i32
    %dma_start3A_92 = arith.constant 0 : i32
    %dma_start3A_93 = tpu.memref_slice %arg7[%dma_start3A_91, %dma_start3A_92] : memref<32x128xi32, #tpu.memory_space<vmem>> -> memref<1x128xi32, #tpu.memory_space<vmem>>
    %dma_start3A_94 = tpu.memref_squeeze %dma_start3A_93 : memref<1x128xi32, #tpu.memory_space<vmem>> -> memref<128xi32, #tpu.memory_space<vmem>>
    %dma_start3A_95 = arith.constant 0 : i32
    %dma_start3A_96 = tpu.memref_slice %arg10[%dma_start3A_95] : memref<1050624xf32, #tpu.memory_space<vmem_shared>> -> memref<1050624xf32, #tpu.memory_space<vmem_shared>>
    tpu.enqueue_indirect_dma source(%arg8 : memref<128xf32, #tpu.memory_space<vmem>>) target(%dma_start3A_96 : memref<1050624xf32, #tpu.memory_space<vmem_shared>>) offsets(%dma_start3A_94 : memref<128xi32, #tpu.memory_space<vmem>>) semaphore(%arg11 : memref<!tpu.dma_semaphore, #tpu.memory_space<semaphore_mem>>) {add = true}
    %dma_start3A_97 = arith.constant 5 : i32
    %dma_start3A_98 = arith.constant 0 : i32
    %dma_start3A_99 = tpu.memref_slice %arg7[%dma_start3A_97, %dma_start3A_98] : memref<32x128xi32, #tpu.memory_space<vmem>> -> memref<1x128xi32, #tpu.memory_space<vmem>>
    %dma_start3A_100 = tpu.memref_squeeze %dma_start3A_99 : memref<1x128xi32, #tpu.memory_space<vmem>> -> memref<128xi32, #tpu.memory_space<vmem>>
    %dma_start3A_101 = arith.constant 0 : i32
    %dma_start3A_102 = tpu.memref_slice %arg10[%dma_start3A_101] : memref<1050624xf32, #tpu.memory_space<vmem_shared>> -> memref<1050624xf32, #tpu.memory_space<vmem_shared>>
    tpu.enqueue_indirect_dma source(%arg8 : memref<128xf32, #tpu.memory_space<vmem>>) target(%dma_start3A_102 : memref<1050624xf32, #tpu.memory_space<vmem_shared>>) offsets(%dma_start3A_100 : memref<128xi32, #tpu.memory_space<vmem>>) semaphore(%arg11 : memref<!tpu.dma_semaphore, #tpu.memory_space<semaphore_mem>>) {add = true}
    %dma_start3A_103 = arith.constant 6 : i32
    %dma_start3A_104 = arith.constant 0 : i32
    %dma_start3A_105 = tpu.memref_slice %arg7[%dma_start3A_103, %dma_start3A_104] : memref<32x128xi32, #tpu.memory_space<vmem>> -> memref<1x128xi32, #tpu.memory_space<vmem>>
    %dma_start3A_106 = tpu.memref_squeeze %dma_start3A_105 : memref<1x128xi32, #tpu.memory_space<vmem>> -> memref<128xi32, #tpu.memory_space<vmem>>
    %dma_start3A_107 = arith.constant 0 : i32
    %dma_start3A_108 = tpu.memref_slice %arg10[%dma_start3A_107] : memref<1050624xf32, #tpu.memory_space<vmem_shared>> -> memref<1050624xf32, #tpu.memory_space<vmem_shared>>
    tpu.enqueue_indirect_dma source(%arg8 : memref<128xf32, #tpu.memory_space<vmem>>) target(%dma_start3A_108 : memref<1050624xf32, #tpu.memory_space<vmem_shared>>) offsets(%dma_start3A_106 : memref<128xi32, #tpu.memory_space<vmem>>) semaphore(%arg11 : memref<!tpu.dma_semaphore, #tpu.memory_space<semaphore_mem>>) {add = true}
    %dma_start3A_109 = arith.constant 7 : i32
    %dma_start3A_110 = arith.constant 0 : i32
    %dma_start3A_111 = tpu.memref_slice %arg7[%dma_start3A_109, %dma_start3A_110] : memref<32x128xi32, #tpu.memory_space<vmem>> -> memref<1x128xi32, #tpu.memory_space<vmem>>
    %dma_start3A_112 = tpu.memref_squeeze %dma_start3A_111 : memref<1x128xi32, #tpu.memory_space<vmem>> -> memref<128xi32, #tpu.memory_space<vmem>>
    %dma_start3A_113 = arith.constant 0 : i32
    %dma_start3A_114 = tpu.memref_slice %arg10[%dma_start3A_113] : memref<1050624xf32, #tpu.memory_space<vmem_shared>> -> memref<1050624xf32, #tpu.memory_space<vmem_shared>>
    tpu.enqueue_indirect_dma source(%arg8 : memref<128xf32, #tpu.memory_space<vmem>>) target(%dma_start3A_114 : memref<1050624xf32, #tpu.memory_space<vmem_shared>>) offsets(%dma_start3A_112 : memref<128xi32, #tpu.memory_space<vmem>>) semaphore(%arg11 : memref<!tpu.dma_semaphore, #tpu.memory_space<semaphore_mem>>) {add = true}
    %dma_start3A_115 = arith.constant 8 : i32
    %dma_start3A_116 = arith.constant 0 : i32
    %dma_start3A_117 = tpu.memref_slice %arg7[%dma_start3A_115, %dma_start3A_116] : memref<32x128xi32, #tpu.memory_space<vmem>> -> memref<1x128xi32, #tpu.memory_space<vmem>>
    %dma_start3A_118 = tpu.memref_squeeze %dma_start3A_117 : memref<1x128xi32, #tpu.memory_space<vmem>> -> memref<128xi32, #tpu.memory_space<vmem>>
    %dma_start3A_119 = arith.constant 0 : i32
    %dma_start3A_120 = tpu.memref_slice %arg10[%dma_start3A_119] : memref<1050624xf32, #tpu.memory_space<vmem_shared>> -> memref<1050624xf32, #tpu.memory_space<vmem_shared>>
    tpu.enqueue_indirect_dma source(%arg8 : memref<128xf32, #tpu.memory_space<vmem>>) target(%dma_start3A_120 : memref<1050624xf32, #tpu.memory_space<vmem_shared>>) offsets(%dma_start3A_118 : memref<128xi32, #tpu.memory_space<vmem>>) semaphore(%arg11 : memref<!tpu.dma_semaphore, #tpu.memory_space<semaphore_mem>>) {add = true}
    %dma_start3A_121 = arith.constant 9 : i32
    %dma_start3A_122 = arith.constant 0 : i32
    %dma_start3A_123 = tpu.memref_slice %arg7[%dma_start3A_121, %dma_start3A_122] : memref<32x128xi32, #tpu.memory_space<vmem>> -> memref<1x128xi32, #tpu.memory_space<vmem>>
    %dma_start3A_124 = tpu.memref_squeeze %dma_start3A_123 : memref<1x128xi32, #tpu.memory_space<vmem>> -> memref<128xi32, #tpu.memory_space<vmem>>
    %dma_start3A_125 = arith.constant 0 : i32
    %dma_start3A_126 = tpu.memref_slice %arg10[%dma_start3A_125] : memref<1050624xf32, #tpu.memory_space<vmem_shared>> -> memref<1050624xf32, #tpu.memory_space<vmem_shared>>
    tpu.enqueue_indirect_dma source(%arg8 : memref<128xf32, #tpu.memory_space<vmem>>) target(%dma_start3A_126 : memref<1050624xf32, #tpu.memory_space<vmem_shared>>) offsets(%dma_start3A_124 : memref<128xi32, #tpu.memory_space<vmem>>) semaphore(%arg11 : memref<!tpu.dma_semaphore, #tpu.memory_space<semaphore_mem>>) {add = true}
    %dma_start3A_127 = arith.constant 10 : i32
    %dma_start3A_128 = arith.constant 0 : i32
    %dma_start3A_129 = tpu.memref_slice %arg7[%dma_start3A_127, %dma_start3A_128] : memref<32x128xi32, #tpu.memory_space<vmem>> -> memref<1x128xi32, #tpu.memory_space<vmem>>
    %dma_start3A_130 = tpu.memref_squeeze %dma_start3A_129 : memref<1x128xi32, #tpu.memory_space<vmem>> -> memref<128xi32, #tpu.memory_space<vmem>>
    %dma_start3A_131 = arith.constant 0 : i32
    %dma_start3A_132 = tpu.memref_slice %arg10[%dma_start3A_131] : memref<1050624xf32, #tpu.memory_space<vmem_shared>> -> memref<1050624xf32, #tpu.memory_space<vmem_shared>>
    tpu.enqueue_indirect_dma source(%arg8 : memref<128xf32, #tpu.memory_space<vmem>>) target(%dma_start3A_132 : memref<1050624xf32, #tpu.memory_space<vmem_shared>>) offsets(%dma_start3A_130 : memref<128xi32, #tpu.memory_space<vmem>>) semaphore(%arg11 : memref<!tpu.dma_semaphore, #tpu.memory_space<semaphore_mem>>) {add = true}
    %dma_start3A_133 = arith.constant 11 : i32
    %dma_start3A_134 = arith.constant 0 : i32
    %dma_start3A_135 = tpu.memref_slice %arg7[%dma_start3A_133, %dma_start3A_134] : memref<32x128xi32, #tpu.memory_space<vmem>> -> memref<1x128xi32, #tpu.memory_space<vmem>>
    %dma_start3A_136 = tpu.memref_squeeze %dma_start3A_135 : memref<1x128xi32, #tpu.memory_space<vmem>> -> memref<128xi32, #tpu.memory_space<vmem>>
    %dma_start3A_137 = arith.constant 0 : i32
    %dma_start3A_138 = tpu.memref_slice %arg10[%dma_start3A_137] : memref<1050624xf32, #tpu.memory_space<vmem_shared>> -> memref<1050624xf32, #tpu.memory_space<vmem_shared>>
    tpu.enqueue_indirect_dma source(%arg8 : memref<128xf32, #tpu.memory_space<vmem>>) target(%dma_start3A_138 : memref<1050624xf32, #tpu.memory_space<vmem_shared>>) offsets(%dma_start3A_136 : memref<128xi32, #tpu.memory_space<vmem>>) semaphore(%arg11 : memref<!tpu.dma_semaphore, #tpu.memory_space<semaphore_mem>>) {add = true}
    %dma_start3A_139 = arith.constant 12 : i32
    %dma_start3A_140 = arith.constant 0 : i32
    %dma_start3A_141 = tpu.memref_slice %arg7[%dma_start3A_139, %dma_start3A_140] : memref<32x128xi32, #tpu.memory_space<vmem>> -> memref<1x128xi32, #tpu.memory_space<vmem>>
    %dma_start3A_142 = tpu.memref_squeeze %dma_start3A_141 : memref<1x128xi32, #tpu.memory_space<vmem>> -> memref<128xi32, #tpu.memory_space<vmem>>
    %dma_start3A_143 = arith.constant 0 : i32
    %dma_start3A_144 = tpu.memref_slice %arg10[%dma_start3A_143] : memref<1050624xf32, #tpu.memory_space<vmem_shared>> -> memref<1050624xf32, #tpu.memory_space<vmem_shared>>
    tpu.enqueue_indirect_dma source(%arg8 : memref<128xf32, #tpu.memory_space<vmem>>) target(%dma_start3A_144 : memref<1050624xf32, #tpu.memory_space<vmem_shared>>) offsets(%dma_start3A_142 : memref<128xi32, #tpu.memory_space<vmem>>) semaphore(%arg11 : memref<!tpu.dma_semaphore, #tpu.memory_space<semaphore_mem>>) {add = true}
    %dma_start3A_145 = arith.constant 13 : i32
    %dma_start3A_146 = arith.constant 0 : i32
    %dma_start3A_147 = tpu.memref_slice %arg7[%dma_start3A_145, %dma_start3A_146] : memref<32x128xi32, #tpu.memory_space<vmem>> -> memref<1x128xi32, #tpu.memory_space<vmem>>
    %dma_start3A_148 = tpu.memref_squeeze %dma_start3A_147 : memref<1x128xi32, #tpu.memory_space<vmem>> -> memref<128xi32, #tpu.memory_space<vmem>>
    %dma_start3A_149 = arith.constant 0 : i32
    %dma_start3A_150 = tpu.memref_slice %arg10[%dma_start3A_149] : memref<1050624xf32, #tpu.memory_space<vmem_shared>> -> memref<1050624xf32, #tpu.memory_space<vmem_shared>>
    tpu.enqueue_indirect_dma source(%arg8 : memref<128xf32, #tpu.memory_space<vmem>>) target(%dma_start3A_150 : memref<1050624xf32, #tpu.memory_space<vmem_shared>>) offsets(%dma_start3A_148 : memref<128xi32, #tpu.memory_space<vmem>>) semaphore(%arg11 : memref<!tpu.dma_semaphore, #tpu.memory_space<semaphore_mem>>) {add = true}
    %dma_start3A_151 = arith.constant 14 : i32
    %dma_start3A_152 = arith.constant 0 : i32
    %dma_start3A_153 = tpu.memref_slice %arg7[%dma_start3A_151, %dma_start3A_152] : memref<32x128xi32, #tpu.memory_space<vmem>> -> memref<1x128xi32, #tpu.memory_space<vmem>>
    %dma_start3A_154 = tpu.memref_squeeze %dma_start3A_153 : memref<1x128xi32, #tpu.memory_space<vmem>> -> memref<128xi32, #tpu.memory_space<vmem>>
    %dma_start3A_155 = arith.constant 0 : i32
    %dma_start3A_156 = tpu.memref_slice %arg10[%dma_start3A_155] : memref<1050624xf32, #tpu.memory_space<vmem_shared>> -> memref<1050624xf32, #tpu.memory_space<vmem_shared>>
    tpu.enqueue_indirect_dma source(%arg8 : memref<128xf32, #tpu.memory_space<vmem>>) target(%dma_start3A_156 : memref<1050624xf32, #tpu.memory_space<vmem_shared>>) offsets(%dma_start3A_154 : memref<128xi32, #tpu.memory_space<vmem>>) semaphore(%arg11 : memref<!tpu.dma_semaphore, #tpu.memory_space<semaphore_mem>>) {add = true}
    %dma_start3A_157 = arith.constant 15 : i32
    %dma_start3A_158 = arith.constant 0 : i32
    %dma_start3A_159 = tpu.memref_slice %arg7[%dma_start3A_157, %dma_start3A_158] : memref<32x128xi32, #tpu.memory_space<vmem>> -> memref<1x128xi32, #tpu.memory_space<vmem>>
    %dma_start3A_160 = tpu.memref_squeeze %dma_start3A_159 : memref<1x128xi32, #tpu.memory_space<vmem>> -> memref<128xi32, #tpu.memory_space<vmem>>
    %dma_start3A_161 = arith.constant 0 : i32
    %dma_start3A_162 = tpu.memref_slice %arg10[%dma_start3A_161] : memref<1050624xf32, #tpu.memory_space<vmem_shared>> -> memref<1050624xf32, #tpu.memory_space<vmem_shared>>
    tpu.enqueue_indirect_dma source(%arg8 : memref<128xf32, #tpu.memory_space<vmem>>) target(%dma_start3A_162 : memref<1050624xf32, #tpu.memory_space<vmem_shared>>) offsets(%dma_start3A_160 : memref<128xi32, #tpu.memory_space<vmem>>) semaphore(%arg11 : memref<!tpu.dma_semaphore, #tpu.memory_space<semaphore_mem>>) {add = true}
    %dma_start3A_163 = arith.constant 16 : i32
    %dma_start3A_164 = arith.constant 0 : i32
    %dma_start3A_165 = tpu.memref_slice %arg7[%dma_start3A_163, %dma_start3A_164] : memref<32x128xi32, #tpu.memory_space<vmem>> -> memref<1x128xi32, #tpu.memory_space<vmem>>
    %dma_start3A_166 = tpu.memref_squeeze %dma_start3A_165 : memref<1x128xi32, #tpu.memory_space<vmem>> -> memref<128xi32, #tpu.memory_space<vmem>>
    %dma_start3A_167 = arith.constant 0 : i32
    %dma_start3A_168 = tpu.memref_slice %arg10[%dma_start3A_167] : memref<1050624xf32, #tpu.memory_space<vmem_shared>> -> memref<1050624xf32, #tpu.memory_space<vmem_shared>>
    tpu.enqueue_indirect_dma source(%arg8 : memref<128xf32, #tpu.memory_space<vmem>>) target(%dma_start3A_168 : memref<1050624xf32, #tpu.memory_space<vmem_shared>>) offsets(%dma_start3A_166 : memref<128xi32, #tpu.memory_space<vmem>>) semaphore(%arg11 : memref<!tpu.dma_semaphore, #tpu.memory_space<semaphore_mem>>) {add = true}
    %dma_start3A_169 = arith.constant 17 : i32
    %dma_start3A_170 = arith.constant 0 : i32
    %dma_start3A_171 = tpu.memref_slice %arg7[%dma_start3A_169, %dma_start3A_170] : memref<32x128xi32, #tpu.memory_space<vmem>> -> memref<1x128xi32, #tpu.memory_space<vmem>>
    %dma_start3A_172 = tpu.memref_squeeze %dma_start3A_171 : memref<1x128xi32, #tpu.memory_space<vmem>> -> memref<128xi32, #tpu.memory_space<vmem>>
    %dma_start3A_173 = arith.constant 0 : i32
    %dma_start3A_174 = tpu.memref_slice %arg10[%dma_start3A_173] : memref<1050624xf32, #tpu.memory_space<vmem_shared>> -> memref<1050624xf32, #tpu.memory_space<vmem_shared>>
    tpu.enqueue_indirect_dma source(%arg8 : memref<128xf32, #tpu.memory_space<vmem>>) target(%dma_start3A_174 : memref<1050624xf32, #tpu.memory_space<vmem_shared>>) offsets(%dma_start3A_172 : memref<128xi32, #tpu.memory_space<vmem>>) semaphore(%arg11 : memref<!tpu.dma_semaphore, #tpu.memory_space<semaphore_mem>>) {add = true}
    %dma_start3A_175 = arith.constant 18 : i32
    %dma_start3A_176 = arith.constant 0 : i32
    %dma_start3A_177 = tpu.memref_slice %arg7[%dma_start3A_175, %dma_start3A_176] : memref<32x128xi32, #tpu.memory_space<vmem>> -> memref<1x128xi32, #tpu.memory_space<vmem>>
    %dma_start3A_178 = tpu.memref_squeeze %dma_start3A_177 : memref<1x128xi32, #tpu.memory_space<vmem>> -> memref<128xi32, #tpu.memory_space<vmem>>
    %dma_start3A_179 = arith.constant 0 : i32
    %dma_start3A_180 = tpu.memref_slice %arg10[%dma_start3A_179] : memref<1050624xf32, #tpu.memory_space<vmem_shared>> -> memref<1050624xf32, #tpu.memory_space<vmem_shared>>
    tpu.enqueue_indirect_dma source(%arg8 : memref<128xf32, #tpu.memory_space<vmem>>) target(%dma_start3A_180 : memref<1050624xf32, #tpu.memory_space<vmem_shared>>) offsets(%dma_start3A_178 : memref<128xi32, #tpu.memory_space<vmem>>) semaphore(%arg11 : memref<!tpu.dma_semaphore, #tpu.memory_space<semaphore_mem>>) {add = true}
    %dma_start3A_181 = arith.constant 19 : i32
    %dma_start3A_182 = arith.constant 0 : i32
    %dma_start3A_183 = tpu.memref_slice %arg7[%dma_start3A_181, %dma_start3A_182] : memref<32x128xi32, #tpu.memory_space<vmem>> -> memref<1x128xi32, #tpu.memory_space<vmem>>
    %dma_start3A_184 = tpu.memref_squeeze %dma_start3A_183 : memref<1x128xi32, #tpu.memory_space<vmem>> -> memref<128xi32, #tpu.memory_space<vmem>>
    %dma_start3A_185 = arith.constant 0 : i32
    %dma_start3A_186 = tpu.memref_slice %arg10[%dma_start3A_185] : memref<1050624xf32, #tpu.memory_space<vmem_shared>> -> memref<1050624xf32, #tpu.memory_space<vmem_shared>>
    tpu.enqueue_indirect_dma source(%arg8 : memref<128xf32, #tpu.memory_space<vmem>>) target(%dma_start3A_186 : memref<1050624xf32, #tpu.memory_space<vmem_shared>>) offsets(%dma_start3A_184 : memref<128xi32, #tpu.memory_space<vmem>>) semaphore(%arg11 : memref<!tpu.dma_semaphore, #tpu.memory_space<semaphore_mem>>) {add = true}
    %dma_start3A_187 = arith.constant 20 : i32
    %dma_start3A_188 = arith.constant 0 : i32
    %dma_start3A_189 = tpu.memref_slice %arg7[%dma_start3A_187, %dma_start3A_188] : memref<32x128xi32, #tpu.memory_space<vmem>> -> memref<1x128xi32, #tpu.memory_space<vmem>>
    %dma_start3A_190 = tpu.memref_squeeze %dma_start3A_189 : memref<1x128xi32, #tpu.memory_space<vmem>> -> memref<128xi32, #tpu.memory_space<vmem>>
    %dma_start3A_191 = arith.constant 0 : i32
    %dma_start3A_192 = tpu.memref_slice %arg10[%dma_start3A_191] : memref<1050624xf32, #tpu.memory_space<vmem_shared>> -> memref<1050624xf32, #tpu.memory_space<vmem_shared>>
    tpu.enqueue_indirect_dma source(%arg8 : memref<128xf32, #tpu.memory_space<vmem>>) target(%dma_start3A_192 : memref<1050624xf32, #tpu.memory_space<vmem_shared>>) offsets(%dma_start3A_190 : memref<128xi32, #tpu.memory_space<vmem>>) semaphore(%arg11 : memref<!tpu.dma_semaphore, #tpu.memory_space<semaphore_mem>>) {add = true}
    %dma_start3A_193 = arith.constant 21 : i32
    %dma_start3A_194 = arith.constant 0 : i32
    %dma_start3A_195 = tpu.memref_slice %arg7[%dma_start3A_193, %dma_start3A_194] : memref<32x128xi32, #tpu.memory_space<vmem>> -> memref<1x128xi32, #tpu.memory_space<vmem>>
    %dma_start3A_196 = tpu.memref_squeeze %dma_start3A_195 : memref<1x128xi32, #tpu.memory_space<vmem>> -> memref<128xi32, #tpu.memory_space<vmem>>
    %dma_start3A_197 = arith.constant 0 : i32
    %dma_start3A_198 = tpu.memref_slice %arg10[%dma_start3A_197] : memref<1050624xf32, #tpu.memory_space<vmem_shared>> -> memref<1050624xf32, #tpu.memory_space<vmem_shared>>
    tpu.enqueue_indirect_dma source(%arg8 : memref<128xf32, #tpu.memory_space<vmem>>) target(%dma_start3A_198 : memref<1050624xf32, #tpu.memory_space<vmem_shared>>) offsets(%dma_start3A_196 : memref<128xi32, #tpu.memory_space<vmem>>) semaphore(%arg11 : memref<!tpu.dma_semaphore, #tpu.memory_space<semaphore_mem>>) {add = true}
    %dma_start3A_199 = arith.constant 22 : i32
    %dma_start3A_200 = arith.constant 0 : i32
    %dma_start3A_201 = tpu.memref_slice %arg7[%dma_start3A_199, %dma_start3A_200] : memref<32x128xi32, #tpu.memory_space<vmem>> -> memref<1x128xi32, #tpu.memory_space<vmem>>
    %dma_start3A_202 = tpu.memref_squeeze %dma_start3A_201 : memref<1x128xi32, #tpu.memory_space<vmem>> -> memref<128xi32, #tpu.memory_space<vmem>>
    %dma_start3A_203 = arith.constant 0 : i32
    %dma_start3A_204 = tpu.memref_slice %arg10[%dma_start3A_203] : memref<1050624xf32, #tpu.memory_space<vmem_shared>> -> memref<1050624xf32, #tpu.memory_space<vmem_shared>>
    tpu.enqueue_indirect_dma source(%arg8 : memref<128xf32, #tpu.memory_space<vmem>>) target(%dma_start3A_204 : memref<1050624xf32, #tpu.memory_space<vmem_shared>>) offsets(%dma_start3A_202 : memref<128xi32, #tpu.memory_space<vmem>>) semaphore(%arg11 : memref<!tpu.dma_semaphore, #tpu.memory_space<semaphore_mem>>) {add = true}
    %dma_start3A_205 = arith.constant 23 : i32
    %dma_start3A_206 = arith.constant 0 : i32
    %dma_start3A_207 = tpu.memref_slice %arg7[%dma_start3A_205, %dma_start3A_206] : memref<32x128xi32, #tpu.memory_space<vmem>> -> memref<1x128xi32, #tpu.memory_space<vmem>>
    %dma_start3A_208 = tpu.memref_squeeze %dma_start3A_207 : memref<1x128xi32, #tpu.memory_space<vmem>> -> memref<128xi32, #tpu.memory_space<vmem>>
    %dma_start3A_209 = arith.constant 0 : i32
    %dma_start3A_210 = tpu.memref_slice %arg10[%dma_start3A_209] : memref<1050624xf32, #tpu.memory_space<vmem_shared>> -> memref<1050624xf32, #tpu.memory_space<vmem_shared>>
    tpu.enqueue_indirect_dma source(%arg8 : memref<128xf32, #tpu.memory_space<vmem>>) target(%dma_start3A_210 : memref<1050624xf32, #tpu.memory_space<vmem_shared>>) offsets(%dma_start3A_208 : memref<128xi32, #tpu.memory_space<vmem>>) semaphore(%arg11 : memref<!tpu.dma_semaphore, #tpu.memory_space<semaphore_mem>>) {add = true}
    %dma_start3A_211 = arith.constant 24 : i32
    %dma_start3A_212 = arith.constant 0 : i32
    %dma_start3A_213 = tpu.memref_slice %arg7[%dma_start3A_211, %dma_start3A_212] : memref<32x128xi32, #tpu.memory_space<vmem>> -> memref<1x128xi32, #tpu.memory_space<vmem>>
    %dma_start3A_214 = tpu.memref_squeeze %dma_start3A_213 : memref<1x128xi32, #tpu.memory_space<vmem>> -> memref<128xi32, #tpu.memory_space<vmem>>
    %dma_start3A_215 = arith.constant 0 : i32
    %dma_start3A_216 = tpu.memref_slice %arg10[%dma_start3A_215] : memref<1050624xf32, #tpu.memory_space<vmem_shared>> -> memref<1050624xf32, #tpu.memory_space<vmem_shared>>
    tpu.enqueue_indirect_dma source(%arg8 : memref<128xf32, #tpu.memory_space<vmem>>) target(%dma_start3A_216 : memref<1050624xf32, #tpu.memory_space<vmem_shared>>) offsets(%dma_start3A_214 : memref<128xi32, #tpu.memory_space<vmem>>) semaphore(%arg11 : memref<!tpu.dma_semaphore, #tpu.memory_space<semaphore_mem>>) {add = true}
    %dma_start3A_217 = arith.constant 25 : i32
    %dma_start3A_218 = arith.constant 0 : i32
    %dma_start3A_219 = tpu.memref_slice %arg7[%dma_start3A_217, %dma_start3A_218] : memref<32x128xi32, #tpu.memory_space<vmem>> -> memref<1x128xi32, #tpu.memory_space<vmem>>
    %dma_start3A_220 = tpu.memref_squeeze %dma_start3A_219 : memref<1x128xi32, #tpu.memory_space<vmem>> -> memref<128xi32, #tpu.memory_space<vmem>>
    %dma_start3A_221 = arith.constant 0 : i32
    %dma_start3A_222 = tpu.memref_slice %arg10[%dma_start3A_221] : memref<1050624xf32, #tpu.memory_space<vmem_shared>> -> memref<1050624xf32, #tpu.memory_space<vmem_shared>>
    tpu.enqueue_indirect_dma source(%arg8 : memref<128xf32, #tpu.memory_space<vmem>>) target(%dma_start3A_222 : memref<1050624xf32, #tpu.memory_space<vmem_shared>>) offsets(%dma_start3A_220 : memref<128xi32, #tpu.memory_space<vmem>>) semaphore(%arg11 : memref<!tpu.dma_semaphore, #tpu.memory_space<semaphore_mem>>) {add = true}
    %dma_start3A_223 = arith.constant 26 : i32
    %dma_start3A_224 = arith.constant 0 : i32
    %dma_start3A_225 = tpu.memref_slice %arg7[%dma_start3A_223, %dma_start3A_224] : memref<32x128xi32, #tpu.memory_space<vmem>> -> memref<1x128xi32, #tpu.memory_space<vmem>>
    %dma_start3A_226 = tpu.memref_squeeze %dma_start3A_225 : memref<1x128xi32, #tpu.memory_space<vmem>> -> memref<128xi32, #tpu.memory_space<vmem>>
    %dma_start3A_227 = arith.constant 0 : i32
    %dma_start3A_228 = tpu.memref_slice %arg10[%dma_start3A_227] : memref<1050624xf32, #tpu.memory_space<vmem_shared>> -> memref<1050624xf32, #tpu.memory_space<vmem_shared>>
    tpu.enqueue_indirect_dma source(%arg8 : memref<128xf32, #tpu.memory_space<vmem>>) target(%dma_start3A_228 : memref<1050624xf32, #tpu.memory_space<vmem_shared>>) offsets(%dma_start3A_226 : memref<128xi32, #tpu.memory_space<vmem>>) semaphore(%arg11 : memref<!tpu.dma_semaphore, #tpu.memory_space<semaphore_mem>>) {add = true}
    %dma_start3A_229 = arith.constant 27 : i32
    %dma_start3A_230 = arith.constant 0 : i32
    %dma_start3A_231 = tpu.memref_slice %arg7[%dma_start3A_229, %dma_start3A_230] : memref<32x128xi32, #tpu.memory_space<vmem>> -> memref<1x128xi32, #tpu.memory_space<vmem>>
    %dma_start3A_232 = tpu.memref_squeeze %dma_start3A_231 : memref<1x128xi32, #tpu.memory_space<vmem>> -> memref<128xi32, #tpu.memory_space<vmem>>
    %dma_start3A_233 = arith.constant 0 : i32
    %dma_start3A_234 = tpu.memref_slice %arg10[%dma_start3A_233] : memref<1050624xf32, #tpu.memory_space<vmem_shared>> -> memref<1050624xf32, #tpu.memory_space<vmem_shared>>
    tpu.enqueue_indirect_dma source(%arg8 : memref<128xf32, #tpu.memory_space<vmem>>) target(%dma_start3A_234 : memref<1050624xf32, #tpu.memory_space<vmem_shared>>) offsets(%dma_start3A_232 : memref<128xi32, #tpu.memory_space<vmem>>) semaphore(%arg11 : memref<!tpu.dma_semaphore, #tpu.memory_space<semaphore_mem>>) {add = true}
    %dma_start3A_235 = arith.constant 28 : i32
    %dma_start3A_236 = arith.constant 0 : i32
    %dma_start3A_237 = tpu.memref_slice %arg7[%dma_start3A_235, %dma_start3A_236] : memref<32x128xi32, #tpu.memory_space<vmem>> -> memref<1x128xi32, #tpu.memory_space<vmem>>
    %dma_start3A_238 = tpu.memref_squeeze %dma_start3A_237 : memref<1x128xi32, #tpu.memory_space<vmem>> -> memref<128xi32, #tpu.memory_space<vmem>>
    %dma_start3A_239 = arith.constant 0 : i32
    %dma_start3A_240 = tpu.memref_slice %arg10[%dma_start3A_239] : memref<1050624xf32, #tpu.memory_space<vmem_shared>> -> memref<1050624xf32, #tpu.memory_space<vmem_shared>>
    tpu.enqueue_indirect_dma source(%arg8 : memref<128xf32, #tpu.memory_space<vmem>>) target(%dma_start3A_240 : memref<1050624xf32, #tpu.memory_space<vmem_shared>>) offsets(%dma_start3A_238 : memref<128xi32, #tpu.memory_space<vmem>>) semaphore(%arg11 : memref<!tpu.dma_semaphore, #tpu.memory_space<semaphore_mem>>) {add = true}
    %dma_start3A_241 = arith.constant 29 : i32
    %dma_start3A_242 = arith.constant 0 : i32
    %dma_start3A_243 = tpu.memref_slice %arg7[%dma_start3A_241, %dma_start3A_242] : memref<32x128xi32, #tpu.memory_space<vmem>> -> memref<1x128xi32, #tpu.memory_space<vmem>>
    %dma_start3A_244 = tpu.memref_squeeze %dma_start3A_243 : memref<1x128xi32, #tpu.memory_space<vmem>> -> memref<128xi32, #tpu.memory_space<vmem>>
    %dma_start3A_245 = arith.constant 0 : i32
    %dma_start3A_246 = tpu.memref_slice %arg10[%dma_start3A_245] : memref<1050624xf32, #tpu.memory_space<vmem_shared>> -> memref<1050624xf32, #tpu.memory_space<vmem_shared>>
    tpu.enqueue_indirect_dma source(%arg8 : memref<128xf32, #tpu.memory_space<vmem>>) target(%dma_start3A_246 : memref<1050624xf32, #tpu.memory_space<vmem_shared>>) offsets(%dma_start3A_244 : memref<128xi32, #tpu.memory_space<vmem>>) semaphore(%arg11 : memref<!tpu.dma_semaphore, #tpu.memory_space<semaphore_mem>>) {add = true}
    %dma_start3A_247 = arith.constant 30 : i32
    %dma_start3A_248 = arith.constant 0 : i32
    %dma_start3A_249 = tpu.memref_slice %arg7[%dma_start3A_247, %dma_start3A_248] : memref<32x128xi32, #tpu.memory_space<vmem>> -> memref<1x128xi32, #tpu.memory_space<vmem>>
    %dma_start3A_250 = tpu.memref_squeeze %dma_start3A_249 : memref<1x128xi32, #tpu.memory_space<vmem>> -> memref<128xi32, #tpu.memory_space<vmem>>
    %dma_start3A_251 = arith.constant 0 : i32
    %dma_start3A_252 = tpu.memref_slice %arg10[%dma_start3A_251] : memref<1050624xf32, #tpu.memory_space<vmem_shared>> -> memref<1050624xf32, #tpu.memory_space<vmem_shared>>
    tpu.enqueue_indirect_dma source(%arg8 : memref<128xf32, #tpu.memory_space<vmem>>) target(%dma_start3A_252 : memref<1050624xf32, #tpu.memory_space<vmem_shared>>) offsets(%dma_start3A_250 : memref<128xi32, #tpu.memory_space<vmem>>) semaphore(%arg11 : memref<!tpu.dma_semaphore, #tpu.memory_space<semaphore_mem>>) {add = true}
    %dma_start3A_253 = arith.constant 31 : i32
    %dma_start3A_254 = arith.constant 0 : i32
    %dma_start3A_255 = tpu.memref_slice %arg7[%dma_start3A_253, %dma_start3A_254] : memref<32x128xi32, #tpu.memory_space<vmem>> -> memref<1x128xi32, #tpu.memory_space<vmem>>
    %dma_start3A_256 = tpu.memref_squeeze %dma_start3A_255 : memref<1x128xi32, #tpu.memory_space<vmem>> -> memref<128xi32, #tpu.memory_space<vmem>>
    %dma_start3A_257 = arith.constant 0 : i32
    %dma_start3A_258 = tpu.memref_slice %arg10[%dma_start3A_257] : memref<1050624xf32, #tpu.memory_space<vmem_shared>> -> memref<1050624xf32, #tpu.memory_space<vmem_shared>>
    tpu.enqueue_indirect_dma source(%arg8 : memref<128xf32, #tpu.memory_space<vmem>>) target(%dma_start3A_258 : memref<1050624xf32, #tpu.memory_space<vmem_shared>>) offsets(%dma_start3A_256 : memref<128xi32, #tpu.memory_space<vmem>>) semaphore(%arg11 : memref<!tpu.dma_semaphore, #tpu.memory_space<semaphore_mem>>) {add = true}
    %dma_wait3A_259 = arith.constant 0 : i32
    %dma_wait3A_260 = arith.constant 0 : i32
    %dma_wait3A_261 = tpu.memref_slice %arg7[%dma_wait3A_259, %dma_wait3A_260] : memref<32x128xi32, #tpu.memory_space<vmem>> -> memref<1x128xi32, #tpu.memory_space<vmem>>
    %dma_wait3A_262 = tpu.memref_squeeze %dma_wait3A_261 : memref<1x128xi32, #tpu.memory_space<vmem>> -> memref<128xi32, #tpu.memory_space<vmem>>
    %dma_wait3A_263 = arith.constant 0 : i32
    %dma_wait3A_264 = tpu.memref_slice %arg10[%dma_wait3A_263] : memref<1050624xf32, #tpu.memory_space<vmem_shared>> -> memref<1050624xf32, #tpu.memory_space<vmem_shared>>
    tpu.wait_indirect_dma semaphore(%arg11 : memref<!tpu.dma_semaphore, #tpu.memory_space<semaphore_mem>>) src(%arg8 : memref<128xf32, #tpu.memory_space<vmem>>) dst(%dma_wait3A_264 : memref<1050624xf32, #tpu.memory_space<vmem_shared>>)
    %dma_wait3A_265 = arith.constant 1 : i32
    %dma_wait3A_266 = arith.constant 0 : i32
    %dma_wait3A_267 = tpu.memref_slice %arg7[%dma_wait3A_265, %dma_wait3A_266] : memref<32x128xi32, #tpu.memory_space<vmem>> -> memref<1x128xi32, #tpu.memory_space<vmem>>
    %dma_wait3A_268 = tpu.memref_squeeze %dma_wait3A_267 : memref<1x128xi32, #tpu.memory_space<vmem>> -> memref<128xi32, #tpu.memory_space<vmem>>
    %dma_wait3A_269 = arith.constant 0 : i32
    %dma_wait3A_270 = tpu.memref_slice %arg10[%dma_wait3A_269] : memref<1050624xf32, #tpu.memory_space<vmem_shared>> -> memref<1050624xf32, #tpu.memory_space<vmem_shared>>
    tpu.wait_indirect_dma semaphore(%arg11 : memref<!tpu.dma_semaphore, #tpu.memory_space<semaphore_mem>>) src(%arg8 : memref<128xf32, #tpu.memory_space<vmem>>) dst(%dma_wait3A_270 : memref<1050624xf32, #tpu.memory_space<vmem_shared>>)
    %dma_wait3A_271 = arith.constant 2 : i32
    %dma_wait3A_272 = arith.constant 0 : i32
    %dma_wait3A_273 = tpu.memref_slice %arg7[%dma_wait3A_271, %dma_wait3A_272] : memref<32x128xi32, #tpu.memory_space<vmem>> -> memref<1x128xi32, #tpu.memory_space<vmem>>
    %dma_wait3A_274 = tpu.memref_squeeze %dma_wait3A_273 : memref<1x128xi32, #tpu.memory_space<vmem>> -> memref<128xi32, #tpu.memory_space<vmem>>
    %dma_wait3A_275 = arith.constant 0 : i32
    %dma_wait3A_276 = tpu.memref_slice %arg10[%dma_wait3A_275] : memref<1050624xf32, #tpu.memory_space<vmem_shared>> -> memref<1050624xf32, #tpu.memory_space<vmem_shared>>
    tpu.wait_indirect_dma semaphore(%arg11 : memref<!tpu.dma_semaphore, #tpu.memory_space<semaphore_mem>>) src(%arg8 : memref<128xf32, #tpu.memory_space<vmem>>) dst(%dma_wait3A_276 : memref<1050624xf32, #tpu.memory_space<vmem_shared>>)
    %dma_wait3A_277 = arith.constant 3 : i32
    %dma_wait3A_278 = arith.constant 0 : i32
    %dma_wait3A_279 = tpu.memref_slice %arg7[%dma_wait3A_277, %dma_wait3A_278] : memref<32x128xi32, #tpu.memory_space<vmem>> -> memref<1x128xi32, #tpu.memory_space<vmem>>
    %dma_wait3A_280 = tpu.memref_squeeze %dma_wait3A_279 : memref<1x128xi32, #tpu.memory_space<vmem>> -> memref<128xi32, #tpu.memory_space<vmem>>
    %dma_wait3A_281 = arith.constant 0 : i32
    %dma_wait3A_282 = tpu.memref_slice %arg10[%dma_wait3A_281] : memref<1050624xf32, #tpu.memory_space<vmem_shared>> -> memref<1050624xf32, #tpu.memory_space<vmem_shared>>
    tpu.wait_indirect_dma semaphore(%arg11 : memref<!tpu.dma_semaphore, #tpu.memory_space<semaphore_mem>>) src(%arg8 : memref<128xf32, #tpu.memory_space<vmem>>) dst(%dma_wait3A_282 : memref<1050624xf32, #tpu.memory_space<vmem_shared>>)
    %dma_wait3A_283 = arith.constant 4 : i32
    %dma_wait3A_284 = arith.constant 0 : i32
    %dma_wait3A_285 = tpu.memref_slice %arg7[%dma_wait3A_283, %dma_wait3A_284] : memref<32x128xi32, #tpu.memory_space<vmem>> -> memref<1x128xi32, #tpu.memory_space<vmem>>
    %dma_wait3A_286 = tpu.memref_squeeze %dma_wait3A_285 : memref<1x128xi32, #tpu.memory_space<vmem>> -> memref<128xi32, #tpu.memory_space<vmem>>
    %dma_wait3A_287 = arith.constant 0 : i32
    %dma_wait3A_288 = tpu.memref_slice %arg10[%dma_wait3A_287] : memref<1050624xf32, #tpu.memory_space<vmem_shared>> -> memref<1050624xf32, #tpu.memory_space<vmem_shared>>
    tpu.wait_indirect_dma semaphore(%arg11 : memref<!tpu.dma_semaphore, #tpu.memory_space<semaphore_mem>>) src(%arg8 : memref<128xf32, #tpu.memory_space<vmem>>) dst(%dma_wait3A_288 : memref<1050624xf32, #tpu.memory_space<vmem_shared>>)
    %dma_wait3A_289 = arith.constant 5 : i32
    %dma_wait3A_290 = arith.constant 0 : i32
    %dma_wait3A_291 = tpu.memref_slice %arg7[%dma_wait3A_289, %dma_wait3A_290] : memref<32x128xi32, #tpu.memory_space<vmem>> -> memref<1x128xi32, #tpu.memory_space<vmem>>
    %dma_wait3A_292 = tpu.memref_squeeze %dma_wait3A_291 : memref<1x128xi32, #tpu.memory_space<vmem>> -> memref<128xi32, #tpu.memory_space<vmem>>
    %dma_wait3A_293 = arith.constant 0 : i32
    %dma_wait3A_294 = tpu.memref_slice %arg10[%dma_wait3A_293] : memref<1050624xf32, #tpu.memory_space<vmem_shared>> -> memref<1050624xf32, #tpu.memory_space<vmem_shared>>
    tpu.wait_indirect_dma semaphore(%arg11 : memref<!tpu.dma_semaphore, #tpu.memory_space<semaphore_mem>>) src(%arg8 : memref<128xf32, #tpu.memory_space<vmem>>) dst(%dma_wait3A_294 : memref<1050624xf32, #tpu.memory_space<vmem_shared>>)
    %dma_wait3A_295 = arith.constant 6 : i32
    %dma_wait3A_296 = arith.constant 0 : i32
    %dma_wait3A_297 = tpu.memref_slice %arg7[%dma_wait3A_295, %dma_wait3A_296] : memref<32x128xi32, #tpu.memory_space<vmem>> -> memref<1x128xi32, #tpu.memory_space<vmem>>
    %dma_wait3A_298 = tpu.memref_squeeze %dma_wait3A_297 : memref<1x128xi32, #tpu.memory_space<vmem>> -> memref<128xi32, #tpu.memory_space<vmem>>
    %dma_wait3A_299 = arith.constant 0 : i32
    %dma_wait3A_300 = tpu.memref_slice %arg10[%dma_wait3A_299] : memref<1050624xf32, #tpu.memory_space<vmem_shared>> -> memref<1050624xf32, #tpu.memory_space<vmem_shared>>
    tpu.wait_indirect_dma semaphore(%arg11 : memref<!tpu.dma_semaphore, #tpu.memory_space<semaphore_mem>>) src(%arg8 : memref<128xf32, #tpu.memory_space<vmem>>) dst(%dma_wait3A_300 : memref<1050624xf32, #tpu.memory_space<vmem_shared>>)
    %dma_wait3A_301 = arith.constant 7 : i32
    %dma_wait3A_302 = arith.constant 0 : i32
    %dma_wait3A_303 = tpu.memref_slice %arg7[%dma_wait3A_301, %dma_wait3A_302] : memref<32x128xi32, #tpu.memory_space<vmem>> -> memref<1x128xi32, #tpu.memory_space<vmem>>
    %dma_wait3A_304 = tpu.memref_squeeze %dma_wait3A_303 : memref<1x128xi32, #tpu.memory_space<vmem>> -> memref<128xi32, #tpu.memory_space<vmem>>
    %dma_wait3A_305 = arith.constant 0 : i32
    %dma_wait3A_306 = tpu.memref_slice %arg10[%dma_wait3A_305] : memref<1050624xf32, #tpu.memory_space<vmem_shared>> -> memref<1050624xf32, #tpu.memory_space<vmem_shared>>
    tpu.wait_indirect_dma semaphore(%arg11 : memref<!tpu.dma_semaphore, #tpu.memory_space<semaphore_mem>>) src(%arg8 : memref<128xf32, #tpu.memory_space<vmem>>) dst(%dma_wait3A_306 : memref<1050624xf32, #tpu.memory_space<vmem_shared>>)
    %dma_wait3A_307 = arith.constant 8 : i32
    %dma_wait3A_308 = arith.constant 0 : i32
    %dma_wait3A_309 = tpu.memref_slice %arg7[%dma_wait3A_307, %dma_wait3A_308] : memref<32x128xi32, #tpu.memory_space<vmem>> -> memref<1x128xi32, #tpu.memory_space<vmem>>
    %dma_wait3A_310 = tpu.memref_squeeze %dma_wait3A_309 : memref<1x128xi32, #tpu.memory_space<vmem>> -> memref<128xi32, #tpu.memory_space<vmem>>
    %dma_wait3A_311 = arith.constant 0 : i32
    %dma_wait3A_312 = tpu.memref_slice %arg10[%dma_wait3A_311] : memref<1050624xf32, #tpu.memory_space<vmem_shared>> -> memref<1050624xf32, #tpu.memory_space<vmem_shared>>
    tpu.wait_indirect_dma semaphore(%arg11 : memref<!tpu.dma_semaphore, #tpu.memory_space<semaphore_mem>>) src(%arg8 : memref<128xf32, #tpu.memory_space<vmem>>) dst(%dma_wait3A_312 : memref<1050624xf32, #tpu.memory_space<vmem_shared>>)
    %dma_wait3A_313 = arith.constant 9 : i32
    %dma_wait3A_314 = arith.constant 0 : i32
    %dma_wait3A_315 = tpu.memref_slice %arg7[%dma_wait3A_313, %dma_wait3A_314] : memref<32x128xi32, #tpu.memory_space<vmem>> -> memref<1x128xi32, #tpu.memory_space<vmem>>
    %dma_wait3A_316 = tpu.memref_squeeze %dma_wait3A_315 : memref<1x128xi32, #tpu.memory_space<vmem>> -> memref<128xi32, #tpu.memory_space<vmem>>
    %dma_wait3A_317 = arith.constant 0 : i32
    %dma_wait3A_318 = tpu.memref_slice %arg10[%dma_wait3A_317] : memref<1050624xf32, #tpu.memory_space<vmem_shared>> -> memref<1050624xf32, #tpu.memory_space<vmem_shared>>
    tpu.wait_indirect_dma semaphore(%arg11 : memref<!tpu.dma_semaphore, #tpu.memory_space<semaphore_mem>>) src(%arg8 : memref<128xf32, #tpu.memory_space<vmem>>) dst(%dma_wait3A_318 : memref<1050624xf32, #tpu.memory_space<vmem_shared>>)
    %dma_wait3A_319 = arith.constant 10 : i32
    %dma_wait3A_320 = arith.constant 0 : i32
    %dma_wait3A_321 = tpu.memref_slice %arg7[%dma_wait3A_319, %dma_wait3A_320] : memref<32x128xi32, #tpu.memory_space<vmem>> -> memref<1x128xi32, #tpu.memory_space<vmem>>
    %dma_wait3A_322 = tpu.memref_squeeze %dma_wait3A_321 : memref<1x128xi32, #tpu.memory_space<vmem>> -> memref<128xi32, #tpu.memory_space<vmem>>
    %dma_wait3A_323 = arith.constant 0 : i32
    %dma_wait3A_324 = tpu.memref_slice %arg10[%dma_wait3A_323] : memref<1050624xf32, #tpu.memory_space<vmem_shared>> -> memref<1050624xf32, #tpu.memory_space<vmem_shared>>
    tpu.wait_indirect_dma semaphore(%arg11 : memref<!tpu.dma_semaphore, #tpu.memory_space<semaphore_mem>>) src(%arg8 : memref<128xf32, #tpu.memory_space<vmem>>) dst(%dma_wait3A_324 : memref<1050624xf32, #tpu.memory_space<vmem_shared>>)
    %dma_wait3A_325 = arith.constant 11 : i32
    %dma_wait3A_326 = arith.constant 0 : i32
    %dma_wait3A_327 = tpu.memref_slice %arg7[%dma_wait3A_325, %dma_wait3A_326] : memref<32x128xi32, #tpu.memory_space<vmem>> -> memref<1x128xi32, #tpu.memory_space<vmem>>
    %dma_wait3A_328 = tpu.memref_squeeze %dma_wait3A_327 : memref<1x128xi32, #tpu.memory_space<vmem>> -> memref<128xi32, #tpu.memory_space<vmem>>
    %dma_wait3A_329 = arith.constant 0 : i32
    %dma_wait3A_330 = tpu.memref_slice %arg10[%dma_wait3A_329] : memref<1050624xf32, #tpu.memory_space<vmem_shared>> -> memref<1050624xf32, #tpu.memory_space<vmem_shared>>
    tpu.wait_indirect_dma semaphore(%arg11 : memref<!tpu.dma_semaphore, #tpu.memory_space<semaphore_mem>>) src(%arg8 : memref<128xf32, #tpu.memory_space<vmem>>) dst(%dma_wait3A_330 : memref<1050624xf32, #tpu.memory_space<vmem_shared>>)
    %dma_wait3A_331 = arith.constant 12 : i32
    %dma_wait3A_332 = arith.constant 0 : i32
    %dma_wait3A_333 = tpu.memref_slice %arg7[%dma_wait3A_331, %dma_wait3A_332] : memref<32x128xi32, #tpu.memory_space<vmem>> -> memref<1x128xi32, #tpu.memory_space<vmem>>
    %dma_wait3A_334 = tpu.memref_squeeze %dma_wait3A_333 : memref<1x128xi32, #tpu.memory_space<vmem>> -> memref<128xi32, #tpu.memory_space<vmem>>
    %dma_wait3A_335 = arith.constant 0 : i32
    %dma_wait3A_336 = tpu.memref_slice %arg10[%dma_wait3A_335] : memref<1050624xf32, #tpu.memory_space<vmem_shared>> -> memref<1050624xf32, #tpu.memory_space<vmem_shared>>
    tpu.wait_indirect_dma semaphore(%arg11 : memref<!tpu.dma_semaphore, #tpu.memory_space<semaphore_mem>>) src(%arg8 : memref<128xf32, #tpu.memory_space<vmem>>) dst(%dma_wait3A_336 : memref<1050624xf32, #tpu.memory_space<vmem_shared>>)
    %dma_wait3A_337 = arith.constant 13 : i32
    %dma_wait3A_338 = arith.constant 0 : i32
    %dma_wait3A_339 = tpu.memref_slice %arg7[%dma_wait3A_337, %dma_wait3A_338] : memref<32x128xi32, #tpu.memory_space<vmem>> -> memref<1x128xi32, #tpu.memory_space<vmem>>
    %dma_wait3A_340 = tpu.memref_squeeze %dma_wait3A_339 : memref<1x128xi32, #tpu.memory_space<vmem>> -> memref<128xi32, #tpu.memory_space<vmem>>
    %dma_wait3A_341 = arith.constant 0 : i32
    %dma_wait3A_342 = tpu.memref_slice %arg10[%dma_wait3A_341] : memref<1050624xf32, #tpu.memory_space<vmem_shared>> -> memref<1050624xf32, #tpu.memory_space<vmem_shared>>
    tpu.wait_indirect_dma semaphore(%arg11 : memref<!tpu.dma_semaphore, #tpu.memory_space<semaphore_mem>>) src(%arg8 : memref<128xf32, #tpu.memory_space<vmem>>) dst(%dma_wait3A_342 : memref<1050624xf32, #tpu.memory_space<vmem_shared>>)
    %dma_wait3A_343 = arith.constant 14 : i32
    %dma_wait3A_344 = arith.constant 0 : i32
    %dma_wait3A_345 = tpu.memref_slice %arg7[%dma_wait3A_343, %dma_wait3A_344] : memref<32x128xi32, #tpu.memory_space<vmem>> -> memref<1x128xi32, #tpu.memory_space<vmem>>
    %dma_wait3A_346 = tpu.memref_squeeze %dma_wait3A_345 : memref<1x128xi32, #tpu.memory_space<vmem>> -> memref<128xi32, #tpu.memory_space<vmem>>
    %dma_wait3A_347 = arith.constant 0 : i32
    %dma_wait3A_348 = tpu.memref_slice %arg10[%dma_wait3A_347] : memref<1050624xf32, #tpu.memory_space<vmem_shared>> -> memref<1050624xf32, #tpu.memory_space<vmem_shared>>
    tpu.wait_indirect_dma semaphore(%arg11 : memref<!tpu.dma_semaphore, #tpu.memory_space<semaphore_mem>>) src(%arg8 : memref<128xf32, #tpu.memory_space<vmem>>) dst(%dma_wait3A_348 : memref<1050624xf32, #tpu.memory_space<vmem_shared>>)
    %dma_wait3A_349 = arith.constant 15 : i32
    %dma_wait3A_350 = arith.constant 0 : i32
    %dma_wait3A_351 = tpu.memref_slice %arg7[%dma_wait3A_349, %dma_wait3A_350] : memref<32x128xi32, #tpu.memory_space<vmem>> -> memref<1x128xi32, #tpu.memory_space<vmem>>
    %dma_wait3A_352 = tpu.memref_squeeze %dma_wait3A_351 : memref<1x128xi32, #tpu.memory_space<vmem>> -> memref<128xi32, #tpu.memory_space<vmem>>
    %dma_wait3A_353 = arith.constant 0 : i32
    %dma_wait3A_354 = tpu.memref_slice %arg10[%dma_wait3A_353] : memref<1050624xf32, #tpu.memory_space<vmem_shared>> -> memref<1050624xf32, #tpu.memory_space<vmem_shared>>
    tpu.wait_indirect_dma semaphore(%arg11 : memref<!tpu.dma_semaphore, #tpu.memory_space<semaphore_mem>>) src(%arg8 : memref<128xf32, #tpu.memory_space<vmem>>) dst(%dma_wait3A_354 : memref<1050624xf32, #tpu.memory_space<vmem_shared>>)
    %dma_wait3A_355 = arith.constant 16 : i32
    %dma_wait3A_356 = arith.constant 0 : i32
    %dma_wait3A_357 = tpu.memref_slice %arg7[%dma_wait3A_355, %dma_wait3A_356] : memref<32x128xi32, #tpu.memory_space<vmem>> -> memref<1x128xi32, #tpu.memory_space<vmem>>
    %dma_wait3A_358 = tpu.memref_squeeze %dma_wait3A_357 : memref<1x128xi32, #tpu.memory_space<vmem>> -> memref<128xi32, #tpu.memory_space<vmem>>
    %dma_wait3A_359 = arith.constant 0 : i32
    %dma_wait3A_360 = tpu.memref_slice %arg10[%dma_wait3A_359] : memref<1050624xf32, #tpu.memory_space<vmem_shared>> -> memref<1050624xf32, #tpu.memory_space<vmem_shared>>
    tpu.wait_indirect_dma semaphore(%arg11 : memref<!tpu.dma_semaphore, #tpu.memory_space<semaphore_mem>>) src(%arg8 : memref<128xf32, #tpu.memory_space<vmem>>) dst(%dma_wait3A_360 : memref<1050624xf32, #tpu.memory_space<vmem_shared>>)
    %dma_wait3A_361 = arith.constant 17 : i32
    %dma_wait3A_362 = arith.constant 0 : i32
    %dma_wait3A_363 = tpu.memref_slice %arg7[%dma_wait3A_361, %dma_wait3A_362] : memref<32x128xi32, #tpu.memory_space<vmem>> -> memref<1x128xi32, #tpu.memory_space<vmem>>
    %dma_wait3A_364 = tpu.memref_squeeze %dma_wait3A_363 : memref<1x128xi32, #tpu.memory_space<vmem>> -> memref<128xi32, #tpu.memory_space<vmem>>
    %dma_wait3A_365 = arith.constant 0 : i32
    %dma_wait3A_366 = tpu.memref_slice %arg10[%dma_wait3A_365] : memref<1050624xf32, #tpu.memory_space<vmem_shared>> -> memref<1050624xf32, #tpu.memory_space<vmem_shared>>
    tpu.wait_indirect_dma semaphore(%arg11 : memref<!tpu.dma_semaphore, #tpu.memory_space<semaphore_mem>>) src(%arg8 : memref<128xf32, #tpu.memory_space<vmem>>) dst(%dma_wait3A_366 : memref<1050624xf32, #tpu.memory_space<vmem_shared>>)
    %dma_wait3A_367 = arith.constant 18 : i32
    %dma_wait3A_368 = arith.constant 0 : i32
    %dma_wait3A_369 = tpu.memref_slice %arg7[%dma_wait3A_367, %dma_wait3A_368] : memref<32x128xi32, #tpu.memory_space<vmem>> -> memref<1x128xi32, #tpu.memory_space<vmem>>
    %dma_wait3A_370 = tpu.memref_squeeze %dma_wait3A_369 : memref<1x128xi32, #tpu.memory_space<vmem>> -> memref<128xi32, #tpu.memory_space<vmem>>
    %dma_wait3A_371 = arith.constant 0 : i32
    %dma_wait3A_372 = tpu.memref_slice %arg10[%dma_wait3A_371] : memref<1050624xf32, #tpu.memory_space<vmem_shared>> -> memref<1050624xf32, #tpu.memory_space<vmem_shared>>
    tpu.wait_indirect_dma semaphore(%arg11 : memref<!tpu.dma_semaphore, #tpu.memory_space<semaphore_mem>>) src(%arg8 : memref<128xf32, #tpu.memory_space<vmem>>) dst(%dma_wait3A_372 : memref<1050624xf32, #tpu.memory_space<vmem_shared>>)
    %dma_wait3A_373 = arith.constant 19 : i32
    %dma_wait3A_374 = arith.constant 0 : i32
    %dma_wait3A_375 = tpu.memref_slice %arg7[%dma_wait3A_373, %dma_wait3A_374] : memref<32x128xi32, #tpu.memory_space<vmem>> -> memref<1x128xi32, #tpu.memory_space<vmem>>
    %dma_wait3A_376 = tpu.memref_squeeze %dma_wait3A_375 : memref<1x128xi32, #tpu.memory_space<vmem>> -> memref<128xi32, #tpu.memory_space<vmem>>
    %dma_wait3A_377 = arith.constant 0 : i32
    %dma_wait3A_378 = tpu.memref_slice %arg10[%dma_wait3A_377] : memref<1050624xf32, #tpu.memory_space<vmem_shared>> -> memref<1050624xf32, #tpu.memory_space<vmem_shared>>
    tpu.wait_indirect_dma semaphore(%arg11 : memref<!tpu.dma_semaphore, #tpu.memory_space<semaphore_mem>>) src(%arg8 : memref<128xf32, #tpu.memory_space<vmem>>) dst(%dma_wait3A_378 : memref<1050624xf32, #tpu.memory_space<vmem_shared>>)
    %dma_wait3A_379 = arith.constant 20 : i32
    %dma_wait3A_380 = arith.constant 0 : i32
    %dma_wait3A_381 = tpu.memref_slice %arg7[%dma_wait3A_379, %dma_wait3A_380] : memref<32x128xi32, #tpu.memory_space<vmem>> -> memref<1x128xi32, #tpu.memory_space<vmem>>
    %dma_wait3A_382 = tpu.memref_squeeze %dma_wait3A_381 : memref<1x128xi32, #tpu.memory_space<vmem>> -> memref<128xi32, #tpu.memory_space<vmem>>
    %dma_wait3A_383 = arith.constant 0 : i32
    %dma_wait3A_384 = tpu.memref_slice %arg10[%dma_wait3A_383] : memref<1050624xf32, #tpu.memory_space<vmem_shared>> -> memref<1050624xf32, #tpu.memory_space<vmem_shared>>
    tpu.wait_indirect_dma semaphore(%arg11 : memref<!tpu.dma_semaphore, #tpu.memory_space<semaphore_mem>>) src(%arg8 : memref<128xf32, #tpu.memory_space<vmem>>) dst(%dma_wait3A_384 : memref<1050624xf32, #tpu.memory_space<vmem_shared>>)
    %dma_wait3A_385 = arith.constant 21 : i32
    %dma_wait3A_386 = arith.constant 0 : i32
    %dma_wait3A_387 = tpu.memref_slice %arg7[%dma_wait3A_385, %dma_wait3A_386] : memref<32x128xi32, #tpu.memory_space<vmem>> -> memref<1x128xi32, #tpu.memory_space<vmem>>
    %dma_wait3A_388 = tpu.memref_squeeze %dma_wait3A_387 : memref<1x128xi32, #tpu.memory_space<vmem>> -> memref<128xi32, #tpu.memory_space<vmem>>
    %dma_wait3A_389 = arith.constant 0 : i32
    %dma_wait3A_390 = tpu.memref_slice %arg10[%dma_wait3A_389] : memref<1050624xf32, #tpu.memory_space<vmem_shared>> -> memref<1050624xf32, #tpu.memory_space<vmem_shared>>
    tpu.wait_indirect_dma semaphore(%arg11 : memref<!tpu.dma_semaphore, #tpu.memory_space<semaphore_mem>>) src(%arg8 : memref<128xf32, #tpu.memory_space<vmem>>) dst(%dma_wait3A_390 : memref<1050624xf32, #tpu.memory_space<vmem_shared>>)
    %dma_wait3A_391 = arith.constant 22 : i32
    %dma_wait3A_392 = arith.constant 0 : i32
    %dma_wait3A_393 = tpu.memref_slice %arg7[%dma_wait3A_391, %dma_wait3A_392] : memref<32x128xi32, #tpu.memory_space<vmem>> -> memref<1x128xi32, #tpu.memory_space<vmem>>
    %dma_wait3A_394 = tpu.memref_squeeze %dma_wait3A_393 : memref<1x128xi32, #tpu.memory_space<vmem>> -> memref<128xi32, #tpu.memory_space<vmem>>
    %dma_wait3A_395 = arith.constant 0 : i32
    %dma_wait3A_396 = tpu.memref_slice %arg10[%dma_wait3A_395] : memref<1050624xf32, #tpu.memory_space<vmem_shared>> -> memref<1050624xf32, #tpu.memory_space<vmem_shared>>
    tpu.wait_indirect_dma semaphore(%arg11 : memref<!tpu.dma_semaphore, #tpu.memory_space<semaphore_mem>>) src(%arg8 : memref<128xf32, #tpu.memory_space<vmem>>) dst(%dma_wait3A_396 : memref<1050624xf32, #tpu.memory_space<vmem_shared>>)
    %dma_wait3A_397 = arith.constant 23 : i32
    %dma_wait3A_398 = arith.constant 0 : i32
    %dma_wait3A_399 = tpu.memref_slice %arg7[%dma_wait3A_397, %dma_wait3A_398] : memref<32x128xi32, #tpu.memory_space<vmem>> -> memref<1x128xi32, #tpu.memory_space<vmem>>
    %dma_wait3A_400 = tpu.memref_squeeze %dma_wait3A_399 : memref<1x128xi32, #tpu.memory_space<vmem>> -> memref<128xi32, #tpu.memory_space<vmem>>
    %dma_wait3A_401 = arith.constant 0 : i32
    %dma_wait3A_402 = tpu.memref_slice %arg10[%dma_wait3A_401] : memref<1050624xf32, #tpu.memory_space<vmem_shared>> -> memref<1050624xf32, #tpu.memory_space<vmem_shared>>
    tpu.wait_indirect_dma semaphore(%arg11 : memref<!tpu.dma_semaphore, #tpu.memory_space<semaphore_mem>>) src(%arg8 : memref<128xf32, #tpu.memory_space<vmem>>) dst(%dma_wait3A_402 : memref<1050624xf32, #tpu.memory_space<vmem_shared>>)
    %dma_wait3A_403 = arith.constant 24 : i32
    %dma_wait3A_404 = arith.constant 0 : i32
    %dma_wait3A_405 = tpu.memref_slice %arg7[%dma_wait3A_403, %dma_wait3A_404] : memref<32x128xi32, #tpu.memory_space<vmem>> -> memref<1x128xi32, #tpu.memory_space<vmem>>
    %dma_wait3A_406 = tpu.memref_squeeze %dma_wait3A_405 : memref<1x128xi32, #tpu.memory_space<vmem>> -> memref<128xi32, #tpu.memory_space<vmem>>
    %dma_wait3A_407 = arith.constant 0 : i32
    %dma_wait3A_408 = tpu.memref_slice %arg10[%dma_wait3A_407] : memref<1050624xf32, #tpu.memory_space<vmem_shared>> -> memref<1050624xf32, #tpu.memory_space<vmem_shared>>
    tpu.wait_indirect_dma semaphore(%arg11 : memref<!tpu.dma_semaphore, #tpu.memory_space<semaphore_mem>>) src(%arg8 : memref<128xf32, #tpu.memory_space<vmem>>) dst(%dma_wait3A_408 : memref<1050624xf32, #tpu.memory_space<vmem_shared>>)
    %dma_wait3A_409 = arith.constant 25 : i32
    %dma_wait3A_410 = arith.constant 0 : i32
    %dma_wait3A_411 = tpu.memref_slice %arg7[%dma_wait3A_409, %dma_wait3A_410] : memref<32x128xi32, #tpu.memory_space<vmem>> -> memref<1x128xi32, #tpu.memory_space<vmem>>
    %dma_wait3A_412 = tpu.memref_squeeze %dma_wait3A_411 : memref<1x128xi32, #tpu.memory_space<vmem>> -> memref<128xi32, #tpu.memory_space<vmem>>
    %dma_wait3A_413 = arith.constant 0 : i32
    %dma_wait3A_414 = tpu.memref_slice %arg10[%dma_wait3A_413] : memref<1050624xf32, #tpu.memory_space<vmem_shared>> -> memref<1050624xf32, #tpu.memory_space<vmem_shared>>
    tpu.wait_indirect_dma semaphore(%arg11 : memref<!tpu.dma_semaphore, #tpu.memory_space<semaphore_mem>>) src(%arg8 : memref<128xf32, #tpu.memory_space<vmem>>) dst(%dma_wait3A_414 : memref<1050624xf32, #tpu.memory_space<vmem_shared>>)
    %dma_wait3A_415 = arith.constant 26 : i32
    %dma_wait3A_416 = arith.constant 0 : i32
    %dma_wait3A_417 = tpu.memref_slice %arg7[%dma_wait3A_415, %dma_wait3A_416] : memref<32x128xi32, #tpu.memory_space<vmem>> -> memref<1x128xi32, #tpu.memory_space<vmem>>
    %dma_wait3A_418 = tpu.memref_squeeze %dma_wait3A_417 : memref<1x128xi32, #tpu.memory_space<vmem>> -> memref<128xi32, #tpu.memory_space<vmem>>
    %dma_wait3A_419 = arith.constant 0 : i32
    %dma_wait3A_420 = tpu.memref_slice %arg10[%dma_wait3A_419] : memref<1050624xf32, #tpu.memory_space<vmem_shared>> -> memref<1050624xf32, #tpu.memory_space<vmem_shared>>
    tpu.wait_indirect_dma semaphore(%arg11 : memref<!tpu.dma_semaphore, #tpu.memory_space<semaphore_mem>>) src(%arg8 : memref<128xf32, #tpu.memory_space<vmem>>) dst(%dma_wait3A_420 : memref<1050624xf32, #tpu.memory_space<vmem_shared>>)
    %dma_wait3A_421 = arith.constant 27 : i32
    %dma_wait3A_422 = arith.constant 0 : i32
    %dma_wait3A_423 = tpu.memref_slice %arg7[%dma_wait3A_421, %dma_wait3A_422] : memref<32x128xi32, #tpu.memory_space<vmem>> -> memref<1x128xi32, #tpu.memory_space<vmem>>
    %dma_wait3A_424 = tpu.memref_squeeze %dma_wait3A_423 : memref<1x128xi32, #tpu.memory_space<vmem>> -> memref<128xi32, #tpu.memory_space<vmem>>
    %dma_wait3A_425 = arith.constant 0 : i32
    %dma_wait3A_426 = tpu.memref_slice %arg10[%dma_wait3A_425] : memref<1050624xf32, #tpu.memory_space<vmem_shared>> -> memref<1050624xf32, #tpu.memory_space<vmem_shared>>
    tpu.wait_indirect_dma semaphore(%arg11 : memref<!tpu.dma_semaphore, #tpu.memory_space<semaphore_mem>>) src(%arg8 : memref<128xf32, #tpu.memory_space<vmem>>) dst(%dma_wait3A_426 : memref<1050624xf32, #tpu.memory_space<vmem_shared>>)
    %dma_wait3A_427 = arith.constant 28 : i32
    %dma_wait3A_428 = arith.constant 0 : i32
    %dma_wait3A_429 = tpu.memref_slice %arg7[%dma_wait3A_427, %dma_wait3A_428] : memref<32x128xi32, #tpu.memory_space<vmem>> -> memref<1x128xi32, #tpu.memory_space<vmem>>
    %dma_wait3A_430 = tpu.memref_squeeze %dma_wait3A_429 : memref<1x128xi32, #tpu.memory_space<vmem>> -> memref<128xi32, #tpu.memory_space<vmem>>
    %dma_wait3A_431 = arith.constant 0 : i32
    %dma_wait3A_432 = tpu.memref_slice %arg10[%dma_wait3A_431] : memref<1050624xf32, #tpu.memory_space<vmem_shared>> -> memref<1050624xf32, #tpu.memory_space<vmem_shared>>
    tpu.wait_indirect_dma semaphore(%arg11 : memref<!tpu.dma_semaphore, #tpu.memory_space<semaphore_mem>>) src(%arg8 : memref<128xf32, #tpu.memory_space<vmem>>) dst(%dma_wait3A_432 : memref<1050624xf32, #tpu.memory_space<vmem_shared>>)
    %dma_wait3A_433 = arith.constant 29 : i32
    %dma_wait3A_434 = arith.constant 0 : i32
    %dma_wait3A_435 = tpu.memref_slice %arg7[%dma_wait3A_433, %dma_wait3A_434] : memref<32x128xi32, #tpu.memory_space<vmem>> -> memref<1x128xi32, #tpu.memory_space<vmem>>
    %dma_wait3A_436 = tpu.memref_squeeze %dma_wait3A_435 : memref<1x128xi32, #tpu.memory_space<vmem>> -> memref<128xi32, #tpu.memory_space<vmem>>
    %dma_wait3A_437 = arith.constant 0 : i32
    %dma_wait3A_438 = tpu.memref_slice %arg10[%dma_wait3A_437] : memref<1050624xf32, #tpu.memory_space<vmem_shared>> -> memref<1050624xf32, #tpu.memory_space<vmem_shared>>
    tpu.wait_indirect_dma semaphore(%arg11 : memref<!tpu.dma_semaphore, #tpu.memory_space<semaphore_mem>>) src(%arg8 : memref<128xf32, #tpu.memory_space<vmem>>) dst(%dma_wait3A_438 : memref<1050624xf32, #tpu.memory_space<vmem_shared>>)
    %dma_wait3A_439 = arith.constant 30 : i32
    %dma_wait3A_440 = arith.constant 0 : i32
    %dma_wait3A_441 = tpu.memref_slice %arg7[%dma_wait3A_439, %dma_wait3A_440] : memref<32x128xi32, #tpu.memory_space<vmem>> -> memref<1x128xi32, #tpu.memory_space<vmem>>
    %dma_wait3A_442 = tpu.memref_squeeze %dma_wait3A_441 : memref<1x128xi32, #tpu.memory_space<vmem>> -> memref<128xi32, #tpu.memory_space<vmem>>
    %dma_wait3A_443 = arith.constant 0 : i32
    %dma_wait3A_444 = tpu.memref_slice %arg10[%dma_wait3A_443] : memref<1050624xf32, #tpu.memory_space<vmem_shared>> -> memref<1050624xf32, #tpu.memory_space<vmem_shared>>
    tpu.wait_indirect_dma semaphore(%arg11 : memref<!tpu.dma_semaphore, #tpu.memory_space<semaphore_mem>>) src(%arg8 : memref<128xf32, #tpu.memory_space<vmem>>) dst(%dma_wait3A_444 : memref<1050624xf32, #tpu.memory_space<vmem_shared>>)
    %dma_wait3A_445 = arith.constant 31 : i32
    %dma_wait3A_446 = arith.constant 0 : i32
    %dma_wait3A_447 = tpu.memref_slice %arg7[%dma_wait3A_445, %dma_wait3A_446] : memref<32x128xi32, #tpu.memory_space<vmem>> -> memref<1x128xi32, #tpu.memory_space<vmem>>
    %dma_wait3A_448 = tpu.memref_squeeze %dma_wait3A_447 : memref<1x128xi32, #tpu.memory_space<vmem>> -> memref<128xi32, #tpu.memory_space<vmem>>
    %dma_wait3A_449 = arith.constant 0 : i32
    %dma_wait3A_450 = tpu.memref_slice %arg10[%dma_wait3A_449] : memref<1050624xf32, #tpu.memory_space<vmem_shared>> -> memref<1050624xf32, #tpu.memory_space<vmem_shared>>
    tpu.wait_indirect_dma semaphore(%arg11 : memref<!tpu.dma_semaphore, #tpu.memory_space<semaphore_mem>>) src(%arg8 : memref<128xf32, #tpu.memory_space<vmem>>) dst(%dma_wait3A_450 : memref<1050624xf32, #tpu.memory_space<vmem_shared>>)
    %barrier3A_451 = arith.constant 0 : index
    tpu.barrier barrier_id(%barrier3A_451)
    %mul3A_452 = arith.constant 65536 : i32
    %mul3A_453 = arith.muli %arg1, %mul3A_452 : i32
    %mul3A_454 = arith.constant 2048 : i32
    %mul3A_455 = arith.muli %add3A_29, %mul3A_454 : i32
    %mul3A_456 = arith.constant 65536 : i32
    %mul3A_457 = arith.muli %arg1, %mul3A_456 : i32
    %add3A_458 = arith.addi %mul3A_455, %mul3A_457 : i32
    "tpu.region"() ({
      %run_scoped3A = tpu.sem_alloc : memref<!tpu.dma_semaphore, #tpu.memory_space<semaphore_mem>>
      %dma_start3A_897 = tpu.memref_slice %arg4[%add3A_458] : memref<4194304xf32, #tpu.memory_space<hbm>> -> memref<65536xf32, #tpu.memory_space<hbm>>
      %dma_start3A_898 = tpu.memref_slice %arg10[%mul3A_453] : memref<1050624xf32, #tpu.memory_space<vmem_shared>> -> memref<65536xf32, #tpu.memory_space<vmem_shared>>
      tpu.enqueue_dma source(%dma_start3A_898 : memref<65536xf32, #tpu.memory_space<vmem_shared>>) target(%dma_start3A_897 : memref<65536xf32, #tpu.memory_space<hbm>>) target_semaphore(%run_scoped3A : memref<!tpu.dma_semaphore, #tpu.memory_space<semaphore_mem>>)
      %dma_wait3A_899 = tpu.memref_slice %arg4[%add3A_458] : memref<4194304xf32, #tpu.memory_space<hbm>> -> memref<65536xf32, #tpu.memory_space<hbm>>
      %dma_wait3A_900 = tpu.memref_slice %arg10[%mul3A_453] : memref<1050624xf32, #tpu.memory_space<vmem_shared>> -> memref<65536xf32, #tpu.memory_space<vmem_shared>>
      tpu.wait_dma2 semaphore(%run_scoped3A : memref<!tpu.dma_semaphore, #tpu.memory_space<semaphore_mem>>) src(%dma_wait3A_900 : memref<65536xf32, #tpu.memory_space<vmem_shared>>) dst(%dma_wait3A_899 : memref<65536xf32, #tpu.memory_space<hbm>>)
      tpu.yield
    }) : () -> ()
    %barrier3A_459 = arith.constant 0 : index
    tpu.barrier barrier_id(%barrier3A_459)
    %mul3A_460 = arith.constant 1024 : i32
    %mul3A_461 = arith.muli %arg0, %mul3A_460 : i32
    %add3A_462 = arith.constant 512 : i32
    %add3A_463 = arith.addi %mul3A_461, %add3A_462 : i32
    %mul3A_464 = arith.constant 65536 : i32
    %mul3A_465 = arith.muli %arg1, %mul3A_464 : i32
    %add3A_466 = arith.constant 0 : i32
    %add3A_467 = arith.addi %mul3A_465, %add3A_466 : i32
    %dma_start3A_468 = tpu.memref_slice %arg10[%add3A_467] : memref<1050624xf32, #tpu.memory_space<vmem_shared>> -> memref<16384xf32, #tpu.memory_space<vmem_shared>>
    %dma_start3A_469 = tpu.memref_slice %arg10[%add3A_467] : memref<1050624xf32, #tpu.memory_space<vmem_shared>> -> memref<16384xf32, #tpu.memory_space<vmem_shared>>
    tpu.enqueue_dma source(%arg9 : memref<16384xf32, #tpu.memory_space<vmem>>) target(%dma_start3A_469 : memref<16384xf32, #tpu.memory_space<vmem_shared>>) target_semaphore(%arg11 : memref<!tpu.dma_semaphore, #tpu.memory_space<semaphore_mem>>)
    %mul3A_470 = arith.constant 65536 : i32
    %mul3A_471 = arith.muli %arg1, %mul3A_470 : i32
    %add3A_472 = arith.constant 16384 : i32
    %add3A_473 = arith.addi %mul3A_471, %add3A_472 : i32
    %dma_start3A_474 = tpu.memref_slice %arg10[%add3A_473] : memref<1050624xf32, #tpu.memory_space<vmem_shared>> -> memref<16384xf32, #tpu.memory_space<vmem_shared>>
    %dma_start3A_475 = tpu.memref_slice %arg10[%add3A_473] : memref<1050624xf32, #tpu.memory_space<vmem_shared>> -> memref<16384xf32, #tpu.memory_space<vmem_shared>>
    tpu.enqueue_dma source(%arg9 : memref<16384xf32, #tpu.memory_space<vmem>>) target(%dma_start3A_475 : memref<16384xf32, #tpu.memory_space<vmem_shared>>) target_semaphore(%arg11 : memref<!tpu.dma_semaphore, #tpu.memory_space<semaphore_mem>>)
    %mul3A_476 = arith.constant 65536 : i32
    %mul3A_477 = arith.muli %arg1, %mul3A_476 : i32
    %add3A_478 = arith.constant 32768 : i32
    %add3A_479 = arith.addi %mul3A_477, %add3A_478 : i32
    %dma_start3A_480 = tpu.memref_slice %arg10[%add3A_479] : memref<1050624xf32, #tpu.memory_space<vmem_shared>> -> memref<16384xf32, #tpu.memory_space<vmem_shared>>
    %dma_start3A_481 = tpu.memref_slice %arg10[%add3A_479] : memref<1050624xf32, #tpu.memory_space<vmem_shared>> -> memref<16384xf32, #tpu.memory_space<vmem_shared>>
    tpu.enqueue_dma source(%arg9 : memref<16384xf32, #tpu.memory_space<vmem>>) target(%dma_start3A_481 : memref<16384xf32, #tpu.memory_space<vmem_shared>>) target_semaphore(%arg11 : memref<!tpu.dma_semaphore, #tpu.memory_space<semaphore_mem>>)
    %mul3A_482 = arith.constant 65536 : i32
    %mul3A_483 = arith.muli %arg1, %mul3A_482 : i32
    %add3A_484 = arith.constant 49152 : i32
    %add3A_485 = arith.addi %mul3A_483, %add3A_484 : i32
    %dma_start3A_486 = tpu.memref_slice %arg10[%add3A_485] : memref<1050624xf32, #tpu.memory_space<vmem_shared>> -> memref<16384xf32, #tpu.memory_space<vmem_shared>>
    %dma_start3A_487 = tpu.memref_slice %arg10[%add3A_485] : memref<1050624xf32, #tpu.memory_space<vmem_shared>> -> memref<16384xf32, #tpu.memory_space<vmem_shared>>
    tpu.enqueue_dma source(%arg9 : memref<16384xf32, #tpu.memory_space<vmem>>) target(%dma_start3A_487 : memref<16384xf32, #tpu.memory_space<vmem_shared>>) target_semaphore(%arg11 : memref<!tpu.dma_semaphore, #tpu.memory_space<semaphore_mem>>)
    %dma_wait3A_488 = tpu.memref_slice %arg10[%add3A_467] : memref<1050624xf32, #tpu.memory_space<vmem_shared>> -> memref<16384xf32, #tpu.memory_space<vmem_shared>>
    %dma_wait3A_489 = tpu.memref_slice %arg10[%add3A_467] : memref<1050624xf32, #tpu.memory_space<vmem_shared>> -> memref<16384xf32, #tpu.memory_space<vmem_shared>>
    tpu.wait_dma2 semaphore(%arg11 : memref<!tpu.dma_semaphore, #tpu.memory_space<semaphore_mem>>) src(%arg9 : memref<16384xf32, #tpu.memory_space<vmem>>) dst(%dma_wait3A_489 : memref<16384xf32, #tpu.memory_space<vmem_shared>>)
    %dma_wait3A_490 = tpu.memref_slice %arg10[%add3A_473] : memref<1050624xf32, #tpu.memory_space<vmem_shared>> -> memref<16384xf32, #tpu.memory_space<vmem_shared>>
    %dma_wait3A_491 = tpu.memref_slice %arg10[%add3A_473] : memref<1050624xf32, #tpu.memory_space<vmem_shared>> -> memref<16384xf32, #tpu.memory_space<vmem_shared>>
    tpu.wait_dma2 semaphore(%arg11 : memref<!tpu.dma_semaphore, #tpu.memory_space<semaphore_mem>>) src(%arg9 : memref<16384xf32, #tpu.memory_space<vmem>>) dst(%dma_wait3A_491 : memref<16384xf32, #tpu.memory_space<vmem_shared>>)
    %dma_wait3A_492 = tpu.memref_slice %arg10[%add3A_479] : memref<1050624xf32, #tpu.memory_space<vmem_shared>> -> memref<16384xf32, #tpu.memory_space<vmem_shared>>
    %dma_wait3A_493 = tpu.memref_slice %arg10[%add3A_479] : memref<1050624xf32, #tpu.memory_space<vmem_shared>> -> memref<16384xf32, #tpu.memory_space<vmem_shared>>
    tpu.wait_dma2 semaphore(%arg11 : memref<!tpu.dma_semaphore, #tpu.memory_space<semaphore_mem>>) src(%arg9 : memref<16384xf32, #tpu.memory_space<vmem>>) dst(%dma_wait3A_493 : memref<16384xf32, #tpu.memory_space<vmem_shared>>)
    %dma_wait3A_494 = tpu.memref_slice %arg10[%add3A_485] : memref<1050624xf32, #tpu.memory_space<vmem_shared>> -> memref<16384xf32, #tpu.memory_space<vmem_shared>>
    %dma_wait3A_495 = tpu.memref_slice %arg10[%add3A_485] : memref<1050624xf32, #tpu.memory_space<vmem_shared>> -> memref<16384xf32, #tpu.memory_space<vmem_shared>>
    tpu.wait_dma2 semaphore(%arg11 : memref<!tpu.dma_semaphore, #tpu.memory_space<semaphore_mem>>) src(%arg9 : memref<16384xf32, #tpu.memory_space<vmem>>) dst(%dma_wait3A_495 : memref<16384xf32, #tpu.memory_space<vmem_shared>>)
    %barrier3A_496 = arith.constant 0 : index
    tpu.barrier barrier_id(%barrier3A_496)
    %scan3A_497 = arith.constant 0 : i32
    %scan3A_498 = arith.constant 0 : i32
    %scan3A_499 = arith.constant 32 : i32
    %scan3A_500 = arith.addi %scan3A_498, %scan3A_499 : i32
    %scan3A_501 = arith.constant 1 : i32
    %scan3A_502 = scf.for %scan3A_897 = %scan3A_498 to %scan3A_500 step %scan3A_501 iter_args(%scan3A_898 = %scan3A_497) -> (i32)  : i32 {
      %mul3A_899 = arith.constant 128 : i32
      %mul3A_900 = arith.muli %scan3A_897, %mul3A_899 : i32
      %add3A_901 = arith.constant 0 : i32
      %add3A_902 = arith.addi %mul3A_900, %add3A_901 : i32
      %get3A = arith.index_cast %add3A_902 : i32 to index
      %get3A_903 = tpu.vector_load %arg5[%get3A] {strides = array<i32>} : memref<4096xi32, #tpu.memory_space<vmem>>, vector<16xi32>,
      %mul3A_904 = arith.constant 128 : i32
      %mul3A_905 = arith.muli %scan3A_897, %mul3A_904 : i32
      %add3A_906 = arith.constant 0 : i32
      %add3A_907 = arith.addi %mul3A_905, %add3A_906 : i32
      %get3A_908 = arith.index_cast %add3A_907 : i32 to index
      %get3A_909 = tpu.vector_load %arg6[%get3A_908] {strides = array<i32>} : memref<4096xi32, #tpu.memory_space<vmem>>, vector<16xi32>,
      %sub3A = vector.broadcast %add3A_463 : i32 to vector<16xi32>
      %sub3A_910 = arith.subi %get3A_903, %sub3A : vector<16xi32>
      %ge3A = arith.constant 0 : i32
      %ge3A_911 = vector.broadcast %ge3A : i32 to vector<16xi32>
      %ge3A_912 = arith.cmpi sge, %sub3A_910, %ge3A_911 : vector<16xi32>
      %lt3A = arith.constant 512 : i32
      %lt3A_913 = vector.broadcast %lt3A : i32 to vector<16xi32>
      %lt3A_914 = arith.cmpi slt, %sub3A_910, %lt3A_913 : vector<16xi32>
      %and3A = arith.andi %ge3A_912, %lt3A_914 : vector<16xi1>
      %mul3A_915 = arith.constant 2048 : i32
      %mul3A_916 = vector.broadcast %mul3A_915 : i32 to vector<16xi32>
      %mul3A_917 = arith.muli %sub3A_910, %mul3A_916 : vector<16xi32>
      %add3A_918 = arith.addi %mul3A_917, %get3A_909 : vector<16xi32>
      %add3A_919 = arith.constant 1048576 : i32
      %add3A_920 = vector.broadcast %add3A_919 : i32 to vector<16xi32>
      %add3A_921 = arith.addi %add3A_920, %get3A_909 : vector<16xi32>
      %select_n3A = arith.select %and3A, %add3A_918, %add3A_921 : vector<16xi1>, vector<16xi32>
      %swap3A_922 = arith.index_cast %scan3A_897 : i32 to index
      %swap3A_923 = arith.constant 0 : index
      %swap3A_924 = tpu.vector_load %arg7[%swap3A_922, %swap3A_923] {strides = array<i32>} : memref<32x128xi32, #tpu.memory_space<vmem>>, vector<16xi32>,
      tpu.vector_store %arg7[%swap3A_922, %swap3A_923], %select_n3A {strides = array<i32>} : memref<32x128xi32, #tpu.memory_space<vmem>>, vector<16xi32>,
      %mul3A_925 = arith.constant 128 : i32
      %mul3A_926 = arith.muli %scan3A_897, %mul3A_925 : i32
      %add3A_927 = arith.constant 16 : i32
      %add3A_928 = arith.addi %mul3A_926, %add3A_927 : i32
      %get3A_929 = arith.index_cast %add3A_928 : i32 to index
      %get3A_930 = tpu.vector_load %arg5[%get3A_929] {strides = array<i32>} : memref<4096xi32, #tpu.memory_space<vmem>>, vector<16xi32>,
      %mul3A_931 = arith.constant 128 : i32
      %mul3A_932 = arith.muli %scan3A_897, %mul3A_931 : i32
      %add3A_933 = arith.constant 16 : i32
      %add3A_934 = arith.addi %mul3A_932, %add3A_933 : i32
      %get3A_935 = arith.index_cast %add3A_934 : i32 to index
      %get3A_936 = tpu.vector_load %arg6[%get3A_935] {strides = array<i32>} : memref<4096xi32, #tpu.memory_space<vmem>>, vector<16xi32>,
      %sub3A_937 = vector.broadcast %add3A_463 : i32 to vector<16xi32>
      %sub3A_938 = arith.subi %get3A_930, %sub3A_937 : vector<16xi32>
      %ge3A_939 = arith.constant 0 : i32
      %ge3A_940 = vector.broadcast %ge3A_939 : i32 to vector<16xi32>
      %ge3A_941 = arith.cmpi sge, %sub3A_938, %ge3A_940 : vector<16xi32>
      %lt3A_942 = arith.constant 512 : i32
      %lt3A_943 = vector.broadcast %lt3A_942 : i32 to vector<16xi32>
      %lt3A_944 = arith.cmpi slt, %sub3A_938, %lt3A_943 : vector<16xi32>
      %and3A_945 = arith.andi %ge3A_941, %lt3A_944 : vector<16xi1>
      %mul3A_946 = arith.constant 2048 : i32
      %mul3A_947 = vector.broadcast %mul3A_946 : i32 to vector<16xi32>
      %mul3A_948 = arith.muli %sub3A_938, %mul3A_947 : vector<16xi32>
      %add3A_949 = arith.addi %mul3A_948, %get3A_936 : vector<16xi32>
      %add3A_950 = arith.constant 1048576 : i32
      %add3A_951 = vector.broadcast %add3A_950 : i32 to vector<16xi32>
      %add3A_952 = arith.addi %add3A_951, %get3A_936 : vector<16xi32>
      %select_n3A_953 = arith.select %and3A_945, %add3A_949, %add3A_952 : vector<16xi1>, vector<16xi32>
      %swap3A_954 = arith.index_cast %scan3A_897 : i32 to index
      %swap3A_955 = arith.constant 16 : index
      %swap3A_956 = tpu.vector_load %arg7[%swap3A_954, %swap3A_955] {strides = array<i32>} : memref<32x128xi32, #tpu.memory_space<vmem>>, vector<16xi32>,
      tpu.vector_store %arg7[%swap3A_954, %swap3A_955], %select_n3A_953 {strides = array<i32>} : memref<32x128xi32, #tpu.memory_space<vmem>>, vector<16xi32>,
      %mul3A_957 = arith.constant 128 : i32
      %mul3A_958 = arith.muli %scan3A_897, %mul3A_957 : i32
      %add3A_959 = arith.constant 32 : i32
      %add3A_960 = arith.addi %mul3A_958, %add3A_959 : i32
      %get3A_961 = arith.index_cast %add3A_960 : i32 to index
      %get3A_962 = tpu.vector_load %arg5[%get3A_961] {strides = array<i32>} : memref<4096xi32, #tpu.memory_space<vmem>>, vector<16xi32>,
      %mul3A_963 = arith.constant 128 : i32
      %mul3A_964 = arith.muli %scan3A_897, %mul3A_963 : i32
      %add3A_965 = arith.constant 32 : i32
      %add3A_966 = arith.addi %mul3A_964, %add3A_965 : i32
      %get3A_967 = arith.index_cast %add3A_966 : i32 to index
      %get3A_968 = tpu.vector_load %arg6[%get3A_967] {strides = array<i32>} : memref<4096xi32, #tpu.memory_space<vmem>>, vector<16xi32>,
      %sub3A_969 = vector.broadcast %add3A_463 : i32 to vector<16xi32>
      %sub3A_970 = arith.subi %get3A_962, %sub3A_969 : vector<16xi32>
      %ge3A_971 = arith.constant 0 : i32
      %ge3A_972 = vector.broadcast %ge3A_971 : i32 to vector<16xi32>
      %ge3A_973 = arith.cmpi sge, %sub3A_970, %ge3A_972 : vector<16xi32>
      %lt3A_974 = arith.constant 512 : i32
      %lt3A_975 = vector.broadcast %lt3A_974 : i32 to vector<16xi32>
      %lt3A_976 = arith.cmpi slt, %sub3A_970, %lt3A_975 : vector<16xi32>
      %and3A_977 = arith.andi %ge3A_973, %lt3A_976 : vector<16xi1>
      %mul3A_978 = arith.constant 2048 : i32
      %mul3A_979 = vector.broadcast %mul3A_978 : i32 to vector<16xi32>
      %mul3A_980 = arith.muli %sub3A_970, %mul3A_979 : vector<16xi32>
      %add3A_981 = arith.addi %mul3A_980, %get3A_968 : vector<16xi32>
      %add3A_982 = arith.constant 1048576 : i32
      %add3A_983 = vector.broadcast %add3A_982 : i32 to vector<16xi32>
      %add3A_984 = arith.addi %add3A_983, %get3A_968 : vector<16xi32>
      %select_n3A_985 = arith.select %and3A_977, %add3A_981, %add3A_984 : vector<16xi1>, vector<16xi32>
      %swap3A_986 = arith.index_cast %scan3A_897 : i32 to index
      %swap3A_987 = arith.constant 32 : index
      %swap3A_988 = tpu.vector_load %arg7[%swap3A_986, %swap3A_987] {strides = array<i32>} : memref<32x128xi32, #tpu.memory_space<vmem>>, vector<16xi32>,
      tpu.vector_store %arg7[%swap3A_986, %swap3A_987], %select_n3A_985 {strides = array<i32>} : memref<32x128xi32, #tpu.memory_space<vmem>>, vector<16xi32>,
      %mul3A_989 = arith.constant 128 : i32
      %mul3A_990 = arith.muli %scan3A_897, %mul3A_989 : i32
      %add3A_991 = arith.constant 48 : i32
      %add3A_992 = arith.addi %mul3A_990, %add3A_991 : i32
      %get3A_993 = arith.index_cast %add3A_992 : i32 to index
      %get3A_994 = tpu.vector_load %arg5[%get3A_993] {strides = array<i32>} : memref<4096xi32, #tpu.memory_space<vmem>>, vector<16xi32>,
      %mul3A_995 = arith.constant 128 : i32
      %mul3A_996 = arith.muli %scan3A_897, %mul3A_995 : i32
      %add3A_997 = arith.constant 48 : i32
      %add3A_998 = arith.addi %mul3A_996, %add3A_997 : i32
      %get3A_999 = arith.index_cast %add3A_998 : i32 to index
      %get3A_1000 = tpu.vector_load %arg6[%get3A_999] {strides = array<i32>} : memref<4096xi32, #tpu.memory_space<vmem>>, vector<16xi32>,
      %sub3A_1001 = vector.broadcast %add3A_463 : i32 to vector<16xi32>
      %sub3A_1002 = arith.subi %get3A_994, %sub3A_1001 : vector<16xi32>
      %ge3A_1003 = arith.constant 0 : i32
      %ge3A_1004 = vector.broadcast %ge3A_1003 : i32 to vector<16xi32>
      %ge3A_1005 = arith.cmpi sge, %sub3A_1002, %ge3A_1004 : vector<16xi32>
      %lt3A_1006 = arith.constant 512 : i32
      %lt3A_1007 = vector.broadcast %lt3A_1006 : i32 to vector<16xi32>
      %lt3A_1008 = arith.cmpi slt, %sub3A_1002, %lt3A_1007 : vector<16xi32>
      %and3A_1009 = arith.andi %ge3A_1005, %lt3A_1008 : vector<16xi1>
      %mul3A_1010 = arith.constant 2048 : i32
      %mul3A_1011 = vector.broadcast %mul3A_1010 : i32 to vector<16xi32>
      %mul3A_1012 = arith.muli %sub3A_1002, %mul3A_1011 : vector<16xi32>
      %add3A_1013 = arith.addi %mul3A_1012, %get3A_1000 : vector<16xi32>
      %add3A_1014 = arith.constant 1048576 : i32
      %add3A_1015 = vector.broadcast %add3A_1014 : i32 to vector<16xi32>
      %add3A_1016 = arith.addi %add3A_1015, %get3A_1000 : vector<16xi32>
      %select_n3A_1017 = arith.select %and3A_1009, %add3A_1013, %add3A_1016 : vector<16xi1>, vector<16xi32>
      %swap3A_1018 = arith.index_cast %scan3A_897 : i32 to index
      %swap3A_1019 = arith.constant 48 : index
      %swap3A_1020 = tpu.vector_load %arg7[%swap3A_1018, %swap3A_1019] {strides = array<i32>} : memref<32x128xi32, #tpu.memory_space<vmem>>, vector<16xi32>,
      tpu.vector_store %arg7[%swap3A_1018, %swap3A_1019], %select_n3A_1017 {strides = array<i32>} : memref<32x128xi32, #tpu.memory_space<vmem>>, vector<16xi32>,
      %mul3A_1021 = arith.constant 128 : i32
      %mul3A_1022 = arith.muli %scan3A_897, %mul3A_1021 : i32
      %add3A_1023 = arith.constant 64 : i32
      %add3A_1024 = arith.addi %mul3A_1022, %add3A_1023 : i32
      %get3A_1025 = arith.index_cast %add3A_1024 : i32 to index
      %get3A_1026 = tpu.vector_load %arg5[%get3A_1025] {strides = array<i32>} : memref<4096xi32, #tpu.memory_space<vmem>>, vector<16xi32>,
      %mul3A_1027 = arith.constant 128 : i32
      %mul3A_1028 = arith.muli %scan3A_897, %mul3A_1027 : i32
      %add3A_1029 = arith.constant 64 : i32
      %add3A_1030 = arith.addi %mul3A_1028, %add3A_1029 : i32
      %get3A_1031 = arith.index_cast %add3A_1030 : i32 to index
      %get3A_1032 = tpu.vector_load %arg6[%get3A_1031] {strides = array<i32>} : memref<4096xi32, #tpu.memory_space<vmem>>, vector<16xi32>,
      %sub3A_1033 = vector.broadcast %add3A_463 : i32 to vector<16xi32>
      %sub3A_1034 = arith.subi %get3A_1026, %sub3A_1033 : vector<16xi32>
      %ge3A_1035 = arith.constant 0 : i32
      %ge3A_1036 = vector.broadcast %ge3A_1035 : i32 to vector<16xi32>
      %ge3A_1037 = arith.cmpi sge, %sub3A_1034, %ge3A_1036 : vector<16xi32>
      %lt3A_1038 = arith.constant 512 : i32
      %lt3A_1039 = vector.broadcast %lt3A_1038 : i32 to vector<16xi32>
      %lt3A_1040 = arith.cmpi slt, %sub3A_1034, %lt3A_1039 : vector<16xi32>
      %and3A_1041 = arith.andi %ge3A_1037, %lt3A_1040 : vector<16xi1>
      %mul3A_1042 = arith.constant 2048 : i32
      %mul3A_1043 = vector.broadcast %mul3A_1042 : i32 to vector<16xi32>
      %mul3A_1044 = arith.muli %sub3A_1034, %mul3A_1043 : vector<16xi32>
      %add3A_1045 = arith.addi %mul3A_1044, %get3A_1032 : vector<16xi32>
      %add3A_1046 = arith.constant 1048576 : i32
      %add3A_1047 = vector.broadcast %add3A_1046 : i32 to vector<16xi32>
      %add3A_1048 = arith.addi %add3A_1047, %get3A_1032 : vector<16xi32>
      %select_n3A_1049 = arith.select %and3A_1041, %add3A_1045, %add3A_1048 : vector<16xi1>, vector<16xi32>
      %swap3A_1050 = arith.index_cast %scan3A_897 : i32 to index
      %swap3A_1051 = arith.constant 64 : index
      %swap3A_1052 = tpu.vector_load %arg7[%swap3A_1050, %swap3A_1051] {strides = array<i32>} : memref<32x128xi32, #tpu.memory_space<vmem>>, vector<16xi32>,
      tpu.vector_store %arg7[%swap3A_1050, %swap3A_1051], %select_n3A_1049 {strides = array<i32>} : memref<32x128xi32, #tpu.memory_space<vmem>>, vector<16xi32>,
      %mul3A_1053 = arith.constant 128 : i32
      %mul3A_1054 = arith.muli %scan3A_897, %mul3A_1053 : i32
      %add3A_1055 = arith.constant 80 : i32
      %add3A_1056 = arith.addi %mul3A_1054, %add3A_1055 : i32
      %get3A_1057 = arith.index_cast %add3A_1056 : i32 to index
      %get3A_1058 = tpu.vector_load %arg5[%get3A_1057] {strides = array<i32>} : memref<4096xi32, #tpu.memory_space<vmem>>, vector<16xi32>,
      %mul3A_1059 = arith.constant 128 : i32
      %mul3A_1060 = arith.muli %scan3A_897, %mul3A_1059 : i32
      %add3A_1061 = arith.constant 80 : i32
      %add3A_1062 = arith.addi %mul3A_1060, %add3A_1061 : i32
      %get3A_1063 = arith.index_cast %add3A_1062 : i32 to index
      %get3A_1064 = tpu.vector_load %arg6[%get3A_1063] {strides = array<i32>} : memref<4096xi32, #tpu.memory_space<vmem>>, vector<16xi32>,
      %sub3A_1065 = vector.broadcast %add3A_463 : i32 to vector<16xi32>
      %sub3A_1066 = arith.subi %get3A_1058, %sub3A_1065 : vector<16xi32>
      %ge3A_1067 = arith.constant 0 : i32
      %ge3A_1068 = vector.broadcast %ge3A_1067 : i32 to vector<16xi32>
      %ge3A_1069 = arith.cmpi sge, %sub3A_1066, %ge3A_1068 : vector<16xi32>
      %lt3A_1070 = arith.constant 512 : i32
      %lt3A_1071 = vector.broadcast %lt3A_1070 : i32 to vector<16xi32>
      %lt3A_1072 = arith.cmpi slt, %sub3A_1066, %lt3A_1071 : vector<16xi32>
      %and3A_1073 = arith.andi %ge3A_1069, %lt3A_1072 : vector<16xi1>
      %mul3A_1074 = arith.constant 2048 : i32
      %mul3A_1075 = vector.broadcast %mul3A_1074 : i32 to vector<16xi32>
      %mul3A_1076 = arith.muli %sub3A_1066, %mul3A_1075 : vector<16xi32>
      %add3A_1077 = arith.addi %mul3A_1076, %get3A_1064 : vector<16xi32>
      %add3A_1078 = arith.constant 1048576 : i32
      %add3A_1079 = vector.broadcast %add3A_1078 : i32 to vector<16xi32>
      %add3A_1080 = arith.addi %add3A_1079, %get3A_1064 : vector<16xi32>
      %select_n3A_1081 = arith.select %and3A_1073, %add3A_1077, %add3A_1080 : vector<16xi1>, vector<16xi32>
      %swap3A_1082 = arith.index_cast %scan3A_897 : i32 to index
      %swap3A_1083 = arith.constant 80 : index
      %swap3A_1084 = tpu.vector_load %arg7[%swap3A_1082, %swap3A_1083] {strides = array<i32>} : memref<32x128xi32, #tpu.memory_space<vmem>>, vector<16xi32>,
      tpu.vector_store %arg7[%swap3A_1082, %swap3A_1083], %select_n3A_1081 {strides = array<i32>} : memref<32x128xi32, #tpu.memory_space<vmem>>, vector<16xi32>,
      %mul3A_1085 = arith.constant 128 : i32
      %mul3A_1086 = arith.muli %scan3A_897, %mul3A_1085 : i32
      %add3A_1087 = arith.constant 96 : i32
      %add3A_1088 = arith.addi %mul3A_1086, %add3A_1087 : i32
      %get3A_1089 = arith.index_cast %add3A_1088 : i32 to index
      %get3A_1090 = tpu.vector_load %arg5[%get3A_1089] {strides = array<i32>} : memref<4096xi32, #tpu.memory_space<vmem>>, vector<16xi32>,
      %mul3A_1091 = arith.constant 128 : i32
      %mul3A_1092 = arith.muli %scan3A_897, %mul3A_1091 : i32
      %add3A_1093 = arith.constant 96 : i32
      %add3A_1094 = arith.addi %mul3A_1092, %add3A_1093 : i32
      %get3A_1095 = arith.index_cast %add3A_1094 : i32 to index
      %get3A_1096 = tpu.vector_load %arg6[%get3A_1095] {strides = array<i32>} : memref<4096xi32, #tpu.memory_space<vmem>>, vector<16xi32>,
      %sub3A_1097 = vector.broadcast %add3A_463 : i32 to vector<16xi32>
      %sub3A_1098 = arith.subi %get3A_1090, %sub3A_1097 : vector<16xi32>
      %ge3A_1099 = arith.constant 0 : i32
      %ge3A_1100 = vector.broadcast %ge3A_1099 : i32 to vector<16xi32>
      %ge3A_1101 = arith.cmpi sge, %sub3A_1098, %ge3A_1100 : vector<16xi32>
      %lt3A_1102 = arith.constant 512 : i32
      %lt3A_1103 = vector.broadcast %lt3A_1102 : i32 to vector<16xi32>
      %lt3A_1104 = arith.cmpi slt, %sub3A_1098, %lt3A_1103 : vector<16xi32>
      %and3A_1105 = arith.andi %ge3A_1101, %lt3A_1104 : vector<16xi1>
      %mul3A_1106 = arith.constant 2048 : i32
      %mul3A_1107 = vector.broadcast %mul3A_1106 : i32 to vector<16xi32>
      %mul3A_1108 = arith.muli %sub3A_1098, %mul3A_1107 : vector<16xi32>
      %add3A_1109 = arith.addi %mul3A_1108, %get3A_1096 : vector<16xi32>
      %add3A_1110 = arith.constant 1048576 : i32
      %add3A_1111 = vector.broadcast %add3A_1110 : i32 to vector<16xi32>
      %add3A_1112 = arith.addi %add3A_1111, %get3A_1096 : vector<16xi32>
      %select_n3A_1113 = arith.select %and3A_1105, %add3A_1109, %add3A_1112 : vector<16xi1>, vector<16xi32>
      %swap3A_1114 = arith.index_cast %scan3A_897 : i32 to index
      %swap3A_1115 = arith.constant 96 : index
      %swap3A_1116 = tpu.vector_load %arg7[%swap3A_1114, %swap3A_1115] {strides = array<i32>} : memref<32x128xi32, #tpu.memory_space<vmem>>, vector<16xi32>,
      tpu.vector_store %arg7[%swap3A_1114, %swap3A_1115], %select_n3A_1113 {strides = array<i32>} : memref<32x128xi32, #tpu.memory_space<vmem>>, vector<16xi32>,
      %mul3A_1117 = arith.constant 128 : i32
      %mul3A_1118 = arith.muli %scan3A_897, %mul3A_1117 : i32
      %add3A_1119 = arith.constant 112 : i32
      %add3A_1120 = arith.addi %mul3A_1118, %add3A_1119 : i32
      %get3A_1121 = arith.index_cast %add3A_1120 : i32 to index
      %get3A_1122 = tpu.vector_load %arg5[%get3A_1121] {strides = array<i32>} : memref<4096xi32, #tpu.memory_space<vmem>>, vector<16xi32>,
      %mul3A_1123 = arith.constant 128 : i32
      %mul3A_1124 = arith.muli %scan3A_897, %mul3A_1123 : i32
      %add3A_1125 = arith.constant 112 : i32
      %add3A_1126 = arith.addi %mul3A_1124, %add3A_1125 : i32
      %get3A_1127 = arith.index_cast %add3A_1126 : i32 to index
      %get3A_1128 = tpu.vector_load %arg6[%get3A_1127] {strides = array<i32>} : memref<4096xi32, #tpu.memory_space<vmem>>, vector<16xi32>,
      %sub3A_1129 = vector.broadcast %add3A_463 : i32 to vector<16xi32>
      %sub3A_1130 = arith.subi %get3A_1122, %sub3A_1129 : vector<16xi32>
      %ge3A_1131 = arith.constant 0 : i32
      %ge3A_1132 = vector.broadcast %ge3A_1131 : i32 to vector<16xi32>
      %ge3A_1133 = arith.cmpi sge, %sub3A_1130, %ge3A_1132 : vector<16xi32>
      %lt3A_1134 = arith.constant 512 : i32
      %lt3A_1135 = vector.broadcast %lt3A_1134 : i32 to vector<16xi32>
      %lt3A_1136 = arith.cmpi slt, %sub3A_1130, %lt3A_1135 : vector<16xi32>
      %and3A_1137 = arith.andi %ge3A_1133, %lt3A_1136 : vector<16xi1>
      %mul3A_1138 = arith.constant 2048 : i32
      %mul3A_1139 = vector.broadcast %mul3A_1138 : i32 to vector<16xi32>
      %mul3A_1140 = arith.muli %sub3A_1130, %mul3A_1139 : vector<16xi32>
      %add3A_1141 = arith.addi %mul3A_1140, %get3A_1128 : vector<16xi32>
      %add3A_1142 = arith.constant 1048576 : i32
      %add3A_1143 = vector.broadcast %add3A_1142 : i32 to vector<16xi32>
      %add3A_1144 = arith.addi %add3A_1143, %get3A_1128 : vector<16xi32>
      %select_n3A_1145 = arith.select %and3A_1137, %add3A_1141, %add3A_1144 : vector<16xi1>, vector<16xi32>
      %swap3A_1146 = arith.index_cast %scan3A_897 : i32 to index
      %swap3A_1147 = arith.constant 112 : index
      %swap3A_1148 = tpu.vector_load %arg7[%swap3A_1146, %swap3A_1147] {strides = array<i32>} : memref<32x128xi32, #tpu.memory_space<vmem>>, vector<16xi32>,
      tpu.vector_store %arg7[%swap3A_1146, %swap3A_1147], %select_n3A_1145 {strides = array<i32>} : memref<32x128xi32, #tpu.memory_space<vmem>>, vector<16xi32>,
      %scan3A_1149 = arith.constant 0 : i32
      scf.yield %scan3A_1149 : i32
    }
    %scan3A_503 = arith.constant 32 : i32
    %dma_start3A_504 = arith.constant 0 : i32
    %dma_start3A_505 = arith.constant 0 : i32
    %dma_start3A_506 = tpu.memref_slice %arg7[%dma_start3A_504, %dma_start3A_505] : memref<32x128xi32, #tpu.memory_space<vmem>> -> memref<1x128xi32, #tpu.memory_space<vmem>>
    %dma_start3A_507 = tpu.memref_squeeze %dma_start3A_506 : memref<1x128xi32, #tpu.memory_space<vmem>> -> memref<128xi32, #tpu.memory_space<vmem>>
    %dma_start3A_508 = arith.constant 0 : i32
    %dma_start3A_509 = tpu.memref_slice %arg10[%dma_start3A_508] : memref<1050624xf32, #tpu.memory_space<vmem_shared>> -> memref<1050624xf32, #tpu.memory_space<vmem_shared>>
    tpu.enqueue_indirect_dma source(%arg8 : memref<128xf32, #tpu.memory_space<vmem>>) target(%dma_start3A_509 : memref<1050624xf32, #tpu.memory_space<vmem_shared>>) offsets(%dma_start3A_507 : memref<128xi32, #tpu.memory_space<vmem>>) semaphore(%arg11 : memref<!tpu.dma_semaphore, #tpu.memory_space<semaphore_mem>>) {add = true}
    %dma_start3A_510 = arith.constant 1 : i32
    %dma_start3A_511 = arith.constant 0 : i32
    %dma_start3A_512 = tpu.memref_slice %arg7[%dma_start3A_510, %dma_start3A_511] : memref<32x128xi32, #tpu.memory_space<vmem>> -> memref<1x128xi32, #tpu.memory_space<vmem>>
    %dma_start3A_513 = tpu.memref_squeeze %dma_start3A_512 : memref<1x128xi32, #tpu.memory_space<vmem>> -> memref<128xi32, #tpu.memory_space<vmem>>
    %dma_start3A_514 = arith.constant 0 : i32
    %dma_start3A_515 = tpu.memref_slice %arg10[%dma_start3A_514] : memref<1050624xf32, #tpu.memory_space<vmem_shared>> -> memref<1050624xf32, #tpu.memory_space<vmem_shared>>
    tpu.enqueue_indirect_dma source(%arg8 : memref<128xf32, #tpu.memory_space<vmem>>) target(%dma_start3A_515 : memref<1050624xf32, #tpu.memory_space<vmem_shared>>) offsets(%dma_start3A_513 : memref<128xi32, #tpu.memory_space<vmem>>) semaphore(%arg11 : memref<!tpu.dma_semaphore, #tpu.memory_space<semaphore_mem>>) {add = true}
    %dma_start3A_516 = arith.constant 2 : i32
    %dma_start3A_517 = arith.constant 0 : i32
    %dma_start3A_518 = tpu.memref_slice %arg7[%dma_start3A_516, %dma_start3A_517] : memref<32x128xi32, #tpu.memory_space<vmem>> -> memref<1x128xi32, #tpu.memory_space<vmem>>
    %dma_start3A_519 = tpu.memref_squeeze %dma_start3A_518 : memref<1x128xi32, #tpu.memory_space<vmem>> -> memref<128xi32, #tpu.memory_space<vmem>>
    %dma_start3A_520 = arith.constant 0 : i32
    %dma_start3A_521 = tpu.memref_slice %arg10[%dma_start3A_520] : memref<1050624xf32, #tpu.memory_space<vmem_shared>> -> memref<1050624xf32, #tpu.memory_space<vmem_shared>>
    tpu.enqueue_indirect_dma source(%arg8 : memref<128xf32, #tpu.memory_space<vmem>>) target(%dma_start3A_521 : memref<1050624xf32, #tpu.memory_space<vmem_shared>>) offsets(%dma_start3A_519 : memref<128xi32, #tpu.memory_space<vmem>>) semaphore(%arg11 : memref<!tpu.dma_semaphore, #tpu.memory_space<semaphore_mem>>) {add = true}
    %dma_start3A_522 = arith.constant 3 : i32
    %dma_start3A_523 = arith.constant 0 : i32
    %dma_start3A_524 = tpu.memref_slice %arg7[%dma_start3A_522, %dma_start3A_523] : memref<32x128xi32, #tpu.memory_space<vmem>> -> memref<1x128xi32, #tpu.memory_space<vmem>>
    %dma_start3A_525 = tpu.memref_squeeze %dma_start3A_524 : memref<1x128xi32, #tpu.memory_space<vmem>> -> memref<128xi32, #tpu.memory_space<vmem>>
    %dma_start3A_526 = arith.constant 0 : i32
    %dma_start3A_527 = tpu.memref_slice %arg10[%dma_start3A_526] : memref<1050624xf32, #tpu.memory_space<vmem_shared>> -> memref<1050624xf32, #tpu.memory_space<vmem_shared>>
    tpu.enqueue_indirect_dma source(%arg8 : memref<128xf32, #tpu.memory_space<vmem>>) target(%dma_start3A_527 : memref<1050624xf32, #tpu.memory_space<vmem_shared>>) offsets(%dma_start3A_525 : memref<128xi32, #tpu.memory_space<vmem>>) semaphore(%arg11 : memref<!tpu.dma_semaphore, #tpu.memory_space<semaphore_mem>>) {add = true}
    %dma_start3A_528 = arith.constant 4 : i32
    %dma_start3A_529 = arith.constant 0 : i32
    %dma_start3A_530 = tpu.memref_slice %arg7[%dma_start3A_528, %dma_start3A_529] : memref<32x128xi32, #tpu.memory_space<vmem>> -> memref<1x128xi32, #tpu.memory_space<vmem>>
    %dma_start3A_531 = tpu.memref_squeeze %dma_start3A_530 : memref<1x128xi32, #tpu.memory_space<vmem>> -> memref<128xi32, #tpu.memory_space<vmem>>
    %dma_start3A_532 = arith.constant 0 : i32
    %dma_start3A_533 = tpu.memref_slice %arg10[%dma_start3A_532] : memref<1050624xf32, #tpu.memory_space<vmem_shared>> -> memref<1050624xf32, #tpu.memory_space<vmem_shared>>
    tpu.enqueue_indirect_dma source(%arg8 : memref<128xf32, #tpu.memory_space<vmem>>) target(%dma_start3A_533 : memref<1050624xf32, #tpu.memory_space<vmem_shared>>) offsets(%dma_start3A_531 : memref<128xi32, #tpu.memory_space<vmem>>) semaphore(%arg11 : memref<!tpu.dma_semaphore, #tpu.memory_space<semaphore_mem>>) {add = true}
    %dma_start3A_534 = arith.constant 5 : i32
    %dma_start3A_535 = arith.constant 0 : i32
    %dma_start3A_536 = tpu.memref_slice %arg7[%dma_start3A_534, %dma_start3A_535] : memref<32x128xi32, #tpu.memory_space<vmem>> -> memref<1x128xi32, #tpu.memory_space<vmem>>
    %dma_start3A_537 = tpu.memref_squeeze %dma_start3A_536 : memref<1x128xi32, #tpu.memory_space<vmem>> -> memref<128xi32, #tpu.memory_space<vmem>>
    %dma_start3A_538 = arith.constant 0 : i32
    %dma_start3A_539 = tpu.memref_slice %arg10[%dma_start3A_538] : memref<1050624xf32, #tpu.memory_space<vmem_shared>> -> memref<1050624xf32, #tpu.memory_space<vmem_shared>>
    tpu.enqueue_indirect_dma source(%arg8 : memref<128xf32, #tpu.memory_space<vmem>>) target(%dma_start3A_539 : memref<1050624xf32, #tpu.memory_space<vmem_shared>>) offsets(%dma_start3A_537 : memref<128xi32, #tpu.memory_space<vmem>>) semaphore(%arg11 : memref<!tpu.dma_semaphore, #tpu.memory_space<semaphore_mem>>) {add = true}
    %dma_start3A_540 = arith.constant 6 : i32
    %dma_start3A_541 = arith.constant 0 : i32
    %dma_start3A_542 = tpu.memref_slice %arg7[%dma_start3A_540, %dma_start3A_541] : memref<32x128xi32, #tpu.memory_space<vmem>> -> memref<1x128xi32, #tpu.memory_space<vmem>>
    %dma_start3A_543 = tpu.memref_squeeze %dma_start3A_542 : memref<1x128xi32, #tpu.memory_space<vmem>> -> memref<128xi32, #tpu.memory_space<vmem>>
    %dma_start3A_544 = arith.constant 0 : i32
    %dma_start3A_545 = tpu.memref_slice %arg10[%dma_start3A_544] : memref<1050624xf32, #tpu.memory_space<vmem_shared>> -> memref<1050624xf32, #tpu.memory_space<vmem_shared>>
    tpu.enqueue_indirect_dma source(%arg8 : memref<128xf32, #tpu.memory_space<vmem>>) target(%dma_start3A_545 : memref<1050624xf32, #tpu.memory_space<vmem_shared>>) offsets(%dma_start3A_543 : memref<128xi32, #tpu.memory_space<vmem>>) semaphore(%arg11 : memref<!tpu.dma_semaphore, #tpu.memory_space<semaphore_mem>>) {add = true}
    %dma_start3A_546 = arith.constant 7 : i32
    %dma_start3A_547 = arith.constant 0 : i32
    %dma_start3A_548 = tpu.memref_slice %arg7[%dma_start3A_546, %dma_start3A_547] : memref<32x128xi32, #tpu.memory_space<vmem>> -> memref<1x128xi32, #tpu.memory_space<vmem>>
    %dma_start3A_549 = tpu.memref_squeeze %dma_start3A_548 : memref<1x128xi32, #tpu.memory_space<vmem>> -> memref<128xi32, #tpu.memory_space<vmem>>
    %dma_start3A_550 = arith.constant 0 : i32
    %dma_start3A_551 = tpu.memref_slice %arg10[%dma_start3A_550] : memref<1050624xf32, #tpu.memory_space<vmem_shared>> -> memref<1050624xf32, #tpu.memory_space<vmem_shared>>
    tpu.enqueue_indirect_dma source(%arg8 : memref<128xf32, #tpu.memory_space<vmem>>) target(%dma_start3A_551 : memref<1050624xf32, #tpu.memory_space<vmem_shared>>) offsets(%dma_start3A_549 : memref<128xi32, #tpu.memory_space<vmem>>) semaphore(%arg11 : memref<!tpu.dma_semaphore, #tpu.memory_space<semaphore_mem>>) {add = true}
    %dma_start3A_552 = arith.constant 8 : i32
    %dma_start3A_553 = arith.constant 0 : i32
    %dma_start3A_554 = tpu.memref_slice %arg7[%dma_start3A_552, %dma_start3A_553] : memref<32x128xi32, #tpu.memory_space<vmem>> -> memref<1x128xi32, #tpu.memory_space<vmem>>
    %dma_start3A_555 = tpu.memref_squeeze %dma_start3A_554 : memref<1x128xi32, #tpu.memory_space<vmem>> -> memref<128xi32, #tpu.memory_space<vmem>>
    %dma_start3A_556 = arith.constant 0 : i32
    %dma_start3A_557 = tpu.memref_slice %arg10[%dma_start3A_556] : memref<1050624xf32, #tpu.memory_space<vmem_shared>> -> memref<1050624xf32, #tpu.memory_space<vmem_shared>>
    tpu.enqueue_indirect_dma source(%arg8 : memref<128xf32, #tpu.memory_space<vmem>>) target(%dma_start3A_557 : memref<1050624xf32, #tpu.memory_space<vmem_shared>>) offsets(%dma_start3A_555 : memref<128xi32, #tpu.memory_space<vmem>>) semaphore(%arg11 : memref<!tpu.dma_semaphore, #tpu.memory_space<semaphore_mem>>) {add = true}
    %dma_start3A_558 = arith.constant 9 : i32
    %dma_start3A_559 = arith.constant 0 : i32
    %dma_start3A_560 = tpu.memref_slice %arg7[%dma_start3A_558, %dma_start3A_559] : memref<32x128xi32, #tpu.memory_space<vmem>> -> memref<1x128xi32, #tpu.memory_space<vmem>>
    %dma_start3A_561 = tpu.memref_squeeze %dma_start3A_560 : memref<1x128xi32, #tpu.memory_space<vmem>> -> memref<128xi32, #tpu.memory_space<vmem>>
    %dma_start3A_562 = arith.constant 0 : i32
    %dma_start3A_563 = tpu.memref_slice %arg10[%dma_start3A_562] : memref<1050624xf32, #tpu.memory_space<vmem_shared>> -> memref<1050624xf32, #tpu.memory_space<vmem_shared>>
    tpu.enqueue_indirect_dma source(%arg8 : memref<128xf32, #tpu.memory_space<vmem>>) target(%dma_start3A_563 : memref<1050624xf32, #tpu.memory_space<vmem_shared>>) offsets(%dma_start3A_561 : memref<128xi32, #tpu.memory_space<vmem>>) semaphore(%arg11 : memref<!tpu.dma_semaphore, #tpu.memory_space<semaphore_mem>>) {add = true}
    %dma_start3A_564 = arith.constant 10 : i32
    %dma_start3A_565 = arith.constant 0 : i32
    %dma_start3A_566 = tpu.memref_slice %arg7[%dma_start3A_564, %dma_start3A_565] : memref<32x128xi32, #tpu.memory_space<vmem>> -> memref<1x128xi32, #tpu.memory_space<vmem>>
    %dma_start3A_567 = tpu.memref_squeeze %dma_start3A_566 : memref<1x128xi32, #tpu.memory_space<vmem>> -> memref<128xi32, #tpu.memory_space<vmem>>
    %dma_start3A_568 = arith.constant 0 : i32
    %dma_start3A_569 = tpu.memref_slice %arg10[%dma_start3A_568] : memref<1050624xf32, #tpu.memory_space<vmem_shared>> -> memref<1050624xf32, #tpu.memory_space<vmem_shared>>
    tpu.enqueue_indirect_dma source(%arg8 : memref<128xf32, #tpu.memory_space<vmem>>) target(%dma_start3A_569 : memref<1050624xf32, #tpu.memory_space<vmem_shared>>) offsets(%dma_start3A_567 : memref<128xi32, #tpu.memory_space<vmem>>) semaphore(%arg11 : memref<!tpu.dma_semaphore, #tpu.memory_space<semaphore_mem>>) {add = true}
    %dma_start3A_570 = arith.constant 11 : i32
    %dma_start3A_571 = arith.constant 0 : i32
    %dma_start3A_572 = tpu.memref_slice %arg7[%dma_start3A_570, %dma_start3A_571] : memref<32x128xi32, #tpu.memory_space<vmem>> -> memref<1x128xi32, #tpu.memory_space<vmem>>
    %dma_start3A_573 = tpu.memref_squeeze %dma_start3A_572 : memref<1x128xi32, #tpu.memory_space<vmem>> -> memref<128xi32, #tpu.memory_space<vmem>>
    %dma_start3A_574 = arith.constant 0 : i32
    %dma_start3A_575 = tpu.memref_slice %arg10[%dma_start3A_574] : memref<1050624xf32, #tpu.memory_space<vmem_shared>> -> memref<1050624xf32, #tpu.memory_space<vmem_shared>>
    tpu.enqueue_indirect_dma source(%arg8 : memref<128xf32, #tpu.memory_space<vmem>>) target(%dma_start3A_575 : memref<1050624xf32, #tpu.memory_space<vmem_shared>>) offsets(%dma_start3A_573 : memref<128xi32, #tpu.memory_space<vmem>>) semaphore(%arg11 : memref<!tpu.dma_semaphore, #tpu.memory_space<semaphore_mem>>) {add = true}
    %dma_start3A_576 = arith.constant 12 : i32
    %dma_start3A_577 = arith.constant 0 : i32
    %dma_start3A_578 = tpu.memref_slice %arg7[%dma_start3A_576, %dma_start3A_577] : memref<32x128xi32, #tpu.memory_space<vmem>> -> memref<1x128xi32, #tpu.memory_space<vmem>>
    %dma_start3A_579 = tpu.memref_squeeze %dma_start3A_578 : memref<1x128xi32, #tpu.memory_space<vmem>> -> memref<128xi32, #tpu.memory_space<vmem>>
    %dma_start3A_580 = arith.constant 0 : i32
    %dma_start3A_581 = tpu.memref_slice %arg10[%dma_start3A_580] : memref<1050624xf32, #tpu.memory_space<vmem_shared>> -> memref<1050624xf32, #tpu.memory_space<vmem_shared>>
    tpu.enqueue_indirect_dma source(%arg8 : memref<128xf32, #tpu.memory_space<vmem>>) target(%dma_start3A_581 : memref<1050624xf32, #tpu.memory_space<vmem_shared>>) offsets(%dma_start3A_579 : memref<128xi32, #tpu.memory_space<vmem>>) semaphore(%arg11 : memref<!tpu.dma_semaphore, #tpu.memory_space<semaphore_mem>>) {add = true}
    %dma_start3A_582 = arith.constant 13 : i32
    %dma_start3A_583 = arith.constant 0 : i32
    %dma_start3A_584 = tpu.memref_slice %arg7[%dma_start3A_582, %dma_start3A_583] : memref<32x128xi32, #tpu.memory_space<vmem>> -> memref<1x128xi32, #tpu.memory_space<vmem>>
    %dma_start3A_585 = tpu.memref_squeeze %dma_start3A_584 : memref<1x128xi32, #tpu.memory_space<vmem>> -> memref<128xi32, #tpu.memory_space<vmem>>
    %dma_start3A_586 = arith.constant 0 : i32
    %dma_start3A_587 = tpu.memref_slice %arg10[%dma_start3A_586] : memref<1050624xf32, #tpu.memory_space<vmem_shared>> -> memref<1050624xf32, #tpu.memory_space<vmem_shared>>
    tpu.enqueue_indirect_dma source(%arg8 : memref<128xf32, #tpu.memory_space<vmem>>) target(%dma_start3A_587 : memref<1050624xf32, #tpu.memory_space<vmem_shared>>) offsets(%dma_start3A_585 : memref<128xi32, #tpu.memory_space<vmem>>) semaphore(%arg11 : memref<!tpu.dma_semaphore, #tpu.memory_space<semaphore_mem>>) {add = true}
    %dma_start3A_588 = arith.constant 14 : i32
    %dma_start3A_589 = arith.constant 0 : i32
    %dma_start3A_590 = tpu.memref_slice %arg7[%dma_start3A_588, %dma_start3A_589] : memref<32x128xi32, #tpu.memory_space<vmem>> -> memref<1x128xi32, #tpu.memory_space<vmem>>
    %dma_start3A_591 = tpu.memref_squeeze %dma_start3A_590 : memref<1x128xi32, #tpu.memory_space<vmem>> -> memref<128xi32, #tpu.memory_space<vmem>>
    %dma_start3A_592 = arith.constant 0 : i32
    %dma_start3A_593 = tpu.memref_slice %arg10[%dma_start3A_592] : memref<1050624xf32, #tpu.memory_space<vmem_shared>> -> memref<1050624xf32, #tpu.memory_space<vmem_shared>>
    tpu.enqueue_indirect_dma source(%arg8 : memref<128xf32, #tpu.memory_space<vmem>>) target(%dma_start3A_593 : memref<1050624xf32, #tpu.memory_space<vmem_shared>>) offsets(%dma_start3A_591 : memref<128xi32, #tpu.memory_space<vmem>>) semaphore(%arg11 : memref<!tpu.dma_semaphore, #tpu.memory_space<semaphore_mem>>) {add = true}
    %dma_start3A_594 = arith.constant 15 : i32
    %dma_start3A_595 = arith.constant 0 : i32
    %dma_start3A_596 = tpu.memref_slice %arg7[%dma_start3A_594, %dma_start3A_595] : memref<32x128xi32, #tpu.memory_space<vmem>> -> memref<1x128xi32, #tpu.memory_space<vmem>>
    %dma_start3A_597 = tpu.memref_squeeze %dma_start3A_596 : memref<1x128xi32, #tpu.memory_space<vmem>> -> memref<128xi32, #tpu.memory_space<vmem>>
    %dma_start3A_598 = arith.constant 0 : i32
    %dma_start3A_599 = tpu.memref_slice %arg10[%dma_start3A_598] : memref<1050624xf32, #tpu.memory_space<vmem_shared>> -> memref<1050624xf32, #tpu.memory_space<vmem_shared>>
    tpu.enqueue_indirect_dma source(%arg8 : memref<128xf32, #tpu.memory_space<vmem>>) target(%dma_start3A_599 : memref<1050624xf32, #tpu.memory_space<vmem_shared>>) offsets(%dma_start3A_597 : memref<128xi32, #tpu.memory_space<vmem>>) semaphore(%arg11 : memref<!tpu.dma_semaphore, #tpu.memory_space<semaphore_mem>>) {add = true}
    %dma_start3A_600 = arith.constant 16 : i32
    %dma_start3A_601 = arith.constant 0 : i32
    %dma_start3A_602 = tpu.memref_slice %arg7[%dma_start3A_600, %dma_start3A_601] : memref<32x128xi32, #tpu.memory_space<vmem>> -> memref<1x128xi32, #tpu.memory_space<vmem>>
    %dma_start3A_603 = tpu.memref_squeeze %dma_start3A_602 : memref<1x128xi32, #tpu.memory_space<vmem>> -> memref<128xi32, #tpu.memory_space<vmem>>
    %dma_start3A_604 = arith.constant 0 : i32
    %dma_start3A_605 = tpu.memref_slice %arg10[%dma_start3A_604] : memref<1050624xf32, #tpu.memory_space<vmem_shared>> -> memref<1050624xf32, #tpu.memory_space<vmem_shared>>
    tpu.enqueue_indirect_dma source(%arg8 : memref<128xf32, #tpu.memory_space<vmem>>) target(%dma_start3A_605 : memref<1050624xf32, #tpu.memory_space<vmem_shared>>) offsets(%dma_start3A_603 : memref<128xi32, #tpu.memory_space<vmem>>) semaphore(%arg11 : memref<!tpu.dma_semaphore, #tpu.memory_space<semaphore_mem>>) {add = true}
    %dma_start3A_606 = arith.constant 17 : i32
    %dma_start3A_607 = arith.constant 0 : i32
    %dma_start3A_608 = tpu.memref_slice %arg7[%dma_start3A_606, %dma_start3A_607] : memref<32x128xi32, #tpu.memory_space<vmem>> -> memref<1x128xi32, #tpu.memory_space<vmem>>
    %dma_start3A_609 = tpu.memref_squeeze %dma_start3A_608 : memref<1x128xi32, #tpu.memory_space<vmem>> -> memref<128xi32, #tpu.memory_space<vmem>>
    %dma_start3A_610 = arith.constant 0 : i32
    %dma_start3A_611 = tpu.memref_slice %arg10[%dma_start3A_610] : memref<1050624xf32, #tpu.memory_space<vmem_shared>> -> memref<1050624xf32, #tpu.memory_space<vmem_shared>>
    tpu.enqueue_indirect_dma source(%arg8 : memref<128xf32, #tpu.memory_space<vmem>>) target(%dma_start3A_611 : memref<1050624xf32, #tpu.memory_space<vmem_shared>>) offsets(%dma_start3A_609 : memref<128xi32, #tpu.memory_space<vmem>>) semaphore(%arg11 : memref<!tpu.dma_semaphore, #tpu.memory_space<semaphore_mem>>) {add = true}
    %dma_start3A_612 = arith.constant 18 : i32
    %dma_start3A_613 = arith.constant 0 : i32
    %dma_start3A_614 = tpu.memref_slice %arg7[%dma_start3A_612, %dma_start3A_613] : memref<32x128xi32, #tpu.memory_space<vmem>> -> memref<1x128xi32, #tpu.memory_space<vmem>>
    %dma_start3A_615 = tpu.memref_squeeze %dma_start3A_614 : memref<1x128xi32, #tpu.memory_space<vmem>> -> memref<128xi32, #tpu.memory_space<vmem>>
    %dma_start3A_616 = arith.constant 0 : i32
    %dma_start3A_617 = tpu.memref_slice %arg10[%dma_start3A_616] : memref<1050624xf32, #tpu.memory_space<vmem_shared>> -> memref<1050624xf32, #tpu.memory_space<vmem_shared>>
    tpu.enqueue_indirect_dma source(%arg8 : memref<128xf32, #tpu.memory_space<vmem>>) target(%dma_start3A_617 : memref<1050624xf32, #tpu.memory_space<vmem_shared>>) offsets(%dma_start3A_615 : memref<128xi32, #tpu.memory_space<vmem>>) semaphore(%arg11 : memref<!tpu.dma_semaphore, #tpu.memory_space<semaphore_mem>>) {add = true}
    %dma_start3A_618 = arith.constant 19 : i32
    %dma_start3A_619 = arith.constant 0 : i32
    %dma_start3A_620 = tpu.memref_slice %arg7[%dma_start3A_618, %dma_start3A_619] : memref<32x128xi32, #tpu.memory_space<vmem>> -> memref<1x128xi32, #tpu.memory_space<vmem>>
    %dma_start3A_621 = tpu.memref_squeeze %dma_start3A_620 : memref<1x128xi32, #tpu.memory_space<vmem>> -> memref<128xi32, #tpu.memory_space<vmem>>
    %dma_start3A_622 = arith.constant 0 : i32
    %dma_start3A_623 = tpu.memref_slice %arg10[%dma_start3A_622] : memref<1050624xf32, #tpu.memory_space<vmem_shared>> -> memref<1050624xf32, #tpu.memory_space<vmem_shared>>
    tpu.enqueue_indirect_dma source(%arg8 : memref<128xf32, #tpu.memory_space<vmem>>) target(%dma_start3A_623 : memref<1050624xf32, #tpu.memory_space<vmem_shared>>) offsets(%dma_start3A_621 : memref<128xi32, #tpu.memory_space<vmem>>) semaphore(%arg11 : memref<!tpu.dma_semaphore, #tpu.memory_space<semaphore_mem>>) {add = true}
    %dma_start3A_624 = arith.constant 20 : i32
    %dma_start3A_625 = arith.constant 0 : i32
    %dma_start3A_626 = tpu.memref_slice %arg7[%dma_start3A_624, %dma_start3A_625] : memref<32x128xi32, #tpu.memory_space<vmem>> -> memref<1x128xi32, #tpu.memory_space<vmem>>
    %dma_start3A_627 = tpu.memref_squeeze %dma_start3A_626 : memref<1x128xi32, #tpu.memory_space<vmem>> -> memref<128xi32, #tpu.memory_space<vmem>>
    %dma_start3A_628 = arith.constant 0 : i32
    %dma_start3A_629 = tpu.memref_slice %arg10[%dma_start3A_628] : memref<1050624xf32, #tpu.memory_space<vmem_shared>> -> memref<1050624xf32, #tpu.memory_space<vmem_shared>>
    tpu.enqueue_indirect_dma source(%arg8 : memref<128xf32, #tpu.memory_space<vmem>>) target(%dma_start3A_629 : memref<1050624xf32, #tpu.memory_space<vmem_shared>>) offsets(%dma_start3A_627 : memref<128xi32, #tpu.memory_space<vmem>>) semaphore(%arg11 : memref<!tpu.dma_semaphore, #tpu.memory_space<semaphore_mem>>) {add = true}
    %dma_start3A_630 = arith.constant 21 : i32
    %dma_start3A_631 = arith.constant 0 : i32
    %dma_start3A_632 = tpu.memref_slice %arg7[%dma_start3A_630, %dma_start3A_631] : memref<32x128xi32, #tpu.memory_space<vmem>> -> memref<1x128xi32, #tpu.memory_space<vmem>>
    %dma_start3A_633 = tpu.memref_squeeze %dma_start3A_632 : memref<1x128xi32, #tpu.memory_space<vmem>> -> memref<128xi32, #tpu.memory_space<vmem>>
    %dma_start3A_634 = arith.constant 0 : i32
    %dma_start3A_635 = tpu.memref_slice %arg10[%dma_start3A_634] : memref<1050624xf32, #tpu.memory_space<vmem_shared>> -> memref<1050624xf32, #tpu.memory_space<vmem_shared>>
    tpu.enqueue_indirect_dma source(%arg8 : memref<128xf32, #tpu.memory_space<vmem>>) target(%dma_start3A_635 : memref<1050624xf32, #tpu.memory_space<vmem_shared>>) offsets(%dma_start3A_633 : memref<128xi32, #tpu.memory_space<vmem>>) semaphore(%arg11 : memref<!tpu.dma_semaphore, #tpu.memory_space<semaphore_mem>>) {add = true}
    %dma_start3A_636 = arith.constant 22 : i32
    %dma_start3A_637 = arith.constant 0 : i32
    %dma_start3A_638 = tpu.memref_slice %arg7[%dma_start3A_636, %dma_start3A_637] : memref<32x128xi32, #tpu.memory_space<vmem>> -> memref<1x128xi32, #tpu.memory_space<vmem>>
    %dma_start3A_639 = tpu.memref_squeeze %dma_start3A_638 : memref<1x128xi32, #tpu.memory_space<vmem>> -> memref<128xi32, #tpu.memory_space<vmem>>
    %dma_start3A_640 = arith.constant 0 : i32
    %dma_start3A_641 = tpu.memref_slice %arg10[%dma_start3A_640] : memref<1050624xf32, #tpu.memory_space<vmem_shared>> -> memref<1050624xf32, #tpu.memory_space<vmem_shared>>
    tpu.enqueue_indirect_dma source(%arg8 : memref<128xf32, #tpu.memory_space<vmem>>) target(%dma_start3A_641 : memref<1050624xf32, #tpu.memory_space<vmem_shared>>) offsets(%dma_start3A_639 : memref<128xi32, #tpu.memory_space<vmem>>) semaphore(%arg11 : memref<!tpu.dma_semaphore, #tpu.memory_space<semaphore_mem>>) {add = true}
    %dma_start3A_642 = arith.constant 23 : i32
    %dma_start3A_643 = arith.constant 0 : i32
    %dma_start3A_644 = tpu.memref_slice %arg7[%dma_start3A_642, %dma_start3A_643] : memref<32x128xi32, #tpu.memory_space<vmem>> -> memref<1x128xi32, #tpu.memory_space<vmem>>
    %dma_start3A_645 = tpu.memref_squeeze %dma_start3A_644 : memref<1x128xi32, #tpu.memory_space<vmem>> -> memref<128xi32, #tpu.memory_space<vmem>>
    %dma_start3A_646 = arith.constant 0 : i32
    %dma_start3A_647 = tpu.memref_slice %arg10[%dma_start3A_646] : memref<1050624xf32, #tpu.memory_space<vmem_shared>> -> memref<1050624xf32, #tpu.memory_space<vmem_shared>>
    tpu.enqueue_indirect_dma source(%arg8 : memref<128xf32, #tpu.memory_space<vmem>>) target(%dma_start3A_647 : memref<1050624xf32, #tpu.memory_space<vmem_shared>>) offsets(%dma_start3A_645 : memref<128xi32, #tpu.memory_space<vmem>>) semaphore(%arg11 : memref<!tpu.dma_semaphore, #tpu.memory_space<semaphore_mem>>) {add = true}
    %dma_start3A_648 = arith.constant 24 : i32
    %dma_start3A_649 = arith.constant 0 : i32
    %dma_start3A_650 = tpu.memref_slice %arg7[%dma_start3A_648, %dma_start3A_649] : memref<32x128xi32, #tpu.memory_space<vmem>> -> memref<1x128xi32, #tpu.memory_space<vmem>>
    %dma_start3A_651 = tpu.memref_squeeze %dma_start3A_650 : memref<1x128xi32, #tpu.memory_space<vmem>> -> memref<128xi32, #tpu.memory_space<vmem>>
    %dma_start3A_652 = arith.constant 0 : i32
    %dma_start3A_653 = tpu.memref_slice %arg10[%dma_start3A_652] : memref<1050624xf32, #tpu.memory_space<vmem_shared>> -> memref<1050624xf32, #tpu.memory_space<vmem_shared>>
    tpu.enqueue_indirect_dma source(%arg8 : memref<128xf32, #tpu.memory_space<vmem>>) target(%dma_start3A_653 : memref<1050624xf32, #tpu.memory_space<vmem_shared>>) offsets(%dma_start3A_651 : memref<128xi32, #tpu.memory_space<vmem>>) semaphore(%arg11 : memref<!tpu.dma_semaphore, #tpu.memory_space<semaphore_mem>>) {add = true}
    %dma_start3A_654 = arith.constant 25 : i32
    %dma_start3A_655 = arith.constant 0 : i32
    %dma_start3A_656 = tpu.memref_slice %arg7[%dma_start3A_654, %dma_start3A_655] : memref<32x128xi32, #tpu.memory_space<vmem>> -> memref<1x128xi32, #tpu.memory_space<vmem>>
    %dma_start3A_657 = tpu.memref_squeeze %dma_start3A_656 : memref<1x128xi32, #tpu.memory_space<vmem>> -> memref<128xi32, #tpu.memory_space<vmem>>
    %dma_start3A_658 = arith.constant 0 : i32
    %dma_start3A_659 = tpu.memref_slice %arg10[%dma_start3A_658] : memref<1050624xf32, #tpu.memory_space<vmem_shared>> -> memref<1050624xf32, #tpu.memory_space<vmem_shared>>
    tpu.enqueue_indirect_dma source(%arg8 : memref<128xf32, #tpu.memory_space<vmem>>) target(%dma_start3A_659 : memref<1050624xf32, #tpu.memory_space<vmem_shared>>) offsets(%dma_start3A_657 : memref<128xi32, #tpu.memory_space<vmem>>) semaphore(%arg11 : memref<!tpu.dma_semaphore, #tpu.memory_space<semaphore_mem>>) {add = true}
    %dma_start3A_660 = arith.constant 26 : i32
    %dma_start3A_661 = arith.constant 0 : i32
    %dma_start3A_662 = tpu.memref_slice %arg7[%dma_start3A_660, %dma_start3A_661] : memref<32x128xi32, #tpu.memory_space<vmem>> -> memref<1x128xi32, #tpu.memory_space<vmem>>
    %dma_start3A_663 = tpu.memref_squeeze %dma_start3A_662 : memref<1x128xi32, #tpu.memory_space<vmem>> -> memref<128xi32, #tpu.memory_space<vmem>>
    %dma_start3A_664 = arith.constant 0 : i32
    %dma_start3A_665 = tpu.memref_slice %arg10[%dma_start3A_664] : memref<1050624xf32, #tpu.memory_space<vmem_shared>> -> memref<1050624xf32, #tpu.memory_space<vmem_shared>>
    tpu.enqueue_indirect_dma source(%arg8 : memref<128xf32, #tpu.memory_space<vmem>>) target(%dma_start3A_665 : memref<1050624xf32, #tpu.memory_space<vmem_shared>>) offsets(%dma_start3A_663 : memref<128xi32, #tpu.memory_space<vmem>>) semaphore(%arg11 : memref<!tpu.dma_semaphore, #tpu.memory_space<semaphore_mem>>) {add = true}
    %dma_start3A_666 = arith.constant 27 : i32
    %dma_start3A_667 = arith.constant 0 : i32
    %dma_start3A_668 = tpu.memref_slice %arg7[%dma_start3A_666, %dma_start3A_667] : memref<32x128xi32, #tpu.memory_space<vmem>> -> memref<1x128xi32, #tpu.memory_space<vmem>>
    %dma_start3A_669 = tpu.memref_squeeze %dma_start3A_668 : memref<1x128xi32, #tpu.memory_space<vmem>> -> memref<128xi32, #tpu.memory_space<vmem>>
    %dma_start3A_670 = arith.constant 0 : i32
    %dma_start3A_671 = tpu.memref_slice %arg10[%dma_start3A_670] : memref<1050624xf32, #tpu.memory_space<vmem_shared>> -> memref<1050624xf32, #tpu.memory_space<vmem_shared>>
    tpu.enqueue_indirect_dma source(%arg8 : memref<128xf32, #tpu.memory_space<vmem>>) target(%dma_start3A_671 : memref<1050624xf32, #tpu.memory_space<vmem_shared>>) offsets(%dma_start3A_669 : memref<128xi32, #tpu.memory_space<vmem>>) semaphore(%arg11 : memref<!tpu.dma_semaphore, #tpu.memory_space<semaphore_mem>>) {add = true}
    %dma_start3A_672 = arith.constant 28 : i32
    %dma_start3A_673 = arith.constant 0 : i32
    %dma_start3A_674 = tpu.memref_slice %arg7[%dma_start3A_672, %dma_start3A_673] : memref<32x128xi32, #tpu.memory_space<vmem>> -> memref<1x128xi32, #tpu.memory_space<vmem>>
    %dma_start3A_675 = tpu.memref_squeeze %dma_start3A_674 : memref<1x128xi32, #tpu.memory_space<vmem>> -> memref<128xi32, #tpu.memory_space<vmem>>
    %dma_start3A_676 = arith.constant 0 : i32
    %dma_start3A_677 = tpu.memref_slice %arg10[%dma_start3A_676] : memref<1050624xf32, #tpu.memory_space<vmem_shared>> -> memref<1050624xf32, #tpu.memory_space<vmem_shared>>
    tpu.enqueue_indirect_dma source(%arg8 : memref<128xf32, #tpu.memory_space<vmem>>) target(%dma_start3A_677 : memref<1050624xf32, #tpu.memory_space<vmem_shared>>) offsets(%dma_start3A_675 : memref<128xi32, #tpu.memory_space<vmem>>) semaphore(%arg11 : memref<!tpu.dma_semaphore, #tpu.memory_space<semaphore_mem>>) {add = true}
    %dma_start3A_678 = arith.constant 29 : i32
    %dma_start3A_679 = arith.constant 0 : i32
    %dma_start3A_680 = tpu.memref_slice %arg7[%dma_start3A_678, %dma_start3A_679] : memref<32x128xi32, #tpu.memory_space<vmem>> -> memref<1x128xi32, #tpu.memory_space<vmem>>
    %dma_start3A_681 = tpu.memref_squeeze %dma_start3A_680 : memref<1x128xi32, #tpu.memory_space<vmem>> -> memref<128xi32, #tpu.memory_space<vmem>>
    %dma_start3A_682 = arith.constant 0 : i32
    %dma_start3A_683 = tpu.memref_slice %arg10[%dma_start3A_682] : memref<1050624xf32, #tpu.memory_space<vmem_shared>> -> memref<1050624xf32, #tpu.memory_space<vmem_shared>>
    tpu.enqueue_indirect_dma source(%arg8 : memref<128xf32, #tpu.memory_space<vmem>>) target(%dma_start3A_683 : memref<1050624xf32, #tpu.memory_space<vmem_shared>>) offsets(%dma_start3A_681 : memref<128xi32, #tpu.memory_space<vmem>>) semaphore(%arg11 : memref<!tpu.dma_semaphore, #tpu.memory_space<semaphore_mem>>) {add = true}
    %dma_start3A_684 = arith.constant 30 : i32
    %dma_start3A_685 = arith.constant 0 : i32
    %dma_start3A_686 = tpu.memref_slice %arg7[%dma_start3A_684, %dma_start3A_685] : memref<32x128xi32, #tpu.memory_space<vmem>> -> memref<1x128xi32, #tpu.memory_space<vmem>>
    %dma_start3A_687 = tpu.memref_squeeze %dma_start3A_686 : memref<1x128xi32, #tpu.memory_space<vmem>> -> memref<128xi32, #tpu.memory_space<vmem>>
    %dma_start3A_688 = arith.constant 0 : i32
    %dma_start3A_689 = tpu.memref_slice %arg10[%dma_start3A_688] : memref<1050624xf32, #tpu.memory_space<vmem_shared>> -> memref<1050624xf32, #tpu.memory_space<vmem_shared>>
    tpu.enqueue_indirect_dma source(%arg8 : memref<128xf32, #tpu.memory_space<vmem>>) target(%dma_start3A_689 : memref<1050624xf32, #tpu.memory_space<vmem_shared>>) offsets(%dma_start3A_687 : memref<128xi32, #tpu.memory_space<vmem>>) semaphore(%arg11 : memref<!tpu.dma_semaphore, #tpu.memory_space<semaphore_mem>>) {add = true}
    %dma_start3A_690 = arith.constant 31 : i32
    %dma_start3A_691 = arith.constant 0 : i32
    %dma_start3A_692 = tpu.memref_slice %arg7[%dma_start3A_690, %dma_start3A_691] : memref<32x128xi32, #tpu.memory_space<vmem>> -> memref<1x128xi32, #tpu.memory_space<vmem>>
    %dma_start3A_693 = tpu.memref_squeeze %dma_start3A_692 : memref<1x128xi32, #tpu.memory_space<vmem>> -> memref<128xi32, #tpu.memory_space<vmem>>
    %dma_start3A_694 = arith.constant 0 : i32
    %dma_start3A_695 = tpu.memref_slice %arg10[%dma_start3A_694] : memref<1050624xf32, #tpu.memory_space<vmem_shared>> -> memref<1050624xf32, #tpu.memory_space<vmem_shared>>
    tpu.enqueue_indirect_dma source(%arg8 : memref<128xf32, #tpu.memory_space<vmem>>) target(%dma_start3A_695 : memref<1050624xf32, #tpu.memory_space<vmem_shared>>) offsets(%dma_start3A_693 : memref<128xi32, #tpu.memory_space<vmem>>) semaphore(%arg11 : memref<!tpu.dma_semaphore, #tpu.memory_space<semaphore_mem>>) {add = true}
    %dma_wait3A_696 = arith.constant 0 : i32
    %dma_wait3A_697 = arith.constant 0 : i32
    %dma_wait3A_698 = tpu.memref_slice %arg7[%dma_wait3A_696, %dma_wait3A_697] : memref<32x128xi32, #tpu.memory_space<vmem>> -> memref<1x128xi32, #tpu.memory_space<vmem>>
    %dma_wait3A_699 = tpu.memref_squeeze %dma_wait3A_698 : memref<1x128xi32, #tpu.memory_space<vmem>> -> memref<128xi32, #tpu.memory_space<vmem>>
    %dma_wait3A_700 = arith.constant 0 : i32
    %dma_wait3A_701 = tpu.memref_slice %arg10[%dma_wait3A_700] : memref<1050624xf32, #tpu.memory_space<vmem_shared>> -> memref<1050624xf32, #tpu.memory_space<vmem_shared>>
    tpu.wait_indirect_dma semaphore(%arg11 : memref<!tpu.dma_semaphore, #tpu.memory_space<semaphore_mem>>) src(%arg8 : memref<128xf32, #tpu.memory_space<vmem>>) dst(%dma_wait3A_701 : memref<1050624xf32, #tpu.memory_space<vmem_shared>>)
    %dma_wait3A_702 = arith.constant 1 : i32
    %dma_wait3A_703 = arith.constant 0 : i32
    %dma_wait3A_704 = tpu.memref_slice %arg7[%dma_wait3A_702, %dma_wait3A_703] : memref<32x128xi32, #tpu.memory_space<vmem>> -> memref<1x128xi32, #tpu.memory_space<vmem>>
    %dma_wait3A_705 = tpu.memref_squeeze %dma_wait3A_704 : memref<1x128xi32, #tpu.memory_space<vmem>> -> memref<128xi32, #tpu.memory_space<vmem>>
    %dma_wait3A_706 = arith.constant 0 : i32
    %dma_wait3A_707 = tpu.memref_slice %arg10[%dma_wait3A_706] : memref<1050624xf32, #tpu.memory_space<vmem_shared>> -> memref<1050624xf32, #tpu.memory_space<vmem_shared>>
    tpu.wait_indirect_dma semaphore(%arg11 : memref<!tpu.dma_semaphore, #tpu.memory_space<semaphore_mem>>) src(%arg8 : memref<128xf32, #tpu.memory_space<vmem>>) dst(%dma_wait3A_707 : memref<1050624xf32, #tpu.memory_space<vmem_shared>>)
    %dma_wait3A_708 = arith.constant 2 : i32
    %dma_wait3A_709 = arith.constant 0 : i32
    %dma_wait3A_710 = tpu.memref_slice %arg7[%dma_wait3A_708, %dma_wait3A_709] : memref<32x128xi32, #tpu.memory_space<vmem>> -> memref<1x128xi32, #tpu.memory_space<vmem>>
    %dma_wait3A_711 = tpu.memref_squeeze %dma_wait3A_710 : memref<1x128xi32, #tpu.memory_space<vmem>> -> memref<128xi32, #tpu.memory_space<vmem>>
    %dma_wait3A_712 = arith.constant 0 : i32
    %dma_wait3A_713 = tpu.memref_slice %arg10[%dma_wait3A_712] : memref<1050624xf32, #tpu.memory_space<vmem_shared>> -> memref<1050624xf32, #tpu.memory_space<vmem_shared>>
    tpu.wait_indirect_dma semaphore(%arg11 : memref<!tpu.dma_semaphore, #tpu.memory_space<semaphore_mem>>) src(%arg8 : memref<128xf32, #tpu.memory_space<vmem>>) dst(%dma_wait3A_713 : memref<1050624xf32, #tpu.memory_space<vmem_shared>>)
    %dma_wait3A_714 = arith.constant 3 : i32
    %dma_wait3A_715 = arith.constant 0 : i32
    %dma_wait3A_716 = tpu.memref_slice %arg7[%dma_wait3A_714, %dma_wait3A_715] : memref<32x128xi32, #tpu.memory_space<vmem>> -> memref<1x128xi32, #tpu.memory_space<vmem>>
    %dma_wait3A_717 = tpu.memref_squeeze %dma_wait3A_716 : memref<1x128xi32, #tpu.memory_space<vmem>> -> memref<128xi32, #tpu.memory_space<vmem>>
    %dma_wait3A_718 = arith.constant 0 : i32
    %dma_wait3A_719 = tpu.memref_slice %arg10[%dma_wait3A_718] : memref<1050624xf32, #tpu.memory_space<vmem_shared>> -> memref<1050624xf32, #tpu.memory_space<vmem_shared>>
    tpu.wait_indirect_dma semaphore(%arg11 : memref<!tpu.dma_semaphore, #tpu.memory_space<semaphore_mem>>) src(%arg8 : memref<128xf32, #tpu.memory_space<vmem>>) dst(%dma_wait3A_719 : memref<1050624xf32, #tpu.memory_space<vmem_shared>>)
    %dma_wait3A_720 = arith.constant 4 : i32
    %dma_wait3A_721 = arith.constant 0 : i32
    %dma_wait3A_722 = tpu.memref_slice %arg7[%dma_wait3A_720, %dma_wait3A_721] : memref<32x128xi32, #tpu.memory_space<vmem>> -> memref<1x128xi32, #tpu.memory_space<vmem>>
    %dma_wait3A_723 = tpu.memref_squeeze %dma_wait3A_722 : memref<1x128xi32, #tpu.memory_space<vmem>> -> memref<128xi32, #tpu.memory_space<vmem>>
    %dma_wait3A_724 = arith.constant 0 : i32
    %dma_wait3A_725 = tpu.memref_slice %arg10[%dma_wait3A_724] : memref<1050624xf32, #tpu.memory_space<vmem_shared>> -> memref<1050624xf32, #tpu.memory_space<vmem_shared>>
    tpu.wait_indirect_dma semaphore(%arg11 : memref<!tpu.dma_semaphore, #tpu.memory_space<semaphore_mem>>) src(%arg8 : memref<128xf32, #tpu.memory_space<vmem>>) dst(%dma_wait3A_725 : memref<1050624xf32, #tpu.memory_space<vmem_shared>>)
    %dma_wait3A_726 = arith.constant 5 : i32
    %dma_wait3A_727 = arith.constant 0 : i32
    %dma_wait3A_728 = tpu.memref_slice %arg7[%dma_wait3A_726, %dma_wait3A_727] : memref<32x128xi32, #tpu.memory_space<vmem>> -> memref<1x128xi32, #tpu.memory_space<vmem>>
    %dma_wait3A_729 = tpu.memref_squeeze %dma_wait3A_728 : memref<1x128xi32, #tpu.memory_space<vmem>> -> memref<128xi32, #tpu.memory_space<vmem>>
    %dma_wait3A_730 = arith.constant 0 : i32
    %dma_wait3A_731 = tpu.memref_slice %arg10[%dma_wait3A_730] : memref<1050624xf32, #tpu.memory_space<vmem_shared>> -> memref<1050624xf32, #tpu.memory_space<vmem_shared>>
    tpu.wait_indirect_dma semaphore(%arg11 : memref<!tpu.dma_semaphore, #tpu.memory_space<semaphore_mem>>) src(%arg8 : memref<128xf32, #tpu.memory_space<vmem>>) dst(%dma_wait3A_731 : memref<1050624xf32, #tpu.memory_space<vmem_shared>>)
    %dma_wait3A_732 = arith.constant 6 : i32
    %dma_wait3A_733 = arith.constant 0 : i32
    %dma_wait3A_734 = tpu.memref_slice %arg7[%dma_wait3A_732, %dma_wait3A_733] : memref<32x128xi32, #tpu.memory_space<vmem>> -> memref<1x128xi32, #tpu.memory_space<vmem>>
    %dma_wait3A_735 = tpu.memref_squeeze %dma_wait3A_734 : memref<1x128xi32, #tpu.memory_space<vmem>> -> memref<128xi32, #tpu.memory_space<vmem>>
    %dma_wait3A_736 = arith.constant 0 : i32
    %dma_wait3A_737 = tpu.memref_slice %arg10[%dma_wait3A_736] : memref<1050624xf32, #tpu.memory_space<vmem_shared>> -> memref<1050624xf32, #tpu.memory_space<vmem_shared>>
    tpu.wait_indirect_dma semaphore(%arg11 : memref<!tpu.dma_semaphore, #tpu.memory_space<semaphore_mem>>) src(%arg8 : memref<128xf32, #tpu.memory_space<vmem>>) dst(%dma_wait3A_737 : memref<1050624xf32, #tpu.memory_space<vmem_shared>>)
    %dma_wait3A_738 = arith.constant 7 : i32
    %dma_wait3A_739 = arith.constant 0 : i32
    %dma_wait3A_740 = tpu.memref_slice %arg7[%dma_wait3A_738, %dma_wait3A_739] : memref<32x128xi32, #tpu.memory_space<vmem>> -> memref<1x128xi32, #tpu.memory_space<vmem>>
    %dma_wait3A_741 = tpu.memref_squeeze %dma_wait3A_740 : memref<1x128xi32, #tpu.memory_space<vmem>> -> memref<128xi32, #tpu.memory_space<vmem>>
    %dma_wait3A_742 = arith.constant 0 : i32
    %dma_wait3A_743 = tpu.memref_slice %arg10[%dma_wait3A_742] : memref<1050624xf32, #tpu.memory_space<vmem_shared>> -> memref<1050624xf32, #tpu.memory_space<vmem_shared>>
    tpu.wait_indirect_dma semaphore(%arg11 : memref<!tpu.dma_semaphore, #tpu.memory_space<semaphore_mem>>) src(%arg8 : memref<128xf32, #tpu.memory_space<vmem>>) dst(%dma_wait3A_743 : memref<1050624xf32, #tpu.memory_space<vmem_shared>>)
    %dma_wait3A_744 = arith.constant 8 : i32
    %dma_wait3A_745 = arith.constant 0 : i32
    %dma_wait3A_746 = tpu.memref_slice %arg7[%dma_wait3A_744, %dma_wait3A_745] : memref<32x128xi32, #tpu.memory_space<vmem>> -> memref<1x128xi32, #tpu.memory_space<vmem>>
    %dma_wait3A_747 = tpu.memref_squeeze %dma_wait3A_746 : memref<1x128xi32, #tpu.memory_space<vmem>> -> memref<128xi32, #tpu.memory_space<vmem>>
    %dma_wait3A_748 = arith.constant 0 : i32
    %dma_wait3A_749 = tpu.memref_slice %arg10[%dma_wait3A_748] : memref<1050624xf32, #tpu.memory_space<vmem_shared>> -> memref<1050624xf32, #tpu.memory_space<vmem_shared>>
    tpu.wait_indirect_dma semaphore(%arg11 : memref<!tpu.dma_semaphore, #tpu.memory_space<semaphore_mem>>) src(%arg8 : memref<128xf32, #tpu.memory_space<vmem>>) dst(%dma_wait3A_749 : memref<1050624xf32, #tpu.memory_space<vmem_shared>>)
    %dma_wait3A_750 = arith.constant 9 : i32
    %dma_wait3A_751 = arith.constant 0 : i32
    %dma_wait3A_752 = tpu.memref_slice %arg7[%dma_wait3A_750, %dma_wait3A_751] : memref<32x128xi32, #tpu.memory_space<vmem>> -> memref<1x128xi32, #tpu.memory_space<vmem>>
    %dma_wait3A_753 = tpu.memref_squeeze %dma_wait3A_752 : memref<1x128xi32, #tpu.memory_space<vmem>> -> memref<128xi32, #tpu.memory_space<vmem>>
    %dma_wait3A_754 = arith.constant 0 : i32
    %dma_wait3A_755 = tpu.memref_slice %arg10[%dma_wait3A_754] : memref<1050624xf32, #tpu.memory_space<vmem_shared>> -> memref<1050624xf32, #tpu.memory_space<vmem_shared>>
    tpu.wait_indirect_dma semaphore(%arg11 : memref<!tpu.dma_semaphore, #tpu.memory_space<semaphore_mem>>) src(%arg8 : memref<128xf32, #tpu.memory_space<vmem>>) dst(%dma_wait3A_755 : memref<1050624xf32, #tpu.memory_space<vmem_shared>>)
    %dma_wait3A_756 = arith.constant 10 : i32
    %dma_wait3A_757 = arith.constant 0 : i32
    %dma_wait3A_758 = tpu.memref_slice %arg7[%dma_wait3A_756, %dma_wait3A_757] : memref<32x128xi32, #tpu.memory_space<vmem>> -> memref<1x128xi32, #tpu.memory_space<vmem>>
    %dma_wait3A_759 = tpu.memref_squeeze %dma_wait3A_758 : memref<1x128xi32, #tpu.memory_space<vmem>> -> memref<128xi32, #tpu.memory_space<vmem>>
    %dma_wait3A_760 = arith.constant 0 : i32
    %dma_wait3A_761 = tpu.memref_slice %arg10[%dma_wait3A_760] : memref<1050624xf32, #tpu.memory_space<vmem_shared>> -> memref<1050624xf32, #tpu.memory_space<vmem_shared>>
    tpu.wait_indirect_dma semaphore(%arg11 : memref<!tpu.dma_semaphore, #tpu.memory_space<semaphore_mem>>) src(%arg8 : memref<128xf32, #tpu.memory_space<vmem>>) dst(%dma_wait3A_761 : memref<1050624xf32, #tpu.memory_space<vmem_shared>>)
    %dma_wait3A_762 = arith.constant 11 : i32
    %dma_wait3A_763 = arith.constant 0 : i32
    %dma_wait3A_764 = tpu.memref_slice %arg7[%dma_wait3A_762, %dma_wait3A_763] : memref<32x128xi32, #tpu.memory_space<vmem>> -> memref<1x128xi32, #tpu.memory_space<vmem>>
    %dma_wait3A_765 = tpu.memref_squeeze %dma_wait3A_764 : memref<1x128xi32, #tpu.memory_space<vmem>> -> memref<128xi32, #tpu.memory_space<vmem>>
    %dma_wait3A_766 = arith.constant 0 : i32
    %dma_wait3A_767 = tpu.memref_slice %arg10[%dma_wait3A_766] : memref<1050624xf32, #tpu.memory_space<vmem_shared>> -> memref<1050624xf32, #tpu.memory_space<vmem_shared>>
    tpu.wait_indirect_dma semaphore(%arg11 : memref<!tpu.dma_semaphore, #tpu.memory_space<semaphore_mem>>) src(%arg8 : memref<128xf32, #tpu.memory_space<vmem>>) dst(%dma_wait3A_767 : memref<1050624xf32, #tpu.memory_space<vmem_shared>>)
    %dma_wait3A_768 = arith.constant 12 : i32
    %dma_wait3A_769 = arith.constant 0 : i32
    %dma_wait3A_770 = tpu.memref_slice %arg7[%dma_wait3A_768, %dma_wait3A_769] : memref<32x128xi32, #tpu.memory_space<vmem>> -> memref<1x128xi32, #tpu.memory_space<vmem>>
    %dma_wait3A_771 = tpu.memref_squeeze %dma_wait3A_770 : memref<1x128xi32, #tpu.memory_space<vmem>> -> memref<128xi32, #tpu.memory_space<vmem>>
    %dma_wait3A_772 = arith.constant 0 : i32
    %dma_wait3A_773 = tpu.memref_slice %arg10[%dma_wait3A_772] : memref<1050624xf32, #tpu.memory_space<vmem_shared>> -> memref<1050624xf32, #tpu.memory_space<vmem_shared>>
    tpu.wait_indirect_dma semaphore(%arg11 : memref<!tpu.dma_semaphore, #tpu.memory_space<semaphore_mem>>) src(%arg8 : memref<128xf32, #tpu.memory_space<vmem>>) dst(%dma_wait3A_773 : memref<1050624xf32, #tpu.memory_space<vmem_shared>>)
    %dma_wait3A_774 = arith.constant 13 : i32
    %dma_wait3A_775 = arith.constant 0 : i32
    %dma_wait3A_776 = tpu.memref_slice %arg7[%dma_wait3A_774, %dma_wait3A_775] : memref<32x128xi32, #tpu.memory_space<vmem>> -> memref<1x128xi32, #tpu.memory_space<vmem>>
    %dma_wait3A_777 = tpu.memref_squeeze %dma_wait3A_776 : memref<1x128xi32, #tpu.memory_space<vmem>> -> memref<128xi32, #tpu.memory_space<vmem>>
    %dma_wait3A_778 = arith.constant 0 : i32
    %dma_wait3A_779 = tpu.memref_slice %arg10[%dma_wait3A_778] : memref<1050624xf32, #tpu.memory_space<vmem_shared>> -> memref<1050624xf32, #tpu.memory_space<vmem_shared>>
    tpu.wait_indirect_dma semaphore(%arg11 : memref<!tpu.dma_semaphore, #tpu.memory_space<semaphore_mem>>) src(%arg8 : memref<128xf32, #tpu.memory_space<vmem>>) dst(%dma_wait3A_779 : memref<1050624xf32, #tpu.memory_space<vmem_shared>>)
    %dma_wait3A_780 = arith.constant 14 : i32
    %dma_wait3A_781 = arith.constant 0 : i32
    %dma_wait3A_782 = tpu.memref_slice %arg7[%dma_wait3A_780, %dma_wait3A_781] : memref<32x128xi32, #tpu.memory_space<vmem>> -> memref<1x128xi32, #tpu.memory_space<vmem>>
    %dma_wait3A_783 = tpu.memref_squeeze %dma_wait3A_782 : memref<1x128xi32, #tpu.memory_space<vmem>> -> memref<128xi32, #tpu.memory_space<vmem>>
    %dma_wait3A_784 = arith.constant 0 : i32
    %dma_wait3A_785 = tpu.memref_slice %arg10[%dma_wait3A_784] : memref<1050624xf32, #tpu.memory_space<vmem_shared>> -> memref<1050624xf32, #tpu.memory_space<vmem_shared>>
    tpu.wait_indirect_dma semaphore(%arg11 : memref<!tpu.dma_semaphore, #tpu.memory_space<semaphore_mem>>) src(%arg8 : memref<128xf32, #tpu.memory_space<vmem>>) dst(%dma_wait3A_785 : memref<1050624xf32, #tpu.memory_space<vmem_shared>>)
    %dma_wait3A_786 = arith.constant 15 : i32
    %dma_wait3A_787 = arith.constant 0 : i32
    %dma_wait3A_788 = tpu.memref_slice %arg7[%dma_wait3A_786, %dma_wait3A_787] : memref<32x128xi32, #tpu.memory_space<vmem>> -> memref<1x128xi32, #tpu.memory_space<vmem>>
    %dma_wait3A_789 = tpu.memref_squeeze %dma_wait3A_788 : memref<1x128xi32, #tpu.memory_space<vmem>> -> memref<128xi32, #tpu.memory_space<vmem>>
    %dma_wait3A_790 = arith.constant 0 : i32
    %dma_wait3A_791 = tpu.memref_slice %arg10[%dma_wait3A_790] : memref<1050624xf32, #tpu.memory_space<vmem_shared>> -> memref<1050624xf32, #tpu.memory_space<vmem_shared>>
    tpu.wait_indirect_dma semaphore(%arg11 : memref<!tpu.dma_semaphore, #tpu.memory_space<semaphore_mem>>) src(%arg8 : memref<128xf32, #tpu.memory_space<vmem>>) dst(%dma_wait3A_791 : memref<1050624xf32, #tpu.memory_space<vmem_shared>>)
    %dma_wait3A_792 = arith.constant 16 : i32
    %dma_wait3A_793 = arith.constant 0 : i32
    %dma_wait3A_794 = tpu.memref_slice %arg7[%dma_wait3A_792, %dma_wait3A_793] : memref<32x128xi32, #tpu.memory_space<vmem>> -> memref<1x128xi32, #tpu.memory_space<vmem>>
    %dma_wait3A_795 = tpu.memref_squeeze %dma_wait3A_794 : memref<1x128xi32, #tpu.memory_space<vmem>> -> memref<128xi32, #tpu.memory_space<vmem>>
    %dma_wait3A_796 = arith.constant 0 : i32
    %dma_wait3A_797 = tpu.memref_slice %arg10[%dma_wait3A_796] : memref<1050624xf32, #tpu.memory_space<vmem_shared>> -> memref<1050624xf32, #tpu.memory_space<vmem_shared>>
    tpu.wait_indirect_dma semaphore(%arg11 : memref<!tpu.dma_semaphore, #tpu.memory_space<semaphore_mem>>) src(%arg8 : memref<128xf32, #tpu.memory_space<vmem>>) dst(%dma_wait3A_797 : memref<1050624xf32, #tpu.memory_space<vmem_shared>>)
    %dma_wait3A_798 = arith.constant 17 : i32
    %dma_wait3A_799 = arith.constant 0 : i32
    %dma_wait3A_800 = tpu.memref_slice %arg7[%dma_wait3A_798, %dma_wait3A_799] : memref<32x128xi32, #tpu.memory_space<vmem>> -> memref<1x128xi32, #tpu.memory_space<vmem>>
    %dma_wait3A_801 = tpu.memref_squeeze %dma_wait3A_800 : memref<1x128xi32, #tpu.memory_space<vmem>> -> memref<128xi32, #tpu.memory_space<vmem>>
    %dma_wait3A_802 = arith.constant 0 : i32
    %dma_wait3A_803 = tpu.memref_slice %arg10[%dma_wait3A_802] : memref<1050624xf32, #tpu.memory_space<vmem_shared>> -> memref<1050624xf32, #tpu.memory_space<vmem_shared>>
    tpu.wait_indirect_dma semaphore(%arg11 : memref<!tpu.dma_semaphore, #tpu.memory_space<semaphore_mem>>) src(%arg8 : memref<128xf32, #tpu.memory_space<vmem>>) dst(%dma_wait3A_803 : memref<1050624xf32, #tpu.memory_space<vmem_shared>>)
    %dma_wait3A_804 = arith.constant 18 : i32
    %dma_wait3A_805 = arith.constant 0 : i32
    %dma_wait3A_806 = tpu.memref_slice %arg7[%dma_wait3A_804, %dma_wait3A_805] : memref<32x128xi32, #tpu.memory_space<vmem>> -> memref<1x128xi32, #tpu.memory_space<vmem>>
    %dma_wait3A_807 = tpu.memref_squeeze %dma_wait3A_806 : memref<1x128xi32, #tpu.memory_space<vmem>> -> memref<128xi32, #tpu.memory_space<vmem>>
    %dma_wait3A_808 = arith.constant 0 : i32
    %dma_wait3A_809 = tpu.memref_slice %arg10[%dma_wait3A_808] : memref<1050624xf32, #tpu.memory_space<vmem_shared>> -> memref<1050624xf32, #tpu.memory_space<vmem_shared>>
    tpu.wait_indirect_dma semaphore(%arg11 : memref<!tpu.dma_semaphore, #tpu.memory_space<semaphore_mem>>) src(%arg8 : memref<128xf32, #tpu.memory_space<vmem>>) dst(%dma_wait3A_809 : memref<1050624xf32, #tpu.memory_space<vmem_shared>>)
    %dma_wait3A_810 = arith.constant 19 : i32
    %dma_wait3A_811 = arith.constant 0 : i32
    %dma_wait3A_812 = tpu.memref_slice %arg7[%dma_wait3A_810, %dma_wait3A_811] : memref<32x128xi32, #tpu.memory_space<vmem>> -> memref<1x128xi32, #tpu.memory_space<vmem>>
    %dma_wait3A_813 = tpu.memref_squeeze %dma_wait3A_812 : memref<1x128xi32, #tpu.memory_space<vmem>> -> memref<128xi32, #tpu.memory_space<vmem>>
    %dma_wait3A_814 = arith.constant 0 : i32
    %dma_wait3A_815 = tpu.memref_slice %arg10[%dma_wait3A_814] : memref<1050624xf32, #tpu.memory_space<vmem_shared>> -> memref<1050624xf32, #tpu.memory_space<vmem_shared>>
    tpu.wait_indirect_dma semaphore(%arg11 : memref<!tpu.dma_semaphore, #tpu.memory_space<semaphore_mem>>) src(%arg8 : memref<128xf32, #tpu.memory_space<vmem>>) dst(%dma_wait3A_815 : memref<1050624xf32, #tpu.memory_space<vmem_shared>>)
    %dma_wait3A_816 = arith.constant 20 : i32
    %dma_wait3A_817 = arith.constant 0 : i32
    %dma_wait3A_818 = tpu.memref_slice %arg7[%dma_wait3A_816, %dma_wait3A_817] : memref<32x128xi32, #tpu.memory_space<vmem>> -> memref<1x128xi32, #tpu.memory_space<vmem>>
    %dma_wait3A_819 = tpu.memref_squeeze %dma_wait3A_818 : memref<1x128xi32, #tpu.memory_space<vmem>> -> memref<128xi32, #tpu.memory_space<vmem>>
    %dma_wait3A_820 = arith.constant 0 : i32
    %dma_wait3A_821 = tpu.memref_slice %arg10[%dma_wait3A_820] : memref<1050624xf32, #tpu.memory_space<vmem_shared>> -> memref<1050624xf32, #tpu.memory_space<vmem_shared>>
    tpu.wait_indirect_dma semaphore(%arg11 : memref<!tpu.dma_semaphore, #tpu.memory_space<semaphore_mem>>) src(%arg8 : memref<128xf32, #tpu.memory_space<vmem>>) dst(%dma_wait3A_821 : memref<1050624xf32, #tpu.memory_space<vmem_shared>>)
    %dma_wait3A_822 = arith.constant 21 : i32
    %dma_wait3A_823 = arith.constant 0 : i32
    %dma_wait3A_824 = tpu.memref_slice %arg7[%dma_wait3A_822, %dma_wait3A_823] : memref<32x128xi32, #tpu.memory_space<vmem>> -> memref<1x128xi32, #tpu.memory_space<vmem>>
    %dma_wait3A_825 = tpu.memref_squeeze %dma_wait3A_824 : memref<1x128xi32, #tpu.memory_space<vmem>> -> memref<128xi32, #tpu.memory_space<vmem>>
    %dma_wait3A_826 = arith.constant 0 : i32
    %dma_wait3A_827 = tpu.memref_slice %arg10[%dma_wait3A_826] : memref<1050624xf32, #tpu.memory_space<vmem_shared>> -> memref<1050624xf32, #tpu.memory_space<vmem_shared>>
    tpu.wait_indirect_dma semaphore(%arg11 : memref<!tpu.dma_semaphore, #tpu.memory_space<semaphore_mem>>) src(%arg8 : memref<128xf32, #tpu.memory_space<vmem>>) dst(%dma_wait3A_827 : memref<1050624xf32, #tpu.memory_space<vmem_shared>>)
    %dma_wait3A_828 = arith.constant 22 : i32
    %dma_wait3A_829 = arith.constant 0 : i32
    %dma_wait3A_830 = tpu.memref_slice %arg7[%dma_wait3A_828, %dma_wait3A_829] : memref<32x128xi32, #tpu.memory_space<vmem>> -> memref<1x128xi32, #tpu.memory_space<vmem>>
    %dma_wait3A_831 = tpu.memref_squeeze %dma_wait3A_830 : memref<1x128xi32, #tpu.memory_space<vmem>> -> memref<128xi32, #tpu.memory_space<vmem>>
    %dma_wait3A_832 = arith.constant 0 : i32
    %dma_wait3A_833 = tpu.memref_slice %arg10[%dma_wait3A_832] : memref<1050624xf32, #tpu.memory_space<vmem_shared>> -> memref<1050624xf32, #tpu.memory_space<vmem_shared>>
    tpu.wait_indirect_dma semaphore(%arg11 : memref<!tpu.dma_semaphore, #tpu.memory_space<semaphore_mem>>) src(%arg8 : memref<128xf32, #tpu.memory_space<vmem>>) dst(%dma_wait3A_833 : memref<1050624xf32, #tpu.memory_space<vmem_shared>>)
    %dma_wait3A_834 = arith.constant 23 : i32
    %dma_wait3A_835 = arith.constant 0 : i32
    %dma_wait3A_836 = tpu.memref_slice %arg7[%dma_wait3A_834, %dma_wait3A_835] : memref<32x128xi32, #tpu.memory_space<vmem>> -> memref<1x128xi32, #tpu.memory_space<vmem>>
    %dma_wait3A_837 = tpu.memref_squeeze %dma_wait3A_836 : memref<1x128xi32, #tpu.memory_space<vmem>> -> memref<128xi32, #tpu.memory_space<vmem>>
    %dma_wait3A_838 = arith.constant 0 : i32
    %dma_wait3A_839 = tpu.memref_slice %arg10[%dma_wait3A_838] : memref<1050624xf32, #tpu.memory_space<vmem_shared>> -> memref<1050624xf32, #tpu.memory_space<vmem_shared>>
    tpu.wait_indirect_dma semaphore(%arg11 : memref<!tpu.dma_semaphore, #tpu.memory_space<semaphore_mem>>) src(%arg8 : memref<128xf32, #tpu.memory_space<vmem>>) dst(%dma_wait3A_839 : memref<1050624xf32, #tpu.memory_space<vmem_shared>>)
    %dma_wait3A_840 = arith.constant 24 : i32
    %dma_wait3A_841 = arith.constant 0 : i32
    %dma_wait3A_842 = tpu.memref_slice %arg7[%dma_wait3A_840, %dma_wait3A_841] : memref<32x128xi32, #tpu.memory_space<vmem>> -> memref<1x128xi32, #tpu.memory_space<vmem>>
    %dma_wait3A_843 = tpu.memref_squeeze %dma_wait3A_842 : memref<1x128xi32, #tpu.memory_space<vmem>> -> memref<128xi32, #tpu.memory_space<vmem>>
    %dma_wait3A_844 = arith.constant 0 : i32
    %dma_wait3A_845 = tpu.memref_slice %arg10[%dma_wait3A_844] : memref<1050624xf32, #tpu.memory_space<vmem_shared>> -> memref<1050624xf32, #tpu.memory_space<vmem_shared>>
    tpu.wait_indirect_dma semaphore(%arg11 : memref<!tpu.dma_semaphore, #tpu.memory_space<semaphore_mem>>) src(%arg8 : memref<128xf32, #tpu.memory_space<vmem>>) dst(%dma_wait3A_845 : memref<1050624xf32, #tpu.memory_space<vmem_shared>>)
    %dma_wait3A_846 = arith.constant 25 : i32
    %dma_wait3A_847 = arith.constant 0 : i32
    %dma_wait3A_848 = tpu.memref_slice %arg7[%dma_wait3A_846, %dma_wait3A_847] : memref<32x128xi32, #tpu.memory_space<vmem>> -> memref<1x128xi32, #tpu.memory_space<vmem>>
    %dma_wait3A_849 = tpu.memref_squeeze %dma_wait3A_848 : memref<1x128xi32, #tpu.memory_space<vmem>> -> memref<128xi32, #tpu.memory_space<vmem>>
    %dma_wait3A_850 = arith.constant 0 : i32
    %dma_wait3A_851 = tpu.memref_slice %arg10[%dma_wait3A_850] : memref<1050624xf32, #tpu.memory_space<vmem_shared>> -> memref<1050624xf32, #tpu.memory_space<vmem_shared>>
    tpu.wait_indirect_dma semaphore(%arg11 : memref<!tpu.dma_semaphore, #tpu.memory_space<semaphore_mem>>) src(%arg8 : memref<128xf32, #tpu.memory_space<vmem>>) dst(%dma_wait3A_851 : memref<1050624xf32, #tpu.memory_space<vmem_shared>>)
    %dma_wait3A_852 = arith.constant 26 : i32
    %dma_wait3A_853 = arith.constant 0 : i32
    %dma_wait3A_854 = tpu.memref_slice %arg7[%dma_wait3A_852, %dma_wait3A_853] : memref<32x128xi32, #tpu.memory_space<vmem>> -> memref<1x128xi32, #tpu.memory_space<vmem>>
    %dma_wait3A_855 = tpu.memref_squeeze %dma_wait3A_854 : memref<1x128xi32, #tpu.memory_space<vmem>> -> memref<128xi32, #tpu.memory_space<vmem>>
    %dma_wait3A_856 = arith.constant 0 : i32
    %dma_wait3A_857 = tpu.memref_slice %arg10[%dma_wait3A_856] : memref<1050624xf32, #tpu.memory_space<vmem_shared>> -> memref<1050624xf32, #tpu.memory_space<vmem_shared>>
    tpu.wait_indirect_dma semaphore(%arg11 : memref<!tpu.dma_semaphore, #tpu.memory_space<semaphore_mem>>) src(%arg8 : memref<128xf32, #tpu.memory_space<vmem>>) dst(%dma_wait3A_857 : memref<1050624xf32, #tpu.memory_space<vmem_shared>>)
    %dma_wait3A_858 = arith.constant 27 : i32
    %dma_wait3A_859 = arith.constant 0 : i32
    %dma_wait3A_860 = tpu.memref_slice %arg7[%dma_wait3A_858, %dma_wait3A_859] : memref<32x128xi32, #tpu.memory_space<vmem>> -> memref<1x128xi32, #tpu.memory_space<vmem>>
    %dma_wait3A_861 = tpu.memref_squeeze %dma_wait3A_860 : memref<1x128xi32, #tpu.memory_space<vmem>> -> memref<128xi32, #tpu.memory_space<vmem>>
    %dma_wait3A_862 = arith.constant 0 : i32
    %dma_wait3A_863 = tpu.memref_slice %arg10[%dma_wait3A_862] : memref<1050624xf32, #tpu.memory_space<vmem_shared>> -> memref<1050624xf32, #tpu.memory_space<vmem_shared>>
    tpu.wait_indirect_dma semaphore(%arg11 : memref<!tpu.dma_semaphore, #tpu.memory_space<semaphore_mem>>) src(%arg8 : memref<128xf32, #tpu.memory_space<vmem>>) dst(%dma_wait3A_863 : memref<1050624xf32, #tpu.memory_space<vmem_shared>>)
    %dma_wait3A_864 = arith.constant 28 : i32
    %dma_wait3A_865 = arith.constant 0 : i32
    %dma_wait3A_866 = tpu.memref_slice %arg7[%dma_wait3A_864, %dma_wait3A_865] : memref<32x128xi32, #tpu.memory_space<vmem>> -> memref<1x128xi32, #tpu.memory_space<vmem>>
    %dma_wait3A_867 = tpu.memref_squeeze %dma_wait3A_866 : memref<1x128xi32, #tpu.memory_space<vmem>> -> memref<128xi32, #tpu.memory_space<vmem>>
    %dma_wait3A_868 = arith.constant 0 : i32
    %dma_wait3A_869 = tpu.memref_slice %arg10[%dma_wait3A_868] : memref<1050624xf32, #tpu.memory_space<vmem_shared>> -> memref<1050624xf32, #tpu.memory_space<vmem_shared>>
    tpu.wait_indirect_dma semaphore(%arg11 : memref<!tpu.dma_semaphore, #tpu.memory_space<semaphore_mem>>) src(%arg8 : memref<128xf32, #tpu.memory_space<vmem>>) dst(%dma_wait3A_869 : memref<1050624xf32, #tpu.memory_space<vmem_shared>>)
    %dma_wait3A_870 = arith.constant 29 : i32
    %dma_wait3A_871 = arith.constant 0 : i32
    %dma_wait3A_872 = tpu.memref_slice %arg7[%dma_wait3A_870, %dma_wait3A_871] : memref<32x128xi32, #tpu.memory_space<vmem>> -> memref<1x128xi32, #tpu.memory_space<vmem>>
    %dma_wait3A_873 = tpu.memref_squeeze %dma_wait3A_872 : memref<1x128xi32, #tpu.memory_space<vmem>> -> memref<128xi32, #tpu.memory_space<vmem>>
    %dma_wait3A_874 = arith.constant 0 : i32
    %dma_wait3A_875 = tpu.memref_slice %arg10[%dma_wait3A_874] : memref<1050624xf32, #tpu.memory_space<vmem_shared>> -> memref<1050624xf32, #tpu.memory_space<vmem_shared>>
    tpu.wait_indirect_dma semaphore(%arg11 : memref<!tpu.dma_semaphore, #tpu.memory_space<semaphore_mem>>) src(%arg8 : memref<128xf32, #tpu.memory_space<vmem>>) dst(%dma_wait3A_875 : memref<1050624xf32, #tpu.memory_space<vmem_shared>>)
    %dma_wait3A_876 = arith.constant 30 : i32
    %dma_wait3A_877 = arith.constant 0 : i32
    %dma_wait3A_878 = tpu.memref_slice %arg7[%dma_wait3A_876, %dma_wait3A_877] : memref<32x128xi32, #tpu.memory_space<vmem>> -> memref<1x128xi32, #tpu.memory_space<vmem>>
    %dma_wait3A_879 = tpu.memref_squeeze %dma_wait3A_878 : memref<1x128xi32, #tpu.memory_space<vmem>> -> memref<128xi32, #tpu.memory_space<vmem>>
    %dma_wait3A_880 = arith.constant 0 : i32
    %dma_wait3A_881 = tpu.memref_slice %arg10[%dma_wait3A_880] : memref<1050624xf32, #tpu.memory_space<vmem_shared>> -> memref<1050624xf32, #tpu.memory_space<vmem_shared>>
    tpu.wait_indirect_dma semaphore(%arg11 : memref<!tpu.dma_semaphore, #tpu.memory_space<semaphore_mem>>) src(%arg8 : memref<128xf32, #tpu.memory_space<vmem>>) dst(%dma_wait3A_881 : memref<1050624xf32, #tpu.memory_space<vmem_shared>>)
    %dma_wait3A_882 = arith.constant 31 : i32
    %dma_wait3A_883 = arith.constant 0 : i32
    %dma_wait3A_884 = tpu.memref_slice %arg7[%dma_wait3A_882, %dma_wait3A_883] : memref<32x128xi32, #tpu.memory_space<vmem>> -> memref<1x128xi32, #tpu.memory_space<vmem>>
    %dma_wait3A_885 = tpu.memref_squeeze %dma_wait3A_884 : memref<1x128xi32, #tpu.memory_space<vmem>> -> memref<128xi32, #tpu.memory_space<vmem>>
    %dma_wait3A_886 = arith.constant 0 : i32
    %dma_wait3A_887 = tpu.memref_slice %arg10[%dma_wait3A_886] : memref<1050624xf32, #tpu.memory_space<vmem_shared>> -> memref<1050624xf32, #tpu.memory_space<vmem_shared>>
    tpu.wait_indirect_dma semaphore(%arg11 : memref<!tpu.dma_semaphore, #tpu.memory_space<semaphore_mem>>) src(%arg8 : memref<128xf32, #tpu.memory_space<vmem>>) dst(%dma_wait3A_887 : memref<1050624xf32, #tpu.memory_space<vmem_shared>>)
    %barrier3A_888 = arith.constant 0 : index
    tpu.barrier barrier_id(%barrier3A_888)
    %mul3A_889 = arith.constant 65536 : i32
    %mul3A_890 = arith.muli %arg1, %mul3A_889 : i32
    %mul3A_891 = arith.constant 2048 : i32
    %mul3A_892 = arith.muli %add3A_463, %mul3A_891 : i32
    %mul3A_893 = arith.constant 65536 : i32
    %mul3A_894 = arith.muli %arg1, %mul3A_893 : i32
    %add3A_895 = arith.addi %mul3A_892, %mul3A_894 : i32
    "tpu.region"() ({
      %run_scoped3A = tpu.sem_alloc : memref<!tpu.dma_semaphore, #tpu.memory_space<semaphore_mem>>
      %dma_start3A_897 = tpu.memref_slice %arg4[%add3A_895] : memref<4194304xf32, #tpu.memory_space<hbm>> -> memref<65536xf32, #tpu.memory_space<hbm>>
      %dma_start3A_898 = tpu.memref_slice %arg10[%mul3A_890] : memref<1050624xf32, #tpu.memory_space<vmem_shared>> -> memref<65536xf32, #tpu.memory_space<vmem_shared>>
      tpu.enqueue_dma source(%dma_start3A_898 : memref<65536xf32, #tpu.memory_space<vmem_shared>>) target(%dma_start3A_897 : memref<65536xf32, #tpu.memory_space<hbm>>) target_semaphore(%run_scoped3A : memref<!tpu.dma_semaphore, #tpu.memory_space<semaphore_mem>>)
      %dma_wait3A_899 = tpu.memref_slice %arg4[%add3A_895] : memref<4194304xf32, #tpu.memory_space<hbm>> -> memref<65536xf32, #tpu.memory_space<hbm>>
      %dma_wait3A_900 = tpu.memref_slice %arg10[%mul3A_890] : memref<1050624xf32, #tpu.memory_space<vmem_shared>> -> memref<65536xf32, #tpu.memory_space<vmem_shared>>
      tpu.wait_dma2 semaphore(%run_scoped3A : memref<!tpu.dma_semaphore, #tpu.memory_space<semaphore_mem>>) src(%dma_wait3A_900 : memref<65536xf32, #tpu.memory_space<vmem_shared>>) dst(%dma_wait3A_899 : memref<65536xf32, #tpu.memory_space<hbm>>)
      tpu.yield
    }) : () -> ()
    %barrier3A_896 = arith.constant 0 : index
    tpu.barrier barrier_id(%barrier3A_896)
    return
  }
}

module attributes {stable_mosaic.version = 14 : i64} {
  func.func @_qkv_body(%arg0: i32, %arg1: memref<512x512xf32, #tpu.memory_space<vmem>>, %arg2: memref<512x512xf32, #tpu.memory_space<vmem>>, %arg3: memref<512x512xf32, #tpu.memory_space<vmem>>, %arg4: memref<512x512xf32, #tpu.memory_space<vmem>>, %arg5: memref<1x1536xf32, #tpu.memory_space<vmem>>, %arg6: memref<512x1536xf32, #tpu.memory_space<vmem>>) attributes {dimension_semantics = [#tpu.dimension_semantics<arbitrary>], iteration_bounds = array<i64: 4>, scalar_prefetch = 0 : i64, scratch_operands = 0 : i64, tpu.core_type = #tpu.core_type<tc>, window_params = [{transform_indices = @transform_0, window_bounds = array<i64: 512, 512>}, {pipeline_mode = #tpu.pipeline_mode<synchronous>, transform_indices = @transform_1, window_bounds = array<i64: 512, 512>}, {pipeline_mode = #tpu.pipeline_mode<synchronous>, transform_indices = @transform_2, window_bounds = array<i64: 512, 512>}, {pipeline_mode = #tpu.pipeline_mode<synchronous>, transform_indices = @transform_3, window_bounds = array<i64: 512, 512>}, {pipeline_mode = #tpu.pipeline_mode<synchronous>, transform_indices = @transform_4, window_bounds = array<i64: 1, 1536>}, {transform_indices = @transform_5, window_bounds = array<i64: 512, 1536>}]} {
    %get3A = arith.constant 0 : index
    %get3A_0 = arith.constant 0 : index
    %get3A_1 = vector.load %arg1[%get3A, %get3A_0] : memref<512x512xf32, #tpu.memory_space<vmem>>, vector<512x512xf32>
    %get3A_2 = arith.constant 0 : index
    %get3A_3 = arith.constant 0 : index
    %get3A_4 = vector.load %arg5[%get3A_2, %get3A_3] : memref<1x1536xf32, #tpu.memory_space<vmem>>, vector<1x1536xf32>
    %get3A_5 = arith.constant 0 : index
    %get3A_6 = arith.constant 0 : index
    %get3A_7 = vector.load %arg2[%get3A_5, %get3A_6] : memref<512x512xf32, #tpu.memory_space<vmem>>, vector<512x512xf32>
    %dot_general3A = arith.constant dense<0.000000e+00> : vector<512x512xf32>
    %dot_general3A_8 = tpu.matmul %get3A_1, %get3A_7, %dot_general3A {dimension_numbers = #tpu.dot_dimension_numbers<[1], [1], [0], [0], [0, 0, 1, 0], [], []>, transpose_lhs_hint = false} : vector<512x512xf32>, vector<512x512xf32>, vector<512x512xf32> -> vector<512x512xf32>
    %slice3A = vector.extract_strided_slice %get3A_4 {offsets = [0, 0], sizes = [1, 512], strides = [1, 1]} : vector<1x1536xf32> to vector<1x512xf32>
    %add3A = vector.broadcast %slice3A : vector<1x512xf32> to vector<512x512xf32>
    %add3A_9 = arith.addf %dot_general3A_8, %add3A : vector<512x512xf32>
    %swap3A = arith.constant 0 : index
    %swap3A_10 = arith.constant 0 : index
    %swap3A_11 = vector.load %arg6[%swap3A, %swap3A_10] : memref<512x1536xf32, #tpu.memory_space<vmem>>, vector<512x512xf32>
    tpu.vector_store %arg6[%swap3A, %swap3A_10], %add3A_9 {strides = array<i32>} : memref<512x1536xf32, #tpu.memory_space<vmem>>, vector<512x512xf32>,
    %get3A_12 = arith.constant 0 : index
    %get3A_13 = arith.constant 0 : index
    %get3A_14 = vector.load %arg3[%get3A_12, %get3A_13] : memref<512x512xf32, #tpu.memory_space<vmem>>, vector<512x512xf32>
    %dot_general3A_15 = arith.constant dense<0.000000e+00> : vector<512x512xf32>
    %dot_general3A_16 = tpu.matmul %get3A_1, %get3A_14, %dot_general3A_15 {dimension_numbers = #tpu.dot_dimension_numbers<[1], [1], [0], [0], [0, 0, 1, 0], [], []>, transpose_lhs_hint = false} : vector<512x512xf32>, vector<512x512xf32>, vector<512x512xf32> -> vector<512x512xf32>
    %slice3A_17 = vector.extract_strided_slice %get3A_4 {offsets = [0, 512], sizes = [1, 512], strides = [1, 1]} : vector<1x1536xf32> to vector<1x512xf32>
    %add3A_18 = vector.broadcast %slice3A_17 : vector<1x512xf32> to vector<512x512xf32>
    %add3A_19 = arith.addf %dot_general3A_16, %add3A_18 : vector<512x512xf32>
    %swap3A_20 = arith.constant 0 : index
    %swap3A_21 = arith.constant 512 : index
    %swap3A_22 = vector.load %arg6[%swap3A_20, %swap3A_21] : memref<512x1536xf32, #tpu.memory_space<vmem>>, vector<512x512xf32>
    tpu.vector_store %arg6[%swap3A_20, %swap3A_21], %add3A_19 {strides = array<i32>} : memref<512x1536xf32, #tpu.memory_space<vmem>>, vector<512x512xf32>,
    %get3A_23 = arith.constant 0 : index
    %get3A_24 = arith.constant 0 : index
    %get3A_25 = vector.load %arg4[%get3A_23, %get3A_24] : memref<512x512xf32, #tpu.memory_space<vmem>>, vector<512x512xf32>
    %dot_general3A_26 = arith.constant dense<0.000000e+00> : vector<512x512xf32>
    %dot_general3A_27 = tpu.matmul %get3A_1, %get3A_25, %dot_general3A_26 {dimension_numbers = #tpu.dot_dimension_numbers<[1], [1], [0], [0], [0, 0, 1, 0], [], []>, transpose_lhs_hint = false} : vector<512x512xf32>, vector<512x512xf32>, vector<512x512xf32> -> vector<512x512xf32>
    %slice3A_28 = vector.extract_strided_slice %get3A_4 {offsets = [0, 1024], sizes = [1, 512], strides = [1, 1]} : vector<1x1536xf32> to vector<1x512xf32>
    %add3A_29 = vector.broadcast %slice3A_28 : vector<1x512xf32> to vector<512x512xf32>
    %add3A_30 = arith.addf %dot_general3A_27, %add3A_29 : vector<512x512xf32>
    %swap3A_31 = arith.constant 0 : index
    %swap3A_32 = arith.constant 1024 : index
    %swap3A_33 = vector.load %arg6[%swap3A_31, %swap3A_32] : memref<512x1536xf32, #tpu.memory_space<vmem>>, vector<512x512xf32>
    tpu.vector_store %arg6[%swap3A_31, %swap3A_32], %add3A_30 {strides = array<i32>} : memref<512x1536xf32, #tpu.memory_space<vmem>>, vector<512x512xf32>,
    return
  }
  func.func @transform_0(%arg0: i32) -> (i32, i32) {
    %c0_i32 = arith.constant 0 : i32
    %c0_i32_0 = arith.constant 0 : i32
    return %arg0, %c0_i32 : i32, i32
  }
  func.func @transform_1(%arg0: i32) -> (i32, i32) {
    %c0_i32 = arith.constant 0 : i32
    %c0_i32_0 = arith.constant 0 : i32
    %c0_i32_1 = arith.constant 0 : i32
    return %c0_i32, %c0_i32_0 : i32, i32
  }
  func.func @transform_2(%arg0: i32) -> (i32, i32) {
    %c0_i32 = arith.constant 0 : i32
    %c0_i32_0 = arith.constant 0 : i32
    %c0_i32_1 = arith.constant 0 : i32
    return %c0_i32, %c0_i32_0 : i32, i32
  }
  func.func @transform_3(%arg0: i32) -> (i32, i32) {
    %c0_i32 = arith.constant 0 : i32
    %c0_i32_0 = arith.constant 0 : i32
    %c0_i32_1 = arith.constant 0 : i32
    return %c0_i32, %c0_i32_0 : i32, i32
  }
  func.func @transform_4(%arg0: i32) -> (i32, i32) {
    %c0_i32 = arith.constant 0 : i32
    %c0_i32_0 = arith.constant 0 : i32
    %c0_i32_1 = arith.constant 0 : i32
    return %c0_i32, %c0_i32_0 : i32, i32
  }
  func.func @transform_5(%arg0: i32) -> (i32, i32) {
    %c0_i32 = arith.constant 0 : i32
    %c0_i32_0 = arith.constant 0 : i32
    return %arg0, %c0_i32 : i32, i32
  }
}

</mosaic_0001>

<sc_bundles>
// kernel: kernel.4.cloned.1.call-start
scs
__scs_entry_jumppad:
0x0: {  	(pc) =	sbr.rel $0x88, $3  }
0x1: {  	(tag) =	ssettag $0x0;
	lr =	simm.s32 $0x1  }
0x2: {  	[smem:$0x3F99] =	sst lr;
	_ =	strace $0xD0000000  }
0x3: {  	_ = 	snop  }
0x4: {  	_ = 	snop  }
0x5: {  	_ = 	snop  }
0x6: {  	_ = 	snop  }
0x7: {  	_ = 	snop  }
__scs_overlays_trampoline_lowered:
0x8: {  	[smem:$0x3FA8] =	sst s0  }
0x9: {  	[smem:$0x3FA9] =	sst s1  }
0xa: {  	[smem:$0x3FAA] =	sst s2  }
0xb: {  	[smem:$0x3FAB] =	sst s3  }
0xc: {  	[smem:$0x3FAC] =	sst s4  }
0xd: {  	[smem:$0x3FAD] =	sst s5  }
0xe: {  	[smem:$0x3FAE] =	sst s6  }
0xf: {  	[smem:$0x3FAF] =	sst s7  }
0x10: {  	[smem:$0x3FB0] =	sst s8  }
0x11: {  	[smem:$0x3FB1] =	sst s9;
	s0 =	simm.s32 @!p0 $0x0  }
0x12: {  	s1 =	sld [smem:$0x3F97];
	s0 =	simm.s32 @p0 $0x1  }
0x13: {  	[smem:$0x3FB2] =	sst s0;
	s0 =	simm.s32 @!p1 $0x0  }
0x14: {  	s2 =	sld [smem:$0x3F96];
	s0 =	simm.s32 @p1 $0x1  }
0x15: {  	[smem:$0x3FB3] =	sst s0;
	s0 =	simm.s32 @!p2 $0x0  }
0x16: {  	s3 =	sld [smem:$0x3FDB];
	s0 =	simm.s32 @p2 $0x1  }
0x17: {  	s4 =	simm.s32 $0x1BF5;
	[smem:$0x3FB5] =	sst s0  }
0x18: {  	s0 =	sld [smem:$0x3F98];
	_ =	swait.ge [sflag:s4], $0x0  }
0x19: {  	s7 =	sld [smem:$0x3F99]  }
0x1a: {  	s8 =	sadd.s32 $0xFFFFE003, lr  }
0x1b: {  	s9 =	sadd.s32 $0xFFFFFEF7, lr;
	s5 =	simm.s32 $0xFFFFFFFF;
	p2 =	slt.u32 s8, $0xFFFFF086  }
0x1c: {  	p1 =	slt.u32 s9, $0xF7A;
	s5 =	simm.s32 @!p2 $0x0  }
0x1d: {  	s5 =	simm.s32 @p1 $0x1;
	p0 =	seq.s32 s7, s2  }
0x1e: {  	s7 =	smul.u32 @!p0 $0xF7A, s2;
	p2 =	seq.s32 @!p0 s5, $0x0  }
0x1f: {  	s9 =	smul.u32 $0xF7A, s1;
	s8 =	simm.s32 @!p0 $0x1BF5;
	p2 =	por !p2, p0  }
0x20: {  	[sflag:s8] =	ssyncset.s32 @!p0 $0xFFFFF086;
	s6 =	sadd.s32 @!p0 s3, s7;
	s7 =	simm.s32 @!p0 $0x108  }
0x21: {  	s3 =	sadd.s32 s3, s9;
	s6 =	sadd.s32 @!p0 $0x88, s6;
	s7 =	simm.s32 @p2 $0x1082  }
0x22: {  	[simem:s7], [sflag:s8] =	dma.local @!p0 [hbm:s6], $0xF7A  }
0x23: {  	s9 =	sor.u32 $0xD0000000, s2;
	s6 =	simm.s32 $0x108;
	_ =	swait.ge @!p0 [sflag:s8], $0x0  }
0x24: {  	s3 =	sadd.s32 $0x88, s3;
	s6 =	simm.s32 @!p1 $0x1082;
	[sflag:s4] =	ssyncset.s32 $0xFFFFF086  }
0x25: {  	[simem:s6], [sflag:s4] =	dma.local [hbm:s3], $0xF7A  }
0x26: {  	[smem:$0x3F99] =	sst s1;
	(tag) =	ssettag s2;
	_ =	strace s9  }
0x27: {  	s1 =	sld [smem:$0x3FA9]  }
0x28: {  	s2 =	sld [smem:$0x3FAA]  }
0x29: {  	s4 =	sld [smem:$0x3FAC]  }
0x2a: {  	p0 =	seq.s32 s5, $0x0;
	s5 =	sld [smem:$0x3FAD]  }
0x2b: {  	s6 =	sld [smem:$0x3FAE]  }
0x2c: {  	s7 =	sld [smem:$0x3FAF]  }
0x2d: {  	s3 =	simm.s32 $0x108;
	s8 =	sld [smem:$0x3FB0]  }
0x2e: {  	s3 =	simm.s32 @!p0 $0x1082;
	s9 =	sld [smem:$0x3FB1]  }
0x2f: {  	lr =	sadd.s32 s0, s3;
	s0 =	sld [smem:$0x3FA8]  }
0x30: {  	s3 =	sld [smem:$0x3FAB]  }
0x31: {  	[smem:$0x3FB4] =	sst s10  }
0x32: {  	s10 =	sld [smem:$0x3FB2];
	_ =	sdelay $0x3  }
0x33: {  	p0 =	seq.s32 s10, $0x1;
	s10 =	sld [smem:$0x3FB4];
	_ =	sdelay $0x3  }
0x34: {  	[smem:$0x3FB4] =	sst s10  }
0x35: {  	s10 =	sld [smem:$0x3FB3];
	_ =	sdelay $0x3  }
0x36: {  	p1 =	seq.s32 s10, $0x1;
	s10 =	sld [smem:$0x3FB4];
	_ =	sdelay $0x3  }
0x37: {  	[smem:$0x3FB4] =	sst s10  }
0x38: {  	s10 =	sld [smem:$0x3FB5]  }
0x39: {  	_ = 	snop;
	(pc) =	sbr.ind lr, $3  }
0x3a: {  	_ = 	snop  }
0x3b: {  	_ = 	snop  }
0x3c: {  	p2 =	seq.s32 s10, $0x1;
	s10 =	sld [smem:$0x3FB4]  }
0x3d: {  	_ =	shalt  }
0x3e: {  	_ =	shalt  }
0x3f: {  	_ =	shalt  }
0x40: {  	_ =	shalt  }
0x41: {  	_ =	shalt  }
0x42: {  	_ =	shalt  }
0x43: {  	_ =	shalt  }
0x44: {  	_ =	shalt  }
0x45: {  	_ =	shalt  }
0x46: {  	_ =	shalt  }
0x47: {  	_ =	shalt  }
0x48: {  	_ =	shalt  }
0x49: {  	_ =	shalt  }
0x4a: {  	_ =	shalt  }
0x4b: {  	_ =	shalt  }
0x4c: {  	_ =	shalt  }
0x4d: {  	_ =	shalt  }
0x4e: {  	_ =	shalt  }
0x4f: {  	_ =	shalt  }
0x50: {  	_ =	shalt  }
0x51: {  	_ =	shalt  }
0x52: {  	_ =	shalt  }
0x53: {  	_ =	shalt  }
0x54: {  	_ =	shalt  }
0x55: {  	_ =	shalt  }
0x56: {  	_ =	shalt  }
0x57: {  	_ =	shalt  }
0x58: {  	_ =	shalt  }
0x59: {  	_ =	shalt  }
0x5a: {  	_ =	shalt  }
0x5b: {  	_ =	shalt  }
0x5c: {  	_ =	shalt  }
0x5d: {  	_ =	shalt  }
0x5e: {  	_ =	shalt  }
0x5f: {  	_ =	shalt  }
0x60: {  	_ =	shalt  }
0x61: {  	_ =	shalt  }
0x62: {  	_ =	shalt  }
0x63: {  	_ =	shalt  }
0x64: {  	_ =	shalt  }
0x65: {  	_ =	shalt  }
0x66: {  	_ =	shalt  }
0x67: {  	_ =	shalt  }
0x68: {  	_ =	shalt  }
0x69: {  	_ =	shalt  }
0x6a: {  	_ =	shalt  }
0x6b: {  	_ =	shalt  }
0x6c: {  	_ =	shalt  }
0x6d: {  	_ =	shalt  }
0x6e: {  	_ =	shalt  }
0x6f: {  	_ =	shalt  }
0x70: {  	_ =	shalt  }
0x71: {  	_ =	shalt  }
0x72: {  	_ =	shalt  }
0x73: {  	_ =	shalt  }
0x74: {  	_ =	shalt  }
0x75: {  	_ =	shalt  }
0x76: {  	_ =	shalt  }
0x77: {  	_ =	shalt  }
0x78: {  	_ =	shalt  }
0x79: {  	_ =	shalt  }
0x7a: {  	_ =	shalt  }
0x7b: {  	_ =	shalt  }
0x7c: {  	_ =	shalt  }
0x7d: {  	_ =	shalt  }
0x7e: {  	_ =	shalt  }
0x7f: {  	_ =	shalt  }
0x80: {  	_ =	shalt  }
0x81: {  	_ =	shalt  }
0x82: {  	_ =	shalt  }
0x83: {  	_ =	shalt  }
0x84: {  	_ =	shalt  }
0x85: {  	_ =	shalt  }
0x86: {  	_ =	shalt  }
0x87: {  	_ =	shalt  }
.Lfunc_end0:
.L_simem_size_0:
called_computation_lowered:
.L_overlay_start_0:
0x88: {  	s2 =	sld [smem:$0x3FD9]  }
0x89: {  	s3 =	sld [smem:$0x3FFE];
	_ =	sdelay $0x1  }
0x8a: {  	s1 =	srdreg.scid  }
0x8b: {  	s0 =	sand.u32 $0x1, s1  }
0x8c: {  	s17 =	sshll.u32 s0, $0xA;
	s2 =	sadd.s32 s3, s2  }
0x8d: {  	s2 =	sadd.s32 s2, s17  }
0x8e: {  	[smem:$0x3FC0] =	sst s2  }
0x8f: {  	_ = 	snop  }
0x90: {  	s2 =	sld [smem:$0x3FD0];
	(tm) =	ssettm $0x1  }
0x91: {  	s18 =	sld [smem:$0x3FFB];
	_ =	sdelay $0x3  }
0x92: {  	_ =	strace s18  }
0x93: {  	s3 =	sld [smem:$0x3FFC];
	_ =	sdelay $0x3  }
0x94: {  	_ =	strace s3  }
0x95: {  	s3 =	sld [smem:$0x3FFD];
	_ =	sdelay $0x3  }
0x96: {  	_ =	strace s3  }
0x97: {  	_ =	strace $0x8FFFFFFF  }
0x98: {  	s19 =	sld [smem:$0x3FDB];
	_ =	sdelay $0x1  }
0x99: {  	s4 =	simm.s32 $_scs_section_size  }
0x9a: {  	s5 =	simm.s32 $_size__tile_overlayer_lowered;
	s6 =	simm.s32 $_tile_overlayer_lowered  }
0x9b: {  	s22 =	simm.s32 $0x1BFF;
	s21 =	sshll.u32 s6, $0x1;
	s3 =	sadd.s32 s4, s19  }
0x9c: {  	s7 =	simm.s32 $0x0;
	s20 =	sshll.u32 s5, $0x1;
	s5 =	sadd.s32 s21, s3  }
0x9d: {  	[timem:s7], [sflag:s22] =	dma.local [hbm:s5], s20  }
0x9e: {  	_ =	swait.ge [sflag:s22], s20  }
0x9f: {  	s4 =	ssub.s32 $0x0, s20;
	[sflag:s22] =	ssyncset.done $0x0  }
0xa0: {  	[sflag:s22] =	ssyncadd.s32 s4;
	_ =	sdelay $0x1  }
0xa1: {  	s23 =	simm.s32 $0x1B8B  }
0xa2: {  	_ =	swait.ge [sflag:s23], $0x1  }
0xa3: {  	[sflag:s23] =	ssyncset.done $0x0  }
0xa4: {  	s25 =	simm.s32 $0x1B8E;
	s24 =	sld [smem:$0x3FFE];
	[sflag:s23] =	ssyncadd.s32 $0xFFFFFFFF  }
0xa5: {  	s26 =	simm.s32 $execute0_lowered;
	[smem:$0x3FD2] =	sst s25  }
0xa6: {  	s5 =	sshll.u32 s26, $0x1;
	_ =	strace $0x80000046;
	[dreg:$0x1] =	wrdreg $0xFFFFFFFF  }
0xa7: {  	s28 =	simm.s32 $_size_execute0_lowered;
	s3 =	sadd.s32 s3, s5;
	[dreg:$0x0] =	wrdreg $0x0  }
0xa8: {  	s5 =	sshll.u32 s28, $0x1;
	[dreg:$0x2] =	wrdreg s3  }
0xa9: {  	[dreg:$0x3] =	wrdreg s5  }
0xaa: {  	[dreg:$0x4] =	wrdreg $0xC0  }
0xab: {  	_ =	task [dreg:s7], $0x5FFFF  }
0xac: {  	[dreg:$0x1] =	wrdreg $0xFFFFFFFF  }
0xad: {  	[dreg:$0x0] =	wrdreg $0x60  }
0xae: {  	[dreg:$0x2] =	wrdreg s24  }
0xaf: {  	[dreg:$0x3] =	wrdreg s2  }
0xb0: {  	[dreg:$0x4] =	wrdreg $0x70800  }
0xb1: {  	[dreg:$0x5] =	wrdreg $0x9  }
0xb2: {  	_ =	task.clear_ibuf [dreg:s7], $0x6FFFF;
	_ =	strace $0x90000046  }
0xb3: {  	s29 =	simm.s32 $0x9;
	_ =	strace $0x80000048  }
0xb4: {  	_ =	swait.ge [sflag:s29], $0x1  }
0xb5: {  	[sflag:s29] =	ssyncadd.s32 $0xFFFFFFFF  }
0xb6: {  	_ =	strace $0x90000048  }
0xb7: {  	_ =	sfence  }
0xb8: {  	s30 =	sld [smem:$0x0];
	_ =	sdelay $0x2  }
0xb9: {  	s31 =	sshll.u32 s1, $0xD;
	s1 =	sshrl.u32 s1, $0x2  }
0xba: {  	s3 =	sand.u32 $0x4000, s31;
	s1 =	sadd.s32 s1, s30  }
0xbb: {  	s0 =	sor.u32 s3, s0;
	s1 =	sshll.u32 s1, $0x11  }
0xbc: {  	s0 =	sor.u32 s1, s0  }
0xbd: {  	s0 =	sadd.s32 $0x8F2B, s0  }
0xbe: {  	[sflag:s0] =	ssyncadd.remote.s32 $0x1  }
0xbf: {  	_ =	sfence.sel $0xFFFF  }
0xc0: {  	[dreg:$0x0] =	wrdreg $0xFFFFFFFF;
	(pc) =	sbr.abs _section_cstart, $3  }
0xc1: {  	[dreg:$0x1] =	wrdreg $0xFFFFFFFF  }
0xc2: {  	_ =	task.clear_ibuf [dreg:s7], $0x2FFFF;
	_ =	strace $0x9FFFFFFF  }
0xc3: {  	(tm) =	ssettm $0x7FFFFFFF  }
tec
execute0_lowered:
.L_overlay_start_1:
0x0: {  	(tag) =	ssettag $0x1  }
0x1: {  	s0 =	rddreg [dreg:$0x0]  }
0x2: {  	s2 =	rddreg [dreg:$0x1]  }
0x3: {  	s1 =	rddreg [dreg:$0x2];
	s3 =	simm.s32 $0x0  }
0x4: {  	s4 =	srdreg.scid;
	s9 =	stileid.u32;
	s13 =	simm.s32 $0x2  }
0x5: {  	s15 =	simm.s32 $0x3080;
	s16 =	simm.s32 $0x1;
	s17 =	simm.s32 $0x80  }
0x6: {  	s19 =	simm.s32 $0x3000;
	s18 =	simm.s32 $0x2880;
	s20 =	simm.s32 $0x2900  }
0x7: {  	s21 =	simm.s32 $0x2980;
	s22 =	simm.s32 $0x2A00;
	s11 =	simm.s32 $0x2B80  }
0x8: {  	s12 =	simm.s32 $0x2C80;
	s28 =	simm.s32 $0x2E00;
	s29 =	simm.s32 $0x2E80  }
0x9: {  	s30 =	simm.s32 $0x2F00;
	s31 =	simm.s32 $0x2F80;
	[smem:$0x7FF] =	sst s3  }
0xa: {  	s4 =	sand.u32 $0x1, s4;
	s5 =	sshll.u32 s9, $0x9;
	s24 =	sshll.u32 s9, $0x10  }
0xb: {  	_ =	strace $0x80000047;
	s6 =	ssub.s32 $0x2, s4;
	s7 =	sadd.s32 s5, s0  }
0xc: {  	s0 =	sadd.s32 $0x3400, s0;
	s14 =	sshll.u32 s4, $0xA;
	s2 =	sadd.s32 s2, s5  }
0xd: {  	s4 =	sshll.u32 s4, $0x15;
	s8 =	sshrl.u32 s6, $0x1;
	s23 =	sadd.s32 $0x1400, s7  }
0xe: {  	[dreg:$0x5] =	wrdreg s2;
	s5 =	sor.u32 $0x200, s14;
	s4 =	sor.u32 s24, s4  }
0xf: {  	s10 =	ssub.s32 s6, s8;
	[dreg:$0x4] =	wrdreg s23;
	s6 =	sadd.s32 s24, s1  }
0x10: {  	s25 =	sshll.u32 s5, $0xB;
	s4 =	sshrl.u32 s4, $0x3;
	s23 =	simm.s32 $0x2B00  }
0x11: {  	s7 =	sadd.s32 $0x4000, s6;
	s2 =	sor.u32 s24, s25;
	s8 =	sadd.s32 $0x8000, s6  }
0x12: {  	s9 =	sadd.s32 $0xC000, s6;
	s4 =	sadd.s32 s0, s4;
	s26 =	smax.u32 s10, $0x1  }
0x13: {  	s10 =	simm.s32 $0x2A80;
	s2 =	sshrl.u32 s2, $0x3;
	[dreg:$0x6] =	wrdreg s4  }
0x14: {  	v2 =	vimm.f32 $0.0e+00;
	s24 =	simm.s32 $0x2C00;
	[dreg:$0x8] =	wrdreg s26;
	s0 =	sadd.s32 s0, s2  }
0x15: {  	v3 =	vimm.f32 $1.000000000e+00;
	v0 =	vmov s14;
	v1 =	vmov s5;
	s25 =	simm.s32 $0x2D00;
	s26 =	simm.s32 $0x2D80;
	[dreg:$0x7] =	wrdreg s0  }
.LBB2_1:
0x16: {  	s0 =	simm.s32 $0x40;
	s2 =	simm.s32 $0x0  }
.LBB2_2:
0x17: {  	p0 =	sne.s32 s0, $0xFFC0;
	[tilespmem:s2+$0x3080] =	vst v2;
	s2 =	smov.u32 s0;
	s0 =	sadd.s32 $0x40, s0  }
.Ltmp0:
0x18: {  	(pc) =	sbr.rel @p0 .LBB2_2-.Ltmp0, $2  }
0x19: {  	_ =	sdelay $0x2  }
0x1a: {  	s2 =	sshra.s32 s2, $0x2  }
0x1b: {  	[tilespmem:s2+$0x3080] =	vst v2  }
0x1c: {  	[tilespmem:$0x3000] =	vst v3  }
0x1d: {  	[tilespmem:$0x3010] =	vst v3  }
0x1e: {  	[tilespmem:$0x3020] =	vst v3  }
0x1f: {  	[tilespmem:$0x3030] =	vst v3  }
0x20: {  	[tilespmem:$0x3040] =	vst v3  }
0x21: {  	[tilespmem:$0x3050] =	vst v3  }
0x22: {  	[tilespmem:$0x3060] =	vst v3  }
0x23: {  	s0 =	simm.s32 $0x0;
	s5 =	rddreg [dreg:$0x4];
	[tilespmem:$0x3070] =	vst v3  }
0x24: {  	[tilespmem:s0], [sflag:$0x2] =	stream.linear.gather [hbm4b:s5+s0], $0x1000, $0x38;
	[tilespmem:$0x17100] =	vst v63  }
0x25: {  	_ =	swait.ge [sflag:s13], $0x1000  }
0x26: {  	[sflag:s13] =	ssyncset.done $0x0  }
0x27: {  	s4 =	simm.s32 $0x1000;
	s14 =	rddreg [dreg:$0x5];
	[sflag:s13] =	ssyncadd.s32 $0xFFFFF000  }
0x28: {  	[tilespmem:s4], [sflag:$0x2] =	stream.linear.gather [hbm4b:s14+s0], $0x1000, $0x38;
	[tilespmem:$0x17100] =	vst v63  }
0x29: {  	_ =	swait.ge [sflag:s13], $0x1000  }
0x2a: {  	[sflag:s13] =	ssyncset.done $0x0  }
0x2b: {  	[sflag:s13] =	ssyncadd.s32 $0xFFFFF000  }
0x2c: {  	[spmem:s6] =	stream.linear.scatter [tilespmem:s15], [sflag:$0x1], $0x4000, $0x38;
	[tilespmem:$0x17100] =	vst v63  }
0x2d: {  	_ = 	snop  }
0x2e: {  	[spmem:s7] =	stream.linear.scatter [tilespmem:s15], [sflag:$0x1], $0x4000, $0x38;
	[tilespmem:$0x17100] =	vst v63  }
0x2f: {  	_ = 	snop  }
0x30: {  	[spmem:s8] =	stream.linear.scatter [tilespmem:s15], [sflag:$0x1], $0x4000, $0x38;
	[tilespmem:$0x17100] =	vst v63  }
0x31: {  	_ = 	snop  }
0x32: {  	[spmem:s9] =	stream.linear.scatter [tilespmem:s15], [sflag:$0x1], $0x4000, $0x38;
	[tilespmem:$0x17100] =	vst v63  }
0x33: {  	_ =	swait.ge [sflag:s16], $0x4000  }
0x34: {  	[sflag:s16] =	ssyncset.done $0x0  }
0x35: {  	[sflag:s16] =	ssyncadd.s32 $0xFFFFC000  }
0x36: {  	_ =	swait.ge [sflag:s16], $0x4000  }
0x37: {  	[sflag:s16] =	ssyncset.done $0x0  }
0x38: {  	[sflag:s16] =	ssyncadd.s32 $0xFFFFC000  }
0x39: {  	_ =	swait.ge [sflag:s16], $0x4000  }
0x3a: {  	[sflag:s16] =	ssyncset.done $0x0  }
0x3b: {  	[sflag:s16] =	ssyncadd.s32 $0xFFFFC000  }
0x3c: {  	_ =	swait.ge [sflag:s16], $0x4000  }
0x3d: {  	[sflag:s16] =	ssyncset.done $0x0  }
0x3e: {  	[sflag:s16] =	ssyncadd.s32 $0xFFFFC000  }
0x3f: {  	s0 =	simm.s32 $0x0;
	[bflag:$0x0] =	sbarrier.arrive $0xFFFF  }
0x40: {  	v4 =	vld [tilespmem:s0+$0x70]  }
0x41: {  	v5 =	vld [tilespmem:s0+$0x0]  }
0x42: {  	v6 =	vld [tilespmem:s0+$0x10]  }
0x43: {  	v7 =	vld [tilespmem:s0+$0x1070]  }
0x44: {  	v11 =	vld [tilespmem:s0+$0x50]  }
0x45: {  	v12 =	vld [tilespmem:s0+$0x60]  }
0x46: {  	v8 =	vld [tilespmem:s0+$0x20]  }
0x47: {  	v9 =	vld [tilespmem:s0+$0x30];
	v4 =	vsub.s32 v4, v0  }
0x48: {  	v5 =	vsub.s32 v5, v0;
	v4 =	vmin.u32 v4, $0x200  }
0x49: {  	v10 =	vld [tilespmem:s0+$0x40];
	v6 =	vsub.s32 v6, v0;
	v11 =	vsub.s32 v11, v0;
	v4 =	vshll.u32 v4, $0xB  }
0x4a: {  	v13 =	vld [tilespmem:s0+$0x1000];
	v12 =	vsub.s32 v12, v0;
	v5 =	vmin.u32 v5, $0x200;
	v4 =	vadd.s32 v7, v4  }
0x4b: {  	v15 =	vld [tilespmem:s0+$0x1010];
	v11 =	vmin.u32 v11, $0x200;
	v14 =	vshll.u32 v5, $0xB;
	[tilespmem:s0+$0x2070] =	vst v4;
	v4 =	vmin.u32 v6, $0x200  }
0x4c: {  	v5 =	vsub.s32 v8, v0;
	v6 =	vsub.s32 v9, v0;
	v16 =	vshll.u32 v4, $0xB;
	v4 =	vld [tilespmem:s0+$0x1020]  }
0x4d: {  	v17 =	vmin.u32 v12, $0x200;
	v7 =	vmin.u32 v5, $0x200;
	v5 =	vld [tilespmem:s0+$0x1030];
	v6 =	vmin.u32 v6, $0x200  }
0x4e: {  	v9 =	vsub.s32 v10, v0;
	v8 =	vshll.u32 v7, $0xB;
	v7 =	vshll.u32 v6, $0xB;
	v6 =	vld [tilespmem:s0+$0x1040]  }
0x4f: {  	v11 =	vshll.u32 v11, $0xB;
	v13 =	vadd.s32 v13, v14;
	v10 =	vmin.u32 v9, $0x200;
	v9 =	vld [tilespmem:s0+$0x1050]  }
0x50: {  	s2 =	simm.s32 $0x80;
	s4 =	simm.s32 $0x400;
	v12 =	vld [tilespmem:s0+$0x1060];
	[tilespmem:s0+$0x2000] =	vst v13;
	v13 =	vshll.u32 v17, $0xB;
	v10 =	vshll.u32 v10, $0xB;
	v14 =	vadd.s32 v15, v16  }
.LBB2_4:
0x51: {  	p0 =	sne.s32 s4, $0x3E00;
	v15 =	vld [tilespmem:s2+$0x70];
	[tilespmem:s0+$0x2010] =	vst v14;
	v4 =	vadd.s32 v4, v8  }
0x52: {  	v8 =	vld [tilespmem:s2+$0x0];
	[tilespmem:s0+$0x2020] =	vst v4;
	v4 =	vadd.s32 v5, v7  }
0x53: {  	v5 =	vld [tilespmem:s2+$0x10];
	[tilespmem:s0+$0x2030] =	vst v4;
	v4 =	vadd.s32 v6, v10  }
0x54: {  	v6 =	vld [tilespmem:s2+$0x1070];
	[tilespmem:s0+$0x2040] =	vst v4;
	v4 =	vadd.s32 v9, v11  }
0x55: {  	v7 =	vld [tilespmem:s2+$0x20];
	[tilespmem:s0+$0x2050] =	vst v4;
	v4 =	vadd.s32 v12, v13  }
0x56: {  	v9 =	vld [tilespmem:s2+$0x30];
	v10 =	vsub.s32 v15, v0;
	[tilespmem:s0+$0x2060] =	vst v4;
	s0 =	smov.u32 s2  }
0x57: {  	v4 =	vsub.s32 v8, v0;
	v11 =	vld [tilespmem:s0+$0x40];
	v8 =	vmin.u32 v10, $0x200  }
0x58: {  	v4 =	vmin.u32 v4, $0x200;
	v5 =	vsub.s32 v5, v0;
	v10 =	vld [tilespmem:s0+$0x50];
	v8 =	vshll.u32 v8, $0xB  }
0x59: {  	v12 =	vshll.u32 v4, $0xB;
	v4 =	vmin.u32 v5, $0x200;
	v13 =	vld [tilespmem:s0+$0x60];
	v5 =	vadd.s32 v6, v8  }
0x5a: {  	v14 =	vld [tilespmem:s0+$0x1000];
	v15 =	vshll.u32 v4, $0xB;
	v4 =	vsub.s32 v7, v0;
	[tilespmem:s0+$0x2070] =	vst v5  }
0x5b: {  	v16 =	vld [tilespmem:s0+$0x1010];
	v5 =	vmin.u32 v4, $0x200;
	v6 =	vsub.s32 v9, v0  }
.Ltmp1:
0x5c: {  	v4 =	vld [tilespmem:s0+$0x1020];
	v8 =	vshll.u32 v5, $0xB;
	v6 =	vmin.u32 v6, $0x200;
	v9 =	vsub.s32 v11, v0;
	(pc) =	sbr.rel @p0 .LBB2_4-.Ltmp1, $4  }
0x5d: {  	v5 =	vld [tilespmem:s0+$0x1030];
	v7 =	vshll.u32 v6, $0xB;
	v9 =	vmin.u32 v9, $0x200;
	v11 =	vsub.s32 v10, v0  }
0x5e: {  	v6 =	vld [tilespmem:s0+$0x1040];
	v10 =	vshll.u32 v9, $0xB;
	v11 =	vmin.u32 v11, $0x200;
	v13 =	vsub.s32 v13, v0  }
0x5f: {  	v12 =	vadd.s32 v14, v12;
	v9 =	vld [tilespmem:s0+$0x1050];
	v11 =	vshll.u32 v11, $0xB;
	v13 =	vmin.u32 v13, $0x200  }
0x60: {  	s2 =	sshra.s32 s4, $0x2;
	s4 =	sadd.s32 $0x200, s4;
	[tilespmem:s0+$0x2000] =	vst v12;
	v14 =	vadd.s32 v16, v15;
	v12 =	vld [tilespmem:s0+$0x1060];
	v13 =	vshll.u32 v13, $0xB  }
0x61: {  	v15 =	vld [tilespmem:s2+$0x70];
	[tilespmem:s0+$0x2010] =	vst v14;
	v4 =	vadd.s32 v4, v8  }
0x62: {  	v8 =	vld [tilespmem:s2+$0x0];
	[tilespmem:s0+$0x2020] =	vst v4;
	v4 =	vadd.s32 v5, v7  }
0x63: {  	v5 =	vld [tilespmem:s2+$0x10];
	[tilespmem:s0+$0x2030] =	vst v4;
	v4 =	vadd.s32 v6, v10  }
0x64: {  	v6 =	vld [tilespmem:s2+$0x1070];
	[tilespmem:s0+$0x2040] =	vst v4;
	v4 =	vadd.s32 v9, v11  }
0x65: {  	v7 =	vld [tilespmem:s2+$0x20];
	[tilespmem:s0+$0x2050] =	vst v4;
	v4 =	vadd.s32 v12, v13  }
0x66: {  	v9 =	vld [tilespmem:s2+$0x30];
	[tilespmem:s0+$0x2060] =	vst v4  }
0x67: {  	v4 =	vsub.s32 v15, v0;
	v10 =	vld [tilespmem:s2+$0x40]  }
0x68: {  	v4 =	vmin.u32 v4, $0x200;
	v11 =	vld [tilespmem:s2+$0x50]  }
0x69: {  	v12 =	vld [tilespmem:s2+$0x60];
	v4 =	vshll.u32 v4, $0xB  }
0x6a: {  	v4 =	vadd.s32 v6, v4;
	v6 =	vld [tilespmem:s2+$0x1000]  }
0x6b: {  	v8 =	vsub.s32 v8, v0;
	[tilespmem:s2+$0x2070] =	vst v4;
	v4 =	vld [tilespmem:s2+$0x1010]  }
0x6c: {  	v13 =	vld [tilespmem:s2+$0x1020];
	v5 =	vsub.s32 v5, v0;
	v8 =	vmin.u32 v8, $0x200;
	v7 =	vsub.s32 v7, v0  }
0x6d: {  	v14 =	vld [tilespmem:s2+$0x1030];
	v5 =	vmin.u32 v5, $0x200;
	v8 =	vshll.u32 v8, $0xB;
	v7 =	vmin.u32 v7, $0x200  }
0x6e: {  	v15 =	vld [tilespmem:s2+$0x1040];
	v5 =	vshll.u32 v5, $0xB;
	v9 =	vsub.s32 v9, v0;
	v7 =	vshll.u32 v7, $0xB  }
0x6f: {  	v9 =	vmin.u32 v9, $0x200;
	v10 =	vsub.s32 v10, v0;
	v6 =	vadd.s32 v6, v8;
	v8 =	vld [tilespmem:s2+$0x1050]  }
0x70: {  	[tilespmem:s2+$0x2000] =	vst v6;
	v6 =	vshll.u32 v9, $0xB;
	v9 =	vmin.u32 v10, $0x200;
	v4 =	vadd.s32 v4, v5;
	v5 =	vld [tilespmem:s2+$0x1060]  }
0x71: {  	v10 =	vsub.s32 v11, v0;
	v9 =	vshll.u32 v9, $0xB;
	[tilespmem:s2+$0x2010] =	vst v4;
	v4 =	vadd.s32 v13, v7  }
0x72: {  	v7 =	vmin.u32 v10, $0x200;
	v10 =	vsub.s32 v12, v0;
	[tilespmem:s2+$0x2020] =	vst v4;
	v4 =	vadd.s32 v14, v6  }
0x73: {  	v6 =	vshll.u32 v7, $0xB;
	v7 =	vmin.u32 v10, $0x200;
	[tilespmem:s2+$0x2030] =	vst v4;
	v4 =	vadd.s32 v15, v9  }
0x74: {  	v7 =	vshll.u32 v7, $0xB;
	[tilespmem:s2+$0x2040] =	vst v4;
	v4 =	vadd.s32 v8, v6  }
0x75: {  	[tilespmem:s2+$0x2050] =	vst v4;
	v4 =	vadd.s32 v5, v7  }
0x76: {  	[tilespmem:s2+$0x2060] =	vst v4;
	s2 =	simm.s32 $0x2000  }
0x77: {  	[spmem:s1] =	stream.indirect.scatter.add.f32 [tilespmem:s19], [sflag:$0x1], $0x1, s2, s17, $0xb8;
	[tilespmem:$0x17100] =	vst v63  }
0x78: {  	s4 =	simm.s32 $0x2080  }
0x79: {  	[spmem:s1] =	stream.indirect.scatter.add.f32 [tilespmem:s19], [sflag:$0x1], $0x1, s4, s17, $0xb8;
	[tilespmem:$0x17100] =	vst v63  }
0x7a: {  	s5 =	simm.s32 $0x2100  }
0x7b: {  	[spmem:s1] =	stream.indirect.scatter.add.f32 [tilespmem:s19], [sflag:$0x1], $0x1, s5, s17, $0xb8;
	[tilespmem:$0x17100] =	vst v63  }
0x7c: {  	s14 =	simm.s32 $0x2180  }
0x7d: {  	[spmem:s1] =	stream.indirect.scatter.add.f32 [tilespmem:s19], [sflag:$0x1], $0x1, s14, s17, $0xb8;
	[tilespmem:$0x17100] =	vst v63  }
0x7e: {  	s2 =	simm.s32 $0x2200  }
0x7f: {  	[spmem:s1] =	stream.indirect.scatter.add.f32 [tilespmem:s19], [sflag:$0x1], $0x1, s2, s17, $0xb8;
	[tilespmem:$0x17100] =	vst v63  }
0x80: {  	s4 =	simm.s32 $0x2280  }
0x81: {  	[spmem:s1] =	stream.indirect.scatter.add.f32 [tilespmem:s19], [sflag:$0x1], $0x1, s4, s17, $0xb8;
	[tilespmem:$0x17100] =	vst v63  }
0x82: {  	s5 =	simm.s32 $0x2300  }
0x83: {  	[spmem:s1] =	stream.indirect.scatter.add.f32 [tilespmem:s19], [sflag:$0x1], $0x1, s5, s17, $0xb8;
	[tilespmem:$0x17100] =	vst v63  }
0x84: {  	s14 =	simm.s32 $0x2380  }
0x85: {  	[spmem:s1] =	stream.indirect.scatter.add.f32 [tilespmem:s19], [sflag:$0x1], $0x1, s14, s17, $0xb8;
	[tilespmem:$0x17100] =	vst v63  }
0x86: {  	s2 =	simm.s32 $0x2400  }
0x87: {  	[spmem:s1] =	stream.indirect.scatter.add.f32 [tilespmem:s19], [sflag:$0x1], $0x1, s2, s17, $0xb8;
	[tilespmem:$0x17100] =	vst v63  }
0x88: {  	s4 =	simm.s32 $0x2480  }
0x89: {  	[spmem:s1] =	stream.indirect.scatter.add.f32 [tilespmem:s19], [sflag:$0x1], $0x1, s4, s17, $0xb8;
	[tilespmem:$0x17100] =	vst v63  }
0x8a: {  	s5 =	simm.s32 $0x2500  }
0x8b: {  	[spmem:s1] =	stream.indirect.scatter.add.f32 [tilespmem:s19], [sflag:$0x1], $0x1, s5, s17, $0xb8;
	[tilespmem:$0x17100] =	vst v63  }
0x8c: {  	s14 =	simm.s32 $0x2580  }
0x8d: {  	[spmem:s1] =	stream.indirect.scatter.add.f32 [tilespmem:s19], [sflag:$0x1], $0x1, s14, s17, $0xb8;
	[tilespmem:$0x17100] =	vst v63  }
0x8e: {  	s2 =	simm.s32 $0x2600  }
0x8f: {  	[spmem:s1] =	stream.indirect.scatter.add.f32 [tilespmem:s19], [sflag:$0x1], $0x1, s2, s17, $0xb8;
	[tilespmem:$0x17100] =	vst v63  }
0x90: {  	s4 =	simm.s32 $0x2680  }
0x91: {  	[spmem:s1] =	stream.indirect.scatter.add.f32 [tilespmem:s19], [sflag:$0x1], $0x1, s4, s17, $0xb8;
	[tilespmem:$0x17100] =	vst v63  }
0x92: {  	s5 =	simm.s32 $0x2700  }
0x93: {  	[spmem:s1] =	stream.indirect.scatter.add.f32 [tilespmem:s19], [sflag:$0x1], $0x1, s5, s17, $0xb8;
	[tilespmem:$0x17100] =	vst v63  }
0x94: {  	s14 =	simm.s32 $0x2780  }
0x95: {  	[spmem:s1] =	stream.indirect.scatter.add.f32 [tilespmem:s19], [sflag:$0x1], $0x1, s14, s17, $0xb8;
	[tilespmem:$0x17100] =	vst v63  }
0x96: {  	s2 =	simm.s32 $0x2800  }
0x97: {  	[spmem:s1] =	stream.indirect.scatter.add.f32 [tilespmem:s19], [sflag:$0x1], $0x1, s2, s17, $0xb8;
	[tilespmem:$0x17100] =	vst v63  }
0x98: {  	_ = 	snop  }
0x99: {  	[spmem:s1] =	stream.indirect.scatter.add.f32 [tilespmem:s19], [sflag:$0x1], $0x1, s18, s17, $0xb8;
	[tilespmem:$0x17100] =	vst v63  }
0x9a: {  	_ = 	snop  }
0x9b: {  	[spmem:s1] =	stream.indirect.scatter.add.f32 [tilespmem:s19], [sflag:$0x1], $0x1, s20, s17, $0xb8;
	[tilespmem:$0x17100] =	vst v63  }
0x9c: {  	_ = 	snop  }
0x9d: {  	[spmem:s1] =	stream.indirect.scatter.add.f32 [tilespmem:s19], [sflag:$0x1], $0x1, s21, s17, $0xb8;
	[tilespmem:$0x17100] =	vst v63  }
0x9e: {  	_ = 	snop  }
0x9f: {  	[spmem:s1] =	stream.indirect.scatter.add.f32 [tilespmem:s19], [sflag:$0x1], $0x1, s22, s17, $0xb8;
	[tilespmem:$0x17100] =	vst v63  }
0xa0: {  	_ = 	snop  }
0xa1: {  	[spmem:s1] =	stream.indirect.scatter.add.f32 [tilespmem:s19], [sflag:$0x1], $0x1, s10, s17, $0xb8;
	[tilespmem:$0x17100] =	vst v63  }
0xa2: {  	_ = 	snop  }
0xa3: {  	[spmem:s1] =	stream.indirect.scatter.add.f32 [tilespmem:s19], [sflag:$0x1], $0x1, s23, s17, $0xb8;
	[tilespmem:$0x17100] =	vst v63  }
0xa4: {  	_ = 	snop  }
0xa5: {  	[spmem:s1] =	stream.indirect.scatter.add.f32 [tilespmem:s19], [sflag:$0x1], $0x1, s11, s17, $0xb8;
	[tilespmem:$0x17100] =	vst v63  }
0xa6: {  	_ = 	snop  }
0xa7: {  	[spmem:s1] =	stream.indirect.scatter.add.f32 [tilespmem:s19], [sflag:$0x1], $0x1, s24, s17, $0xb8;
	[tilespmem:$0x17100] =	vst v63  }
0xa8: {  	_ = 	snop  }
0xa9: {  	[spmem:s1] =	stream.indirect.scatter.add.f32 [tilespmem:s19], [sflag:$0x1], $0x1, s12, s17, $0xb8;
	[tilespmem:$0x17100] =	vst v63  }
0xaa: {  	_ = 	snop  }
0xab: {  	[spmem:s1] =	stream.indirect.scatter.add.f32 [tilespmem:s19], [sflag:$0x1], $0x1, s25, s17, $0xb8;
	[tilespmem:$0x17100] =	vst v63  }
0xac: {  	_ = 	snop  }
0xad: {  	[spmem:s1] =	stream.indirect.scatter.add.f32 [tilespmem:s19], [sflag:$0x1], $0x1, s26, s17, $0xb8;
	[tilespmem:$0x17100] =	vst v63  }
0xae: {  	_ = 	snop  }
0xaf: {  	[spmem:s1] =	stream.indirect.scatter.add.f32 [tilespmem:s19], [sflag:$0x1], $0x1, s28, s17, $0xb8;
	[tilespmem:$0x17100] =	vst v63  }
0xb0: {  	_ = 	snop  }
0xb1: {  	[spmem:s1] =	stream.indirect.scatter.add.f32 [tilespmem:s19], [sflag:$0x1], $0x1, s29, s17, $0xb8;
	[tilespmem:$0x17100] =	vst v63  }
0xb2: {  	_ = 	snop  }
0xb3: {  	[spmem:s1] =	stream.indirect.scatter.add.f32 [tilespmem:s19], [sflag:$0x1], $0x1, s30, s17, $0xb8;
	[tilespmem:$0x17100] =	vst v63  }
0xb4: {  	_ = 	snop  }
0xb5: {  	[spmem:s1] =	stream.indirect.scatter.add.f32 [tilespmem:s19], [sflag:$0x1], $0x1, s31, s17, $0xb8;
	[tilespmem:$0x17100] =	vst v63  }
0xb6: {  	_ =	swait.ge [sflag:s16], $0x80  }
0xb7: {  	[sflag:s16] =	ssyncset.done $0x0  }
0xb8: {  	[sflag:s16] =	ssyncadd.s32 $0xFFFFFF80  }
0xb9: {  	_ =	swait.ge [sflag:s16], $0x80  }
0xba: {  	[sflag:s16] =	ssyncset.done $0x0  }
0xbb: {  	[sflag:s16] =	ssyncadd.s32 $0xFFFFFF80  }
0xbc: {  	_ =	swait.ge [sflag:s16], $0x80  }
0xbd: {  	[sflag:s16] =	ssyncset.done $0x0  }
0xbe: {  	[sflag:s16] =	ssyncadd.s32 $0xFFFFFF80  }
0xbf: {  	_ =	swait.ge [sflag:s16], $0x80  }
0xc0: {  	[sflag:s16] =	ssyncset.done $0x0  }
0xc1: {  	[sflag:s16] =	ssyncadd.s32 $0xFFFFFF80  }
0xc2: {  	_ =	swait.ge [sflag:s16], $0x80  }
0xc3: {  	[sflag:s16] =	ssyncset.done $0x0  }
0xc4: {  	[sflag:s16] =	ssyncadd.s32 $0xFFFFFF80  }
0xc5: {  	_ =	swait.ge [sflag:s16], $0x80  }
0xc6: {  	[sflag:s16] =	ssyncset.done $0x0  }
0xc7: {  	[sflag:s16] =	ssyncadd.s32 $0xFFFFFF80  }
0xc8: {  	_ =	swait.ge [sflag:s16], $0x80  }
0xc9: {  	[sflag:s16] =	ssyncset.done $0x0  }
0xca: {  	[sflag:s16] =	ssyncadd.s32 $0xFFFFFF80  }
0xcb: {  	_ =	swait.ge [sflag:s16], $0x80  }
0xcc: {  	[sflag:s16] =	ssyncset.done $0x0  }
0xcd: {  	[sflag:s16] =	ssyncadd.s32 $0xFFFFFF80  }
0xce: {  	_ =	swait.ge [sflag:s16], $0x80  }
0xcf: {  	[sflag:s16] =	ssyncset.done $0x0  }
0xd0: {  	[sflag:s16] =	ssyncadd.s32 $0xFFFFFF80  }
0xd1: {  	_ =	swait.ge [sflag:s16], $0x80  }
0xd2: {  	[sflag:s16] =	ssyncset.done $0x0  }
0xd3: {  	[sflag:s16] =	ssyncadd.s32 $0xFFFFFF80  }
0xd4: {  	_ =	swait.ge [sflag:s16], $0x80  }
0xd5: {  	[sflag:s16] =	ssyncset.done $0x0  }
0xd6: {  	[sflag:s16] =	ssyncadd.s32 $0xFFFFFF80  }
0xd7: {  	_ =	swait.ge [sflag:s16], $0x80  }
0xd8: {  	[sflag:s16] =	ssyncset.done $0x0  }
0xd9: {  	[sflag:s16] =	ssyncadd.s32 $0xFFFFFF80  }
0xda: {  	_ =	swait.ge [sflag:s16], $0x80  }
0xdb: {  	[sflag:s16] =	ssyncset.done $0x0  }
0xdc: {  	[sflag:s16] =	ssyncadd.s32 $0xFFFFFF80  }
0xdd: {  	_ =	swait.ge [sflag:s16], $0x80  }
0xde: {  	[sflag:s16] =	ssyncset.done $0x0  }
0xdf: {  	[sflag:s16] =	ssyncadd.s32 $0xFFFFFF80  }
0xe0: {  	_ =	swait.ge [sflag:s16], $0x80  }
0xe1: {  	[sflag:s16] =	ssyncset.done $0x0  }
0xe2: {  	[sflag:s16] =	ssyncadd.s32 $0xFFFFFF80  }
0xe3: {  	_ =	swait.ge [sflag:s16], $0x80  }
0xe4: {  	[sflag:s16] =	ssyncset.done $0x0  }
0xe5: {  	[sflag:s16] =	ssyncadd.s32 $0xFFFFFF80  }
0xe6: {  	_ =	swait.ge [sflag:s16], $0x80  }
0xe7: {  	[sflag:s16] =	ssyncset.done $0x0  }
0xe8: {  	[sflag:s16] =	ssyncadd.s32 $0xFFFFFF80  }
0xe9: {  	_ =	swait.ge [sflag:s16], $0x80  }
0xea: {  	[sflag:s16] =	ssyncset.done $0x0  }
0xeb: {  	[sflag:s16] =	ssyncadd.s32 $0xFFFFFF80  }
0xec: {  	_ =	swait.ge [sflag:s16], $0x80  }
0xed: {  	[sflag:s16] =	ssyncset.done $0x0  }
0xee: {  	[sflag:s16] =	ssyncadd.s32 $0xFFFFFF80  }
0xef: {  	_ =	swait.ge [sflag:s16], $0x80  }
0xf0: {  	[sflag:s16] =	ssyncset.done $0x0  }
0xf1: {  	[sflag:s16] =	ssyncadd.s32 $0xFFFFFF80  }
0xf2: {  	_ =	swait.ge [sflag:s16], $0x80  }
0xf3: {  	[sflag:s16] =	ssyncset.done $0x0  }
0xf4: {  	[sflag:s16] =	ssyncadd.s32 $0xFFFFFF80  }
0xf5: {  	_ =	swait.ge [sflag:s16], $0x80  }
0xf6: {  	[sflag:s16] =	ssyncset.done $0x0  }
0xf7: {  	[sflag:s16] =	ssyncadd.s32 $0xFFFFFF80  }
0xf8: {  	_ =	swait.ge [sflag:s16], $0x80  }
0xf9: {  	[sflag:s16] =	ssyncset.done $0x0  }
0xfa: {  	[sflag:s16] =	ssyncadd.s32 $0xFFFFFF80  }
0xfb: {  	_ =	swait.ge [sflag:s16], $0x80  }
0xfc: {  	[sflag:s16] =	ssyncset.done $0x0  }
0xfd: {  	[sflag:s16] =	ssyncadd.s32 $0xFFFFFF80  }
0xfe: {  	_ =	swait.ge [sflag:s16], $0x80  }
0xff: {  	[sflag:s16] =	ssyncset.done $0x0  }
0x100: {  	[sflag:s16] =	ssyncadd.s32 $0xFFFFFF80  }
0x101: {  	_ =	swait.ge [sflag:s16], $0x80  }
0x102: {  	[sflag:s16] =	ssyncset.done $0x0  }
0x103: {  	[sflag:s16] =	ssyncadd.s32 $0xFFFFFF80  }
0x104: {  	_ =	swait.ge [sflag:s16], $0x80  }
0x105: {  	[sflag:s16] =	ssyncset.done $0x0  }
0x106: {  	[sflag:s16] =	ssyncadd.s32 $0xFFFFFF80  }
0x107: {  	_ =	swait.ge [sflag:s16], $0x80  }
0x108: {  	[sflag:s16] =	ssyncset.done $0x0  }
0x109: {  	[sflag:s16] =	ssyncadd.s32 $0xFFFFFF80  }
0x10a: {  	_ =	swait.ge [sflag:s16], $0x80  }
0x10b: {  	[sflag:s16] =	ssyncset.done $0x0  }
0x10c: {  	[sflag:s16] =	ssyncadd.s32 $0xFFFFFF80  }
0x10d: {  	_ =	swait.ge [sflag:s16], $0x80  }
0x10e: {  	[sflag:s16] =	ssyncset.done $0x0  }
0x10f: {  	[sflag:s16] =	ssyncadd.s32 $0xFFFFFF80  }
0x110: {  	_ =	swait.ge [sflag:s16], $0x80  }
0x111: {  	[sflag:s16] =	ssyncset.done $0x0  }
0x112: {  	[sflag:s16] =	ssyncadd.s32 $0xFFFFFF80  }
0x113: {  	_ =	swait.ge [sflag:s16], $0x80  }
0x114: {  	[sflag:s16] =	ssyncset.done $0x0  }
0x115: {  	s4 =	stileid.u32;
	[sflag:s16] =	ssyncadd.s32 $0xFFFFFF80  }
0x116: {  	s0 =	sshll.u32 s4, $0x6;
	[bflag:$0x0] =	sbarrier.arrive $0xFFFF  }
0x117: {  	s0 =	sor.u32 $0x1C02, s0;
	s14 =	sshrl.u32 s6, $0x3;
	s5 =	rddreg [dreg:$0x6]  }
0x118: {  	[hbm:s5], [sflag:s0] =	dma.local [spmem:s14], $0x2000  }
0x119: {  	_ =	swait.ge [sflag:s13], $0x2000  }
0x11a: {  	[sflag:s13] =	ssyncset.done $0x0  }
0x11b: {  	[sflag:s13] =	ssyncadd.s32 $0xFFFFE000  }
0x11c: {  	[bflag:$0x0] =	sbarrier.arrive $0xFFFF  }
0x11d: {  	[spmem:s6] =	stream.linear.scatter [tilespmem:s15], [sflag:$0x1], $0x4000, $0x38;
	[tilespmem:$0x17100] =	vst v63  }
0x11e: {  	_ = 	snop  }
0x11f: {  	[spmem:s7] =	stream.linear.scatter [tilespmem:s15], [sflag:$0x1], $0x4000, $0x38;
	[tilespmem:$0x17100] =	vst v63  }
0x120: {  	_ = 	snop  }
0x121: {  	[spmem:s8] =	stream.linear.scatter [tilespmem:s15], [sflag:$0x1], $0x4000, $0x38;
	[tilespmem:$0x17100] =	vst v63  }
0x122: {  	_ = 	snop  }
0x123: {  	[spmem:s9] =	stream.linear.scatter [tilespmem:s15], [sflag:$0x1], $0x4000, $0x38;
	[tilespmem:$0x17100] =	vst v63  }
0x124: {  	_ =	swait.ge [sflag:s16], $0x4000  }
0x125: {  	[sflag:s16] =	ssyncset.done $0x0  }
0x126: {  	[sflag:s16] =	ssyncadd.s32 $0xFFFFC000  }
0x127: {  	_ =	swait.ge [sflag:s16], $0x4000  }
0x128: {  	[sflag:s16] =	ssyncset.done $0x0  }
0x129: {  	[sflag:s16] =	ssyncadd.s32 $0xFFFFC000  }
0x12a: {  	_ =	swait.ge [sflag:s16], $0x4000  }
0x12b: {  	[sflag:s16] =	ssyncset.done $0x0  }
0x12c: {  	[sflag:s16] =	ssyncadd.s32 $0xFFFFC000  }
0x12d: {  	_ =	swait.ge [sflag:s16], $0x4000  }
0x12e: {  	[sflag:s16] =	ssyncset.done $0x0  }
0x12f: {  	[sflag:s16] =	ssyncadd.s32 $0xFFFFC000  }
0x130: {  	s2 =	simm.s32 $0x0;
	[bflag:$0x0] =	sbarrier.arrive $0xFFFF  }
0x131: {  	v4 =	vld [tilespmem:s2+$0x70]  }
0x132: {  	v5 =	vld [tilespmem:s2+$0x0]  }
0x133: {  	v6 =	vld [tilespmem:s2+$0x10]  }
0x134: {  	v7 =	vld [tilespmem:s2+$0x1070]  }
0x135: {  	v11 =	vld [tilespmem:s2+$0x50]  }
0x136: {  	v12 =	vld [tilespmem:s2+$0x60]  }
0x137: {  	v8 =	vld [tilespmem:s2+$0x20]  }
0x138: {  	v9 =	vld [tilespmem:s2+$0x30];
	v4 =	vsub.s32 v4, v1  }
0x139: {  	v5 =	vsub.s32 v5, v1;
	v4 =	vmin.u32 v4, $0x200  }
0x13a: {  	v10 =	vld [tilespmem:s2+$0x40];
	v6 =	vsub.s32 v6, v1;
	v11 =	vsub.s32 v11, v1;
	v4 =	vshll.u32 v4, $0xB  }
0x13b: {  	v13 =	vld [tilespmem:s2+$0x1000];
	v12 =	vsub.s32 v12, v1;
	v5 =	vmin.u32 v5, $0x200;
	v4 =	vadd.s32 v7, v4  }
0x13c: {  	v15 =	vld [tilespmem:s2+$0x1010];
	v11 =	vmin.u32 v11, $0x200;
	v14 =	vshll.u32 v5, $0xB;
	[tilespmem:s2+$0x2070] =	vst v4;
	v4 =	vmin.u32 v6, $0x200  }
0x13d: {  	v5 =	vsub.s32 v8, v1;
	v6 =	vsub.s32 v9, v1;
	v16 =	vshll.u32 v4, $0xB;
	v4 =	vld [tilespmem:s2+$0x1020]  }
0x13e: {  	v17 =	vmin.u32 v12, $0x200;
	v7 =	vmin.u32 v5, $0x200;
	v5 =	vld [tilespmem:s2+$0x1030];
	v6 =	vmin.u32 v6, $0x200  }
0x13f: {  	v9 =	vsub.s32 v10, v1;
	v8 =	vshll.u32 v7, $0xB;
	v7 =	vshll.u32 v6, $0xB;
	v6 =	vld [tilespmem:s2+$0x1040]  }
0x140: {  	v11 =	vshll.u32 v11, $0xB;
	v13 =	vadd.s32 v13, v14;
	v10 =	vmin.u32 v9, $0x200;
	v9 =	vld [tilespmem:s2+$0x1050]  }
0x141: {  	s4 =	simm.s32 $0x80;
	s5 =	simm.s32 $0x400;
	v12 =	vld [tilespmem:s2+$0x1060];
	[tilespmem:s2+$0x2000] =	vst v13;
	v13 =	vshll.u32 v17, $0xB;
	v10 =	vshll.u32 v10, $0xB;
	v14 =	vadd.s32 v15, v16  }
.LBB2_6:
0x142: {  	p0 =	sne.s32 s5, $0x3E00;
	v15 =	vld [tilespmem:s4+$0x70];
	[tilespmem:s2+$0x2010] =	vst v14;
	v4 =	vadd.s32 v4, v8  }
0x143: {  	v8 =	vld [tilespmem:s4+$0x0];
	[tilespmem:s2+$0x2020] =	vst v4;
	v4 =	vadd.s32 v5, v7  }
0x144: {  	v5 =	vld [tilespmem:s4+$0x10];
	[tilespmem:s2+$0x2030] =	vst v4;
	v4 =	vadd.s32 v6, v10  }
0x145: {  	v6 =	vld [tilespmem:s4+$0x1070];
	[tilespmem:s2+$0x2040] =	vst v4;
	v4 =	vadd.s32 v9, v11  }
0x146: {  	v7 =	vld [tilespmem:s4+$0x20];
	[tilespmem:s2+$0x2050] =	vst v4;
	v4 =	vadd.s32 v12, v13  }
0x147: {  	v9 =	vld [tilespmem:s4+$0x30];
	v10 =	vsub.s32 v15, v1;
	[tilespmem:s2+$0x2060] =	vst v4;
	s2 =	smov.u32 s4  }
0x148: {  	v4 =	vsub.s32 v8, v1;
	v11 =	vld [tilespmem:s2+$0x40];
	v8 =	vmin.u32 v10, $0x200  }
0x149: {  	v4 =	vmin.u32 v4, $0x200;
	v5 =	vsub.s32 v5, v1;
	v10 =	vld [tilespmem:s2+$0x50];
	v8 =	vshll.u32 v8, $0xB  }
0x14a: {  	v12 =	vshll.u32 v4, $0xB;
	v4 =	vmin.u32 v5, $0x200;
	v13 =	vld [tilespmem:s2+$0x60];
	v5 =	vadd.s32 v6, v8  }
0x14b: {  	v14 =	vld [tilespmem:s2+$0x1000];
	v15 =	vshll.u32 v4, $0xB;
	v4 =	vsub.s32 v7, v1;
	[tilespmem:s2+$0x2070] =	vst v5  }
0x14c: {  	v16 =	vld [tilespmem:s2+$0x1010];
	v5 =	vmin.u32 v4, $0x200;
	v6 =	vsub.s32 v9, v1  }
.Ltmp2:
0x14d: {  	v4 =	vld [tilespmem:s2+$0x1020];
	v8 =	vshll.u32 v5, $0xB;
	v6 =	vmin.u32 v6, $0x200;
	v9 =	vsub.s32 v11, v1;
	(pc) =	sbr.rel @p0 .LBB2_6-.Ltmp2, $4  }
0x14e: {  	v5 =	vld [tilespmem:s2+$0x1030];
	v7 =	vshll.u32 v6, $0xB;
	v9 =	vmin.u32 v9, $0x200;
	v11 =	vsub.s32 v10, v1  }
0x14f: {  	v6 =	vld [tilespmem:s2+$0x1040];
	v10 =	vshll.u32 v9, $0xB;
	v11 =	vmin.u32 v11, $0x200;
	v13 =	vsub.s32 v13, v1  }
0x150: {  	v12 =	vadd.s32 v14, v12;
	v9 =	vld [tilespmem:s2+$0x1050];
	v11 =	vshll.u32 v11, $0xB;
	v13 =	vmin.u32 v13, $0x200  }
0x151: {  	s4 =	sshra.s32 s5, $0x2;
	s5 =	sadd.s32 $0x200, s5;
	[tilespmem:s2+$0x2000] =	vst v12;
	v14 =	vadd.s32 v16, v15;
	v12 =	vld [tilespmem:s2+$0x1060];
	v13 =	vshll.u32 v13, $0xB  }
0x152: {  	v15 =	vld [tilespmem:s4+$0x70];
	[tilespmem:s2+$0x2010] =	vst v14;
	v4 =	vadd.s32 v4, v8  }
0x153: {  	v46 =	vld [tilespmem:s4+$0x0];
	[tilespmem:s2+$0x2020] =	vst v4;
	v4 =	vadd.s32 v5, v7  }
0x154: {  	v5 =	vld [tilespmem:s4+$0x10];
	[tilespmem:s2+$0x2030] =	vst v4;
	v4 =	vadd.s32 v6, v10  }
0x155: {  	v47 =	vld [tilespmem:s4+$0x1070];
	[tilespmem:s2+$0x2040] =	vst v4;
	v4 =	vadd.s32 v9, v11  }
0x156: {  	v48 =	vld [tilespmem:s4+$0x20];
	[tilespmem:s2+$0x2050] =	vst v4;
	v4 =	vadd.s32 v12, v13  }
0x157: {  	v49 =	vld [tilespmem:s4+$0x30];
	[tilespmem:s2+$0x2060] =	vst v4  }
0x158: {  	v4 =	vsub.s32 v15, v1;
	v50 =	vld [tilespmem:s4+$0x40]  }
0x159: {  	v4 =	vmin.u32 v4, $0x200;
	v51 =	vld [tilespmem:s4+$0x50]  }
0x15a: {  	v53 =	vld [tilespmem:s4+$0x1000];
	v4 =	vshll.u32 v4, $0xB  }
0x15b: {  	v52 =	vld [tilespmem:s4+$0x60];
	v4 =	vadd.s32 v47, v4  }
0x15c: {  	v8 =	vsub.s32 v46, v1;
	v5 =	vsub.s32 v5, v1;
	[tilespmem:s4+$0x2070] =	vst v4;
	v4 =	vld [tilespmem:s4+$0x1010]  }
0x15d: {  	v54 =	vld [tilespmem:s4+$0x1020];
	v8 =	vmin.u32 v8, $0x200;
	v5 =	vmin.u32 v5, $0x200  }
0x15e: {  	v14 =	vld [tilespmem:s4+$0x1030];
	v8 =	vshll.u32 v8, $0xB;
	v5 =	vshll.u32 v5, $0xB;
	v7 =	vsub.s32 v48, v1  }
0x15f: {  	v55 =	vld [tilespmem:s4+$0x1040];
	v7 =	vmin.u32 v7, $0x200;
	v9 =	vsub.s32 v49, v1;
	v6 =	vadd.s32 v53, v8  }
0x160: {  	v56 =	vld [tilespmem:s4+$0x1050];
	v7 =	vshll.u32 v7, $0xB;
	v9 =	vmin.u32 v9, $0x200;
	v10 =	vsub.s32 v50, v1  }
0x161: {  	v59 =	vsub.s32 v51, v1;
	v61 =	vsub.s32 v52, v1;
	[tilespmem:s4+$0x2000] =	vst v6;
	v4 =	vadd.s32 v4, v5;
	v5 =	vld [tilespmem:s4+$0x1060]  }
0x162: {  	v57 =	vshll.u32 v9, $0xB;
	v58 =	vmin.u32 v10, $0x200;
	[tilespmem:s4+$0x2010] =	vst v4;
	v4 =	vadd.s32 v54, v7  }
0x163: {  	v60 =	vmin.u32 v59, $0x200;
	v9 =	vshll.u32 v58, $0xB;
	[tilespmem:s4+$0x2020] =	vst v4;
	v4 =	vadd.s32 v14, v57  }
0x164: {  	v63 =	vmin.u32 v61, $0x200;
	v62 =	vshll.u32 v60, $0xB;
	[tilespmem:s4+$0x2030] =	vst v4;
	v4 =	vadd.s32 v55, v9  }
0x165: {  	v7 =	vshll.u32 v63, $0xB;
	[tilespmem:s4+$0x2040] =	vst v4;
	v4 =	vadd.s32 v56, v62  }
0x166: {  	[tilespmem:s4+$0x2050] =	vst v4;
	v4 =	vadd.s32 v5, v7  }
0x167: {  	[tilespmem:s4+$0x2060] =	vst v4;
	s4 =	simm.s32 $0x2000  }
0x168: {  	[spmem:s1] =	stream.indirect.scatter.add.f32 [tilespmem:s19], [sflag:$0x1], $0x1, s4, s17, $0xb8;
	[tilespmem:$0x17100] =	vst v63  }
0x169: {  	s5 =	simm.s32 $0x2080  }
0x16a: {  	[spmem:s1] =	stream.indirect.scatter.add.f32 [tilespmem:s19], [sflag:$0x1], $0x1, s5, s17, $0xb8;
	[tilespmem:$0x17100] =	vst v63  }
0x16b: {  	s4 =	simm.s32 $0x2100  }
0x16c: {  	[spmem:s1] =	stream.indirect.scatter.add.f32 [tilespmem:s19], [sflag:$0x1], $0x1, s4, s17, $0xb8;
	[tilespmem:$0x17100] =	vst v63  }
0x16d: {  	s5 =	simm.s32 $0x2180  }
0x16e: {  	[spmem:s1] =	stream.indirect.scatter.add.f32 [tilespmem:s19], [sflag:$0x1], $0x1, s5, s17, $0xb8;
	[tilespmem:$0x17100] =	vst v63  }
0x16f: {  	s4 =	simm.s32 $0x2200  }
0x170: {  	[spmem:s1] =	stream.indirect.scatter.add.f32 [tilespmem:s19], [sflag:$0x1], $0x1, s4, s17, $0xb8;
	[tilespmem:$0x17100] =	vst v63  }
0x171: {  	s5 =	simm.s32 $0x2280  }
0x172: {  	[spmem:s1] =	stream.indirect.scatter.add.f32 [tilespmem:s19], [sflag:$0x1], $0x1, s5, s17, $0xb8;
	[tilespmem:$0x17100] =	vst v63  }
0x173: {  	s4 =	simm.s32 $0x2300  }
0x174: {  	[spmem:s1] =	stream.indirect.scatter.add.f32 [tilespmem:s19], [sflag:$0x1], $0x1, s4, s17, $0xb8;
	[tilespmem:$0x17100] =	vst v63  }
0x175: {  	s5 =	simm.s32 $0x2380  }
0x176: {  	[spmem:s1] =	stream.indirect.scatter.add.f32 [tilespmem:s19], [sflag:$0x1], $0x1, s5, s17, $0xb8;
	[tilespmem:$0x17100] =	vst v63  }
0x177: {  	s4 =	simm.s32 $0x2400  }
0x178: {  	[spmem:s1] =	stream.indirect.scatter.add.f32 [tilespmem:s19], [sflag:$0x1], $0x1, s4, s17, $0xb8;
	[tilespmem:$0x17100] =	vst v63  }
0x179: {  	s5 =	simm.s32 $0x2480  }
0x17a: {  	[spmem:s1] =	stream.indirect.scatter.add.f32 [tilespmem:s19], [sflag:$0x1], $0x1, s5, s17, $0xb8;
	[tilespmem:$0x17100] =	vst v63  }
0x17b: {  	s4 =	simm.s32 $0x2500  }
0x17c: {  	[spmem:s1] =	stream.indirect.scatter.add.f32 [tilespmem:s19], [sflag:$0x1], $0x1, s4, s17, $0xb8;
	[tilespmem:$0x17100] =	vst v63  }
0x17d: {  	s5 =	simm.s32 $0x2580  }
0x17e: {  	[spmem:s1] =	stream.indirect.scatter.add.f32 [tilespmem:s19], [sflag:$0x1], $0x1, s5, s17, $0xb8;
	[tilespmem:$0x17100] =	vst v63  }
0x17f: {  	s4 =	simm.s32 $0x2600  }
0x180: {  	[spmem:s1] =	stream.indirect.scatter.add.f32 [tilespmem:s19], [sflag:$0x1], $0x1, s4, s17, $0xb8;
	[tilespmem:$0x17100] =	vst v63  }
0x181: {  	s5 =	simm.s32 $0x2680  }
0x182: {  	[spmem:s1] =	stream.indirect.scatter.add.f32 [tilespmem:s19], [sflag:$0x1], $0x1, s5, s17, $0xb8;
	[tilespmem:$0x17100] =	vst v63  }
0x183: {  	s4 =	simm.s32 $0x2700  }
0x184: {  	[spmem:s1] =	stream.indirect.scatter.add.f32 [tilespmem:s19], [sflag:$0x1], $0x1, s4, s17, $0xb8;
	[tilespmem:$0x17100] =	vst v63  }
0x185: {  	s5 =	simm.s32 $0x2780  }
0x186: {  	[spmem:s1] =	stream.indirect.scatter.add.f32 [tilespmem:s19], [sflag:$0x1], $0x1, s5, s17, $0xb8;
	[tilespmem:$0x17100] =	vst v63  }
0x187: {  	s4 =	simm.s32 $0x2800  }
0x188: {  	[spmem:s1] =	stream.indirect.scatter.add.f32 [tilespmem:s19], [sflag:$0x1], $0x1, s4, s17, $0xb8;
	[tilespmem:$0x17100] =	vst v63  }
0x189: {  	_ = 	snop  }
0x18a: {  	[spmem:s1] =	stream.indirect.scatter.add.f32 [tilespmem:s19], [sflag:$0x1], $0x1, s18, s17, $0xb8;
	[tilespmem:$0x17100] =	vst v63  }
0x18b: {  	_ = 	snop  }
0x18c: {  	[spmem:s1] =	stream.indirect.scatter.add.f32 [tilespmem:s19], [sflag:$0x1], $0x1, s20, s17, $0xb8;
	[tilespmem:$0x17100] =	vst v63  }
0x18d: {  	_ = 	snop  }
0x18e: {  	[spmem:s1] =	stream.indirect.scatter.add.f32 [tilespmem:s19], [sflag:$0x1], $0x1, s21, s17, $0xb8;
	[tilespmem:$0x17100] =	vst v63  }
0x18f: {  	_ = 	snop  }
0x190: {  	[spmem:s1] =	stream.indirect.scatter.add.f32 [tilespmem:s19], [sflag:$0x1], $0x1, s22, s17, $0xb8;
	[tilespmem:$0x17100] =	vst v63  }
0x191: {  	_ = 	snop  }
0x192: {  	[spmem:s1] =	stream.indirect.scatter.add.f32 [tilespmem:s19], [sflag:$0x1], $0x1, s10, s17, $0xb8;
	[tilespmem:$0x17100] =	vst v63  }
0x193: {  	_ = 	snop  }
0x194: {  	[spmem:s1] =	stream.indirect.scatter.add.f32 [tilespmem:s19], [sflag:$0x1], $0x1, s23, s17, $0xb8;
	[tilespmem:$0x17100] =	vst v63  }
0x195: {  	_ = 	snop  }
0x196: {  	[spmem:s1] =	stream.indirect.scatter.add.f32 [tilespmem:s19], [sflag:$0x1], $0x1, s11, s17, $0xb8;
	[tilespmem:$0x17100] =	vst v63  }
0x197: {  	_ = 	snop  }
0x198: {  	[spmem:s1] =	stream.indirect.scatter.add.f32 [tilespmem:s19], [sflag:$0x1], $0x1, s24, s17, $0xb8;
	[tilespmem:$0x17100] =	vst v63  }
0x199: {  	_ = 	snop  }
0x19a: {  	[spmem:s1] =	stream.indirect.scatter.add.f32 [tilespmem:s19], [sflag:$0x1], $0x1, s12, s17, $0xb8;
	[tilespmem:$0x17100] =	vst v63  }
0x19b: {  	_ = 	snop  }
0x19c: {  	[spmem:s1] =	stream.indirect.scatter.add.f32 [tilespmem:s19], [sflag:$0x1], $0x1, s25, s17, $0xb8;
	[tilespmem:$0x17100] =	vst v63  }
0x19d: {  	_ = 	snop  }
0x19e: {  	[spmem:s1] =	stream.indirect.scatter.add.f32 [tilespmem:s19], [sflag:$0x1], $0x1, s26, s17, $0xb8;
	[tilespmem:$0x17100] =	vst v63  }
0x19f: {  	_ = 	snop  }
0x1a0: {  	[spmem:s1] =	stream.indirect.scatter.add.f32 [tilespmem:s19], [sflag:$0x1], $0x1, s28, s17, $0xb8;
	[tilespmem:$0x17100] =	vst v63  }
0x1a1: {  	_ = 	snop  }
0x1a2: {  	[spmem:s1] =	stream.indirect.scatter.add.f32 [tilespmem:s19], [sflag:$0x1], $0x1, s29, s17, $0xb8;
	[tilespmem:$0x17100] =	vst v63  }
0x1a3: {  	_ = 	snop  }
0x1a4: {  	[spmem:s1] =	stream.indirect.scatter.add.f32 [tilespmem:s19], [sflag:$0x1], $0x1, s30, s17, $0xb8;
	[tilespmem:$0x17100] =	vst v63  }
0x1a5: {  	_ = 	snop  }
0x1a6: {  	[spmem:s1] =	stream.indirect.scatter.add.f32 [tilespmem:s19], [sflag:$0x1], $0x1, s31, s17, $0xb8;
	[tilespmem:$0x17100] =	vst v63  }
0x1a7: {  	_ =	swait.ge [sflag:s16], $0x80  }
0x1a8: {  	[sflag:s16] =	ssyncset.done $0x0  }
0x1a9: {  	[sflag:s16] =	ssyncadd.s32 $0xFFFFFF80  }
0x1aa: {  	_ =	swait.ge [sflag:s16], $0x80  }
0x1ab: {  	[sflag:s16] =	ssyncset.done $0x0  }
0x1ac: {  	[sflag:s16] =	ssyncadd.s32 $0xFFFFFF80  }
0x1ad: {  	_ =	swait.ge [sflag:s16], $0x80  }
0x1ae: {  	[sflag:s16] =	ssyncset.done $0x0  }
0x1af: {  	[sflag:s16] =	ssyncadd.s32 $0xFFFFFF80  }
0x1b0: {  	_ =	swait.ge [sflag:s16], $0x80  }
0x1b1: {  	[sflag:s16] =	ssyncset.done $0x0  }
0x1b2: {  	[sflag:s16] =	ssyncadd.s32 $0xFFFFFF80  }
0x1b3: {  	_ =	swait.ge [sflag:s16], $0x80  }
0x1b4: {  	[sflag:s16] =	ssyncset.done $0x0  }
0x1b5: {  	[sflag:s16] =	ssyncadd.s32 $0xFFFFFF80  }
0x1b6: {  	_ =	swait.ge [sflag:s16], $0x80  }
0x1b7: {  	[sflag:s16] =	ssyncset.done $0x0  }
0x1b8: {  	[sflag:s16] =	ssyncadd.s32 $0xFFFFFF80  }
0x1b9: {  	_ =	swait.ge [sflag:s16], $0x80  }
0x1ba: {  	[sflag:s16] =	ssyncset.done $0x0  }
0x1bb: {  	[sflag:s16] =	ssyncadd.s32 $0xFFFFFF80  }
0x1bc: {  	_ =	swait.ge [sflag:s16], $0x80  }
0x1bd: {  	[sflag:s16] =	ssyncset.done $0x0  }
0x1be: {  	[sflag:s16] =	ssyncadd.s32 $0xFFFFFF80  }
0x1bf: {  	_ =	swait.ge [sflag:s16], $0x80  }
0x1c0: {  	[sflag:s16] =	ssyncset.done $0x0  }
0x1c1: {  	[sflag:s16] =	ssyncadd.s32 $0xFFFFFF80  }
0x1c2: {  	_ =	swait.ge [sflag:s16], $0x80  }
0x1c3: {  	[sflag:s16] =	ssyncset.done $0x0  }
0x1c4: {  	[sflag:s16] =	ssyncadd.s32 $0xFFFFFF80  }
0x1c5: {  	_ =	swait.ge [sflag:s16], $0x80  }
0x1c6: {  	[sflag:s16] =	ssyncset.done $0x0  }
0x1c7: {  	[sflag:s16] =	ssyncadd.s32 $0xFFFFFF80  }
0x1c8: {  	_ =	swait.ge [sflag:s16], $0x80  }
0x1c9: {  	[sflag:s16] =	ssyncset.done $0x0  }
0x1ca: {  	[sflag:s16] =	ssyncadd.s32 $0xFFFFFF80  }
0x1cb: {  	_ =	swait.ge [sflag:s16], $0x80  }
0x1cc: {  	[sflag:s16] =	ssyncset.done $0x0  }
0x1cd: {  	[sflag:s16] =	ssyncadd.s32 $0xFFFFFF80  }
0x1ce: {  	_ =	swait.ge [sflag:s16], $0x80  }
0x1cf: {  	[sflag:s16] =	ssyncset.done $0x0  }
0x1d0: {  	[sflag:s16] =	ssyncadd.s32 $0xFFFFFF80  }
0x1d1: {  	_ =	swait.ge [sflag:s16], $0x80  }
0x1d2: {  	[sflag:s16] =	ssyncset.done $0x0  }
0x1d3: {  	[sflag:s16] =	ssyncadd.s32 $0xFFFFFF80  }
0x1d4: {  	_ =	swait.ge [sflag:s16], $0x80  }
0x1d5: {  	[sflag:s16] =	ssyncset.done $0x0  }
0x1d6: {  	[sflag:s16] =	ssyncadd.s32 $0xFFFFFF80  }
0x1d7: {  	_ =	swait.ge [sflag:s16], $0x80  }
0x1d8: {  	[sflag:s16] =	ssyncset.done $0x0  }
0x1d9: {  	[sflag:s16] =	ssyncadd.s32 $0xFFFFFF80  }
0x1da: {  	_ =	swait.ge [sflag:s16], $0x80  }
0x1db: {  	[sflag:s16] =	ssyncset.done $0x0  }
0x1dc: {  	[sflag:s16] =	ssyncadd.s32 $0xFFFFFF80  }
0x1dd: {  	_ =	swait.ge [sflag:s16], $0x80  }
0x1de: {  	[sflag:s16] =	ssyncset.done $0x0  }
0x1df: {  	[sflag:s16] =	ssyncadd.s32 $0xFFFFFF80  }
0x1e0: {  	_ =	swait.ge [sflag:s16], $0x80  }
0x1e1: {  	[sflag:s16] =	ssyncset.done $0x0  }
0x1e2: {  	[sflag:s16] =	ssyncadd.s32 $0xFFFFFF80  }
0x1e3: {  	_ =	swait.ge [sflag:s16], $0x80  }
0x1e4: {  	[sflag:s16] =	ssyncset.done $0x0  }
0x1e5: {  	[sflag:s16] =	ssyncadd.s32 $0xFFFFFF80  }
0x1e6: {  	_ =	swait.ge [sflag:s16], $0x80  }
0x1e7: {  	[sflag:s16] =	ssyncset.done $0x0  }
0x1e8: {  	[sflag:s16] =	ssyncadd.s32 $0xFFFFFF80  }
0x1e9: {  	_ =	swait.ge [sflag:s16], $0x80  }
0x1ea: {  	[sflag:s16] =	ssyncset.done $0x0  }
0x1eb: {  	[sflag:s16] =	ssyncadd.s32 $0xFFFFFF80  }
0x1ec: {  	_ =	swait.ge [sflag:s16], $0x80  }
0x1ed: {  	[sflag:s16] =	ssyncset.done $0x0  }
0x1ee: {  	[sflag:s16] =	ssyncadd.s32 $0xFFFFFF80  }
0x1ef: {  	_ =	swait.ge [sflag:s16], $0x80  }
0x1f0: {  	[sflag:s16] =	ssyncset.done $0x0  }
0x1f1: {  	[sflag:s16] =	ssyncadd.s32 $0xFFFFFF80  }
0x1f2: {  	_ =	swait.ge [sflag:s16], $0x80  }
0x1f3: {  	[sflag:s16] =	ssyncset.done $0x0  }
0x1f4: {  	[sflag:s16] =	ssyncadd.s32 $0xFFFFFF80  }
0x1f5: {  	_ =	swait.ge [sflag:s16], $0x80  }
0x1f6: {  	[sflag:s16] =	ssyncset.done $0x0  }
0x1f7: {  	[sflag:s16] =	ssyncadd.s32 $0xFFFFFF80  }
0x1f8: {  	_ =	swait.ge [sflag:s16], $0x80  }
0x1f9: {  	[sflag:s16] =	ssyncset.done $0x0  }
0x1fa: {  	[sflag:s16] =	ssyncadd.s32 $0xFFFFFF80  }
0x1fb: {  	_ =	swait.ge [sflag:s16], $0x80  }
0x1fc: {  	[sflag:s16] =	ssyncset.done $0x0  }
0x1fd: {  	[sflag:s16] =	ssyncadd.s32 $0xFFFFFF80  }
0x1fe: {  	_ =	swait.ge [sflag:s16], $0x80  }
0x1ff: {  	[sflag:s16] =	ssyncset.done $0x0  }
0x200: {  	[sflag:s16] =	ssyncadd.s32 $0xFFFFFF80  }
0x201: {  	_ =	swait.ge [sflag:s16], $0x80  }
0x202: {  	[sflag:s16] =	ssyncset.done $0x0  }
0x203: {  	[sflag:s16] =	ssyncadd.s32 $0xFFFFFF80  }
0x204: {  	_ =	swait.ge [sflag:s16], $0x80  }
0x205: {  	[sflag:s16] =	ssyncset.done $0x0  }
0x206: {  	[sflag:s16] =	ssyncadd.s32 $0xFFFFFF80  }
0x207: {  	[bflag:$0x0] =	sbarrier.arrive $0xFFFF  }
0x208: {  	s5 =	rddreg [dreg:$0x7]  }
0x209: {  	[hbm:s5], [sflag:s0] =	dma.local [spmem:s14], $0x2000  }
0x20a: {  	_ =	swait.ge [sflag:s13], $0x2000  }
0x20b: {  	s3 =	sadd.s32 $0x1, s3;
	s14 =	rddreg [dreg:$0x8]  }
0x20c: {  	p0 =	sne.s32 s3, s14  }
.Ltmp3:
0x20d: {  	_ = 	snop;
	(pc) =	sbr.rel @p0 .LBB2_1-.Ltmp3, $3  }
0x20e: {  	[sflag:s13] =	ssyncset.done $0x0  }
0x20f: {  	[sflag:s13] =	ssyncadd.s32 $0xFFFFE000  }
0x210: {  	[bflag:$0x0] =	sbarrier.arrive $0xFFFF;
	_ =	sdelay $0x1  }
0x211: {  	_ =	sfence.sel $0x180000  }
0x212: {  	[bflag:$0x0] =	sbarrier.arrive $0xFFFF  }
0x213: {  	_ =	strace $0x90000047  }
0x214: {  	s0 =	stileid.u32;
	[bflag:$0x2] =	sbarrier.arrive $0xFFFF  }
0x215: {  	p0 =	sne.s32 s0, $0x0;
	s0 =	rddreg [dreg:$0x3]  }
0x216: {  	s0 =	sadd.s32 @!p0 $0x100000, s0  }
0x217: {  	[sflag:s0] =	ssyncadd.tile.s32 @!p0 $0x1;
	_ =	shalt  }
.Lfunc_end2:
_tile_overlayer_lowered:
.L_overlay_start_2:
0x218: {  	(tag) =	ssettag $0x2  }
0x219: {  	s0 =	rddreg [dreg:$0x0];
	s2 =	stileid.u32  }
0x21a: {  	s1 =	rddreg [dreg:$0x1];
	p0 =	sne.s32 s2, $0x0  }
0x21b: {  	s3 =	rddreg [dreg:$0x2];
	[bflag:$0x3] =	sbarrier.arrive $0xFFFF;
	s2 =	simm.s32 @!p0 $0x1C02  }
0x21c: {  	[timem:s3], [sflag:s2] =	dma.local @!p0 [hbm:s0], s1  }
0x21d: {  	s0 =	simm.s32 @!p0 $0x2  }
0x21e: {  	_ =	swait.ge @!p0 [sflag:s0], s1  }
0x21f: {  	s1 =	ssub.s32 @!p0 $0x0, s1;
	[sflag:s0] =	ssyncset.done @!p0 $0x0  }
0x220: {  	[sflag:s0] =	ssyncadd.s32 @!p0 s1  }
0x221: {  	[bflag:$0x3] =	sbarrier.arrive $0xFFFF  }
0x222: {  	_ =	shalt  }

</sc_bundles>
